<compile_context>
chip_gen: v7x
topology: tpu7x:2x2x1
jax: 0.10.2.dev20260603
libtpu: 0.0.44.dev20260713+nightly
codegen_flags: <defaults>
</compile_context>

<pallas_src>
import functools

import jax
import jax.numpy as jnp
from jax import lax
from jax.experimental import pallas as pl
from jax.experimental.pallas import tpu as pltpu
from jax.experimental.pallas import tpu_sc as plsc

N = 10000
E = 320000
D = 128
H = 256
G = 64

NC = 2
NS = 16
CH = 64
NRING = 4
E_PAD = 327680
NACC = 10240
RPT = NACC // NS

NB = 1000
NBLK = N // NB

_MESH = plsc.VectorSubcoreMesh(core_axis_name="c", subcore_axis_name="s")



NCB = 40


def _make_segsum(nblocks):

  @functools.partial(
      pl.kernel,
      out_type=jax.ShapeDtypeStruct((NC, NACC, D), jnp.float32),
      mesh=_MESH,
      scratch_types=[
          pltpu.VMEM((NCB, CH), jnp.int32),
          pltpu.VMEM((NCB, CH), jnp.int32),
          [pltpu.VMEM((CH, D), jnp.float32) for _ in range(NRING)],
          pltpu.VMEM_SHARED((NACC, D), jnp.float32),
          [pltpu.SemaphoreType.DMA for _ in range(NRING)],
      ],
  )
  def seg(table_hbm, src_hbm, dst_hbm, zeros_hbm, out_hbm,
          srcv, dstv, rows, acc, sems):
    cid = lax.axis_index("c")
    sid = lax.axis_index("s")
    tid = cid * NS + sid
    pltpu.sync_copy(zeros_hbm, acc.at[pl.ds(sid * RPT, RPT)])
    plsc.subcore_barrier()

    def blk(b, carry):
      pltpu.sync_copy(src_hbm.at[tid, pl.ds(b * NCB, NCB)], srcv)
      pltpu.sync_copy(dst_hbm.at[tid, pl.ds(b * NCB, NCB)], dstv)
      for r in range(NRING):
        pltpu.async_copy(table_hbm.at[srcv.at[r]], rows[r], sems[r])

      def ring(i, c):
        g0 = NRING * i
        for r in range(NRING):
          g = g0 + r
          pltpu.make_async_copy(table_hbm.at[pl.ds(0, CH)], rows[r],
                                sems[r]).wait()
          pltpu.sync_copy(rows[r], acc.at[dstv.at[g]], add=True)

          @pl.when(g + NRING < NCB)
          def _():
            pltpu.async_copy(table_hbm.at[srcv.at[g + NRING]], rows[r],
                             sems[r])
        return c

      lax.fori_loop(0, NCB // NRING, ring, 0)
      return carry

    lax.fori_loop(0, nblocks, blk, 0)
    plsc.subcore_barrier()
    pltpu.sync_copy(acc.at[pl.ds(sid * RPT, RPT)],
                    out_hbm.at[cid, pl.ds(sid * RPT, RPT)])

  return seg


_SEG_A = _make_segsum(4)
_SEG_B = _make_segsum(8)


@functools.partial(
    pl.kernel,
    out_type=jax.ShapeDtypeStruct((NC, NACC, D), jnp.float32),
    mesh=_MESH,
    scratch_types=[
        pltpu.VMEM((E_PAD // 32 // CH, CH), jnp.int32),
        pltpu.VMEM((CH, D), jnp.float32),
        pltpu.VMEM_SHARED((NACC, D), jnp.float32),
    ],
)
def _cnt_kernel(dst_hbm, ones_hbm, zeros_hbm, out_hbm, dstv, onesv, acc):
  cid = lax.axis_index("c")
  sid = lax.axis_index("s")
  tid = cid * NS + sid
  pltpu.sync_copy(zeros_hbm, acc.at[pl.ds(sid * RPT, RPT)])
  pltpu.sync_copy(ones_hbm, onesv)
  pltpu.sync_copy(dst_hbm.at[tid], dstv)
  plsc.subcore_barrier()

  def body(g, carry):
    pltpu.sync_copy(onesv, acc.at[dstv.at[g]], add=True)
    return carry

  lax.fori_loop(0, E_PAD // 32 // CH, body, 0)
  plsc.subcore_barrier()
  pltpu.sync_copy(acc.at[pl.ds(sid * RPT, RPT)],
                  out_hbm.at[cid, pl.ds(sid * RPT, RPT)])



def _dot(a, b):
  return jnp.dot(a, b, preferred_element_type=jnp.float32,
                 precision=lax.Precision.HIGHEST)


def _bn_stats(pid, acc, mean, m2):
  bmean = jnp.mean(acc, axis=0, keepdims=True)
  bm2 = jnp.sum((acc - bmean) * (acc - bmean), axis=0, keepdims=True)

  @pl.when(pid == 0)
  def _():
    mean[...] = bmean
    m2[...] = bm2

  @pl.when(pid > 0)
  def _():
    n_a = (pid * NB).astype(jnp.float32)
    frac = NB / (n_a + NB)
    delta = bmean - mean[...]
    mean[...] += delta * frac
    m2[...] += bm2 + delta * delta * (n_a * frac)


def _c0_body(sp, cp, x, wn, wr, bn, pre, mean, m2):
  pid = pl.program_id(0)
  inv = 1.0 / jnp.maximum(cp[0] + cp[1], 1.0)
  s = (sp[0] + sp[1]) * inv
  acc = _dot(s, wn[...]) + _dot(x[...], wr[...]) + bn[...]
  pre[...] = acc
  _bn_stats(pid, acc, mean, m2)


def _c_body(sp, cp, h, wn, wr, bn, pre, mean, m2):
  pid = pl.program_id(0)
  inv = 1.0 / jnp.maximum(cp[0] + cp[1], 1.0)
  w_n = wn[...]
  w_r = wr[...]
  acc = (_dot(sp[0] * inv, w_n[0:D]) + _dot(sp[1] * inv, w_n[D:2 * D])
         + _dot(h[0], w_r[0:D]) + _dot(h[1], w_r[D:2 * D]) + bn[...])
  pre[...] = acc
  _bn_stats(pid, acc, mean, m2)


def _d_body(pre, mean, m2, gamma, beta, h_out):
  mu = mean[...]
  var = m2[...] * (1.0 / N)
  scale = gamma[...] * lax.rsqrt(var + 1e-5)
  shift = beta[...] - mu * scale
  v = jnp.maximum(pre[...] * scale + shift, 0.0)
  h_out[0] = v[:, 0:D]
  h_out[1] = v[:, D:2 * D]


def _pool_body(h, bidx, wc1, bc1, wc2, bc2, out, gacc, ccnt):
  pid = pl.program_id(0)

  @pl.when(pid == 0)
  def _():
    gacc[...] = jnp.zeros_like(gacc)
    ccnt[...] = jnp.zeros_like(ccnt)

  onehot = (lax.broadcasted_iota(jnp.int32, (G, NB), 0)
            == bidx[0]).astype(jnp.float32)
  gacc[:, 0:D] += _dot(onehot, h[0])
  gacc[:, D:2 * D] += _dot(onehot, h[1])
  ccnt[...] += jnp.sum(onehot, axis=1, keepdims=True)

  @pl.when(pid == NBLK - 1)
  def _():
    inv = 1.0 / jnp.maximum(ccnt[...], 1.0)
    g = gacc[...] * jnp.concatenate([inv, inv], axis=1)
    z = jnp.maximum(_dot(g, wc1[...]) + bc1[...], 0.0)
    out[...] = jnp.sum(z * wc2[...], axis=1, keepdims=True) + bc2[...]


def _full(shape):
  return pl.BlockSpec(shape, lambda i: tuple(0 for _ in shape))


def _c0_call(sp, cp, x, wn, wr, bn):
  return pl.pallas_call(
      _c0_body,
      grid=(NBLK,),
      in_specs=[
          pl.BlockSpec((NC, NB, D), lambda i: (0, i, 0)),
          pl.BlockSpec((NC, NB, D), lambda i: (0, i, 0)),
          pl.BlockSpec((NB, D), lambda i: (i, 0)),
          _full((D, H)),
          _full((D, H)),
          _full((1, H)),
      ],
      out_specs=[
          pl.BlockSpec((NB, H), lambda i: (i, 0)),
          _full((1, H)),
          _full((1, H)),
      ],
      out_shape=[
          jax.ShapeDtypeStruct((N, H), jnp.float32),
          jax.ShapeDtypeStruct((1, H), jnp.float32),
          jax.ShapeDtypeStruct((1, H), jnp.float32),
      ],
  )(sp, cp, x, wn, wr, bn)


def _c_call(sp, cp, h, wn, wr, bn):
  return pl.pallas_call(
      _c_body,
      grid=(NBLK,),
      in_specs=[
          pl.BlockSpec((NC, NB, D), lambda i: (0, i, 0)),
          pl.BlockSpec((NC, NB, D), lambda i: (0, i, 0)),
          pl.BlockSpec((NC, NB, D), lambda i: (0, i, 0)),
          _full((H, H)),
          _full((H, H)),
          _full((1, H)),
      ],
      out_specs=[
          pl.BlockSpec((NB, H), lambda i: (i, 0)),
          _full((1, H)),
          _full((1, H)),
      ],
      out_shape=[
          jax.ShapeDtypeStruct((N, H), jnp.float32),
          jax.ShapeDtypeStruct((1, H), jnp.float32),
          jax.ShapeDtypeStruct((1, H), jnp.float32),
      ],
  )(sp, cp, h, wn, wr, bn)


def _d_call(pre, ssum, ssq, gamma, beta):
  return pl.pallas_call(
      _d_body,
      grid=(NBLK,),
      in_specs=[
          pl.BlockSpec((NB, H), lambda i: (i, 0)),
          _full((1, H)),
          _full((1, H)),
          _full((1, H)),
          _full((1, H)),
      ],
      out_specs=pl.BlockSpec((NC, NB, D), lambda i: (0, i, 0)),
      out_shape=jax.ShapeDtypeStruct((NC, N, D), jnp.float32),
  )(pre, ssum, ssq, gamma, beta)


def _pool_call(h, bidx, wc1, bc1, wc2, bc2):
  return pl.pallas_call(
      _pool_body,
      grid=(NBLK,),
      in_specs=[
          pl.BlockSpec((NC, NB, D), lambda i: (0, i, 0)),
          pl.BlockSpec((1, 1, NB), lambda i: (i, 0, 0)),
          _full((H, D)),
          _full((1, D)),
          _full((1, D)),
          _full((1, D)),
      ],
      out_specs=_full((G, D)),
      out_shape=jax.ShapeDtypeStruct((G, D), jnp.float32),
      scratch_shapes=[
          pltpu.VMEM((G, H), jnp.float32),
          pltpu.VMEM((G, D), jnp.float32),
      ],
  )(h, bidx, wc1, bc1, wc2, bc2)



def kernel(x, edge_index, batch, Wn0, bn0, Wr0, gamma0, beta0,
           Wn1, bn1, Wr1, gamma1, beta1, Wn2, bn2, Wr2, gamma2, beta2,
           Wc1, bc1, Wc2, bc2):
  src = edge_index[0]
  dst = edge_index[1]
  pad = E_PAD - E
  srcp = jnp.concatenate([src, jnp.zeros((pad,), jnp.int32)])
  dstp = jnp.concatenate([dst, jnp.full((pad,), N, jnp.int32)])

  nca = E_PAD // 32 // CH
  ncb = E_PAD // NS // CH
  src_a = srcp.reshape(32, nca, CH)
  dst_a = dstp.reshape(32, nca, CH)
  src_b = jnp.stack([srcp, srcp + N]).reshape(NC, NS, ncb, CH).reshape(32, ncb, CH)
  dst_b = jnp.broadcast_to(dstp.reshape(1, NS, ncb, CH),
                           (NC, NS, ncb, CH)).reshape(32, ncb, CH)
  zeros = jnp.zeros((RPT, D), jnp.float32)
  ones = jnp.ones((CH, D), jnp.float32)

  cntp = _cnt_kernel(dst_a, ones, zeros)
  s0p = _SEG_A(x, src_a, dst_a, zeros)

  bn0r = bn0.reshape(1, H)
  pre0, ss0, sq0 = _c0_call(s0p, cntp, x, Wn0, Wr0, bn0r)
  h1 = _d_call(pre0, ss0, sq0, gamma0.reshape(1, H), beta0.reshape(1, H))

  s1 = _SEG_B(h1.reshape(2 * N, D), src_b, dst_b, zeros)
  pre1, ss1, sq1 = _c_call(s1, cntp, h1, Wn1, Wr1, bn1.reshape(1, H))
  h2 = _d_call(pre1, ss1, sq1, gamma1.reshape(1, H), beta1.reshape(1, H))

  s2 = _SEG_B(h2.reshape(2 * N, D), src_b, dst_b, zeros)
  pre2, ss2, sq2 = _c_call(s2, cntp, h2, Wn2, Wr2, bn2.reshape(1, H))
  h3 = _d_call(pre2, ss2, sq2, gamma2.reshape(1, H), beta2.reshape(1, H))

  out128 = _pool_call(h3, batch.reshape(NBLK, 1, NB), Wc1, bc1.reshape(1, D),
                      Wc2.reshape(1, D), jnp.broadcast_to(bc2.reshape(1, 1), (1, D)))
  return out128[:, 0]

# --- scband reference (transcript-rebuilt; emitter-appended) ---
"""Pipeline reference for scband-graph-sage-16870631539213 (READ-ONLY COPY).

The authoritative reference and input builder live on the scoring server;
editing this copy changes nothing except your own understanding.
"""

import jax, jax.numpy as jnp
import numpy as np

N = 10000
E = 320000
D_IN = 128
H = 256
G = 64


def setup_inputs(seed: int = 0):
    key = jax.random.key(seed)
    ks = jax.random.split(key, 24)
    inp = {}
    inp["x"] = jax.random.normal(ks[0], (N, D_IN), dtype=jnp.float32)
    inp["edge_index"] = jax.random.randint(ks[1], (2, E), 0, N, dtype=jnp.int32)
    inp["batch"] = jnp.sort(jax.random.randint(ks[2], (N,), 0, G, dtype=jnp.int32))
    dims = [D_IN, H, H]
    k = 3
    for i in range(3):
        din = dims[i]
        s = 1.0 / np.sqrt(din)
        inp[f"Wn{i}"] = jax.random.normal(ks[k], (din, H), dtype=jnp.float32) * s; k += 1
        inp[f"bn{i}"] = jnp.zeros((H,), dtype=jnp.float32)
        inp[f"Wr{i}"] = jax.random.normal(ks[k], (din, H), dtype=jnp.float32) * s; k += 1
        inp[f"gamma{i}"] = jnp.ones((H,), dtype=jnp.float32)
        inp[f"beta{i}"] = jnp.zeros((H,), dtype=jnp.float32)
    inp["Wc1"] = jax.random.normal(ks[k], (H, H // 2), dtype=jnp.float32) * (1.0 / np.sqrt(H)); k += 1
    inp["bc1"] = jnp.zeros((H // 2,), dtype=jnp.float32)
    inp["Wc2"] = jax.random.normal(ks[k], (H // 2, 1), dtype=jnp.float32) * (1.0 / np.sqrt(H // 2)); k += 1
    inp["bc2"] = jnp.zeros((1,), dtype=jnp.float32)
    return inp


def _sage_forward(x, edge_index, batch, params):
    src = edge_index[0]
    dst = edge_index[1]
    h = x
    for i in range(3):
        Wn, bn_, Wr, gamma, beta = params[i]
        msgs = h[src]
        agg = jax.ops.segment_sum(msgs, dst, num_segments=N)
        cnt = jax.ops.segment_sum(jnp.ones((E,), dtype=h.dtype), dst, num_segments=N)
        agg = agg / jnp.maximum(cnt, 1.0)[:, None]
        h = agg @ Wn + bn_ + h @ Wr
        mu = h.mean(axis=0)
        var = h.var(axis=0)
        h = (h - mu) / jnp.sqrt(var + 1e-5) * gamma + beta
        h = jax.nn.relu(h)
    gsum = jax.ops.segment_sum(h, batch, num_segments=G)
    gcnt = jax.ops.segment_sum(jnp.ones((N,), dtype=h.dtype), batch, num_segments=G)
    g = gsum / jnp.maximum(gcnt, 1.0)[:, None]
    Wc1, bc1, Wc2, bc2 = params[3]
    out = jax.nn.relu(g @ Wc1 + bc1) @ Wc2 + bc2
    return out.squeeze(-1)


def reference(x, edge_index, batch, Wn0, bn0, Wr0, gamma0, beta0, Wn1, bn1, Wr1, gamma1, beta1, Wn2, bn2, Wr2, gamma2, beta2, Wc1, bc1, Wc2, bc2):
    params = [
        (Wn0, bn0, Wr0, gamma0, beta0),
        (Wn1, bn1, Wr1, gamma1, beta1),
        (Wn2, bn2, Wr2, gamma2, beta2),
        (Wc1, bc1, Wc2, bc2),
    ]
    return _sage_forward(x, edge_index, batch, params)

if __name__ == "__main__":
    import jax
    _d = setup_inputs()
    print(jax.jit(kernel)(*tuple(_d.values())))

</pallas_src>

<mosaic_0001>
#map = affine_map<(d0, d1) -> (0, 0)>
#map1 = affine_map<(d0, d1) -> (0, 0, 0)>
module attributes {stable_mosaic.version = 14 : i64} {
  func.func @seg(%arg0: i32, %arg1: i32, %arg2: memref<20000x128xf32, #tpu.memory_space<hbm>>, %arg3: memref<32x320x64xi32, #tpu.memory_space<hbm>>, %arg4: memref<32x320x64xi32, #tpu.memory_space<hbm>>, %arg5: memref<640x128xf32, #tpu.memory_space<hbm>>, %arg6: memref<2x10240x128xf32, #tpu.memory_space<hbm>>, %arg7: memref<40x64xi32, #tpu.memory_space<vmem>>, %arg8: memref<40x64xi32, #tpu.memory_space<vmem>>, %arg9: memref<64x128xf32, #tpu.memory_space<vmem>>, %arg10: memref<64x128xf32, #tpu.memory_space<vmem>>, %arg11: memref<64x128xf32, #tpu.memory_space<vmem>>, %arg12: memref<64x128xf32, #tpu.memory_space<vmem>>, %arg13: memref<10240x128xf32, #tpu.memory_space<vmem_shared>>, %arg14: memref<!tpu.dma_semaphore, #tpu.memory_space<semaphore_mem>>, %arg15: memref<!tpu.dma_semaphore, #tpu.memory_space<semaphore_mem>>, %arg16: memref<!tpu.dma_semaphore, #tpu.memory_space<semaphore_mem>>, %arg17: memref<!tpu.dma_semaphore, #tpu.memory_space<semaphore_mem>>) attributes {dimension_semantics = [#tpu.dimension_semantics<core_parallel>, #tpu.dimension_semantics<subcore_parallel>], iteration_bounds = array<i64: 2, 16>, scalar_prefetch = 0 : i64, scratch_operands = 11 : i64, tpu.core_type = #tpu.core_type<sc_vector_subcore>, window_params = [{transform_indices = #map}, {transform_indices = #map1}, {transform_indices = #map1}, {transform_indices = #map}, {transform_indices = #map1}]} {
    %mul3A = arith.constant 16 : i32
    %mul3A_0 = arith.muli %arg0, %mul3A : i32
    %add3A = arith.addi %mul3A_0, %arg1 : i32
    %mul3A_1 = arith.constant 640 : i32
    %mul3A_2 = arith.muli %arg1, %mul3A_1 : i32
    "tpu.region"() ({
      %run_scoped3A = tpu.sem_alloc : memref<!tpu.dma_semaphore, #tpu.memory_space<semaphore_mem>>
      %dma_start3A = arith.constant 0 : i32
      %dma_start3A_13 = tpu.memref_slice %arg13[%mul3A_2, %dma_start3A] : memref<10240x128xf32, #tpu.memory_space<vmem_shared>> -> memref<640x128xf32, #tpu.memory_space<vmem_shared>>
      tpu.enqueue_dma source(%arg5 : memref<640x128xf32, #tpu.memory_space<hbm>>) target(%dma_start3A_13 : memref<640x128xf32, #tpu.memory_space<vmem_shared>>) target_semaphore(%run_scoped3A : memref<!tpu.dma_semaphore, #tpu.memory_space<semaphore_mem>>)
      %dma_wait3A = arith.constant 0 : i32
      %dma_wait3A_14 = tpu.memref_slice %arg13[%mul3A_2, %dma_wait3A] : memref<10240x128xf32, #tpu.memory_space<vmem_shared>> -> memref<640x128xf32, #tpu.memory_space<vmem_shared>>
      tpu.wait_dma2 semaphore(%run_scoped3A : memref<!tpu.dma_semaphore, #tpu.memory_space<semaphore_mem>>) src(%arg5 : memref<640x128xf32, #tpu.memory_space<hbm>>) dst(%dma_wait3A_14 : memref<640x128xf32, #tpu.memory_space<vmem_shared>>)
      tpu.yield
    }) : () -> ()
    %barrier3A = arith.constant 0 : index
    tpu.barrier barrier_id(%barrier3A)
    %scan3A = arith.constant 0 : i32
    %scan3A_3 = arith.constant 0 : i32
    %scan3A_4 = arith.constant 8 : i32
    %scan3A_5 = arith.addi %scan3A_3, %scan3A_4 : i32
    %scan3A_6 = arith.constant 1 : i32
    scf.for %scan3A_13 = %scan3A_3 to %scan3A_5 step %scan3A_6  : i32 {
      %mul3A_14 = arith.constant 40 : i32
      %mul3A_15 = arith.muli %scan3A_13, %mul3A_14 : i32
      "tpu.region"() ({
        %run_scoped3A = tpu.sem_alloc : memref<!tpu.dma_semaphore, #tpu.memory_space<semaphore_mem>>
        %dma_start3A_51 = arith.constant 0 : i32
        %dma_start3A_52 = tpu.memref_slice %arg3[%add3A, %mul3A_15, %dma_start3A_51] : memref<32x320x64xi32, #tpu.memory_space<hbm>> -> memref<1x40x64xi32, #tpu.memory_space<hbm>>
        %dma_start3A_53 = tpu.memref_squeeze %dma_start3A_52 : memref<1x40x64xi32, #tpu.memory_space<hbm>> -> memref<40x64xi32, #tpu.memory_space<hbm>>
        %dma_start3A_54 = arith.constant 0 : i32
        %dma_start3A_55 = tpu.memref_slice %arg3[%add3A, %mul3A_15, %dma_start3A_54] : memref<32x320x64xi32, #tpu.memory_space<hbm>> -> memref<1x40x64xi32, #tpu.memory_space<hbm>>
        %dma_start3A_56 = tpu.memref_squeeze %dma_start3A_55 : memref<1x40x64xi32, #tpu.memory_space<hbm>> -> memref<40x64xi32, #tpu.memory_space<hbm>>
        tpu.enqueue_dma source(%dma_start3A_56 : memref<40x64xi32, #tpu.memory_space<hbm>>) target(%arg7 : memref<40x64xi32, #tpu.memory_space<vmem>>) target_semaphore(%run_scoped3A : memref<!tpu.dma_semaphore, #tpu.memory_space<semaphore_mem>>)
        %dma_wait3A = arith.constant 0 : i32
        %dma_wait3A_57 = tpu.memref_slice %arg3[%add3A, %mul3A_15, %dma_wait3A] : memref<32x320x64xi32, #tpu.memory_space<hbm>> -> memref<1x40x64xi32, #tpu.memory_space<hbm>>
        %dma_wait3A_58 = tpu.memref_squeeze %dma_wait3A_57 : memref<1x40x64xi32, #tpu.memory_space<hbm>> -> memref<40x64xi32, #tpu.memory_space<hbm>>
        %dma_wait3A_59 = arith.constant 0 : i32
        %dma_wait3A_60 = tpu.memref_slice %arg3[%add3A, %mul3A_15, %dma_wait3A_59] : memref<32x320x64xi32, #tpu.memory_space<hbm>> -> memref<1x40x64xi32, #tpu.memory_space<hbm>>
        %dma_wait3A_61 = tpu.memref_squeeze %dma_wait3A_60 : memref<1x40x64xi32, #tpu.memory_space<hbm>> -> memref<40x64xi32, #tpu.memory_space<hbm>>
        tpu.wait_dma2 semaphore(%run_scoped3A : memref<!tpu.dma_semaphore, #tpu.memory_space<semaphore_mem>>) src(%dma_wait3A_61 : memref<40x64xi32, #tpu.memory_space<hbm>>) dst(%arg7 : memref<40x64xi32, #tpu.memory_space<vmem>>)
        tpu.yield
      }) : () -> ()
      %mul3A_16 = arith.constant 40 : i32
      %mul3A_17 = arith.muli %scan3A_13, %mul3A_16 : i32
      "tpu.region"() ({
        %run_scoped3A = tpu.sem_alloc : memref<!tpu.dma_semaphore, #tpu.memory_space<semaphore_mem>>
        %dma_start3A_51 = arith.constant 0 : i32
        %dma_start3A_52 = tpu.memref_slice %arg4[%add3A, %mul3A_17, %dma_start3A_51] : memref<32x320x64xi32, #tpu.memory_space<hbm>> -> memref<1x40x64xi32, #tpu.memory_space<hbm>>
        %dma_start3A_53 = tpu.memref_squeeze %dma_start3A_52 : memref<1x40x64xi32, #tpu.memory_space<hbm>> -> memref<40x64xi32, #tpu.memory_space<hbm>>
        %dma_start3A_54 = arith.constant 0 : i32
        %dma_start3A_55 = tpu.memref_slice %arg4[%add3A, %mul3A_17, %dma_start3A_54] : memref<32x320x64xi32, #tpu.memory_space<hbm>> -> memref<1x40x64xi32, #tpu.memory_space<hbm>>
        %dma_start3A_56 = tpu.memref_squeeze %dma_start3A_55 : memref<1x40x64xi32, #tpu.memory_space<hbm>> -> memref<40x64xi32, #tpu.memory_space<hbm>>
        tpu.enqueue_dma source(%dma_start3A_56 : memref<40x64xi32, #tpu.memory_space<hbm>>) target(%arg8 : memref<40x64xi32, #tpu.memory_space<vmem>>) target_semaphore(%run_scoped3A : memref<!tpu.dma_semaphore, #tpu.memory_space<semaphore_mem>>)
        %dma_wait3A = arith.constant 0 : i32
        %dma_wait3A_57 = tpu.memref_slice %arg4[%add3A, %mul3A_17, %dma_wait3A] : memref<32x320x64xi32, #tpu.memory_space<hbm>> -> memref<1x40x64xi32, #tpu.memory_space<hbm>>
        %dma_wait3A_58 = tpu.memref_squeeze %dma_wait3A_57 : memref<1x40x64xi32, #tpu.memory_space<hbm>> -> memref<40x64xi32, #tpu.memory_space<hbm>>
        %dma_wait3A_59 = arith.constant 0 : i32
        %dma_wait3A_60 = tpu.memref_slice %arg4[%add3A, %mul3A_17, %dma_wait3A_59] : memref<32x320x64xi32, #tpu.memory_space<hbm>> -> memref<1x40x64xi32, #tpu.memory_space<hbm>>
        %dma_wait3A_61 = tpu.memref_squeeze %dma_wait3A_60 : memref<1x40x64xi32, #tpu.memory_space<hbm>> -> memref<40x64xi32, #tpu.memory_space<hbm>>
        tpu.wait_dma2 semaphore(%run_scoped3A : memref<!tpu.dma_semaphore, #tpu.memory_space<semaphore_mem>>) src(%dma_wait3A_61 : memref<40x64xi32, #tpu.memory_space<hbm>>) dst(%arg8 : memref<40x64xi32, #tpu.memory_space<vmem>>)
        tpu.yield
      }) : () -> ()
      %dma_start3A = arith.constant 0 : i32
      %dma_start3A_18 = arith.constant 0 : i32
      %dma_start3A_19 = tpu.memref_slice %arg7[%dma_start3A, %dma_start3A_18] : memref<40x64xi32, #tpu.memory_space<vmem>> -> memref<1x64xi32, #tpu.memory_space<vmem>>
      %dma_start3A_20 = tpu.memref_squeeze %dma_start3A_19 : memref<1x64xi32, #tpu.memory_space<vmem>> -> memref<64xi32, #tpu.memory_space<vmem>>
      %dma_start3A_21 = arith.constant 0 : i32
      %dma_start3A_22 = arith.constant 0 : i32
      %dma_start3A_23 = tpu.memref_slice %arg2[%dma_start3A_21, %dma_start3A_22] : memref<20000x128xf32, #tpu.memory_space<hbm>> -> memref<20000x128xf32, #tpu.memory_space<hbm>>
      tpu.enqueue_indirect_dma source(%dma_start3A_23 : memref<20000x128xf32, #tpu.memory_space<hbm>>) target(%arg9 : memref<64x128xf32, #tpu.memory_space<vmem>>) offsets(%dma_start3A_20 : memref<64xi32, #tpu.memory_space<vmem>>) semaphore(%arg14 : memref<!tpu.dma_semaphore, #tpu.memory_space<semaphore_mem>>)
      %dma_start3A_24 = arith.constant 1 : i32
      %dma_start3A_25 = arith.constant 0 : i32
      %dma_start3A_26 = tpu.memref_slice %arg7[%dma_start3A_24, %dma_start3A_25] : memref<40x64xi32, #tpu.memory_space<vmem>> -> memref<1x64xi32, #tpu.memory_space<vmem>>
      %dma_start3A_27 = tpu.memref_squeeze %dma_start3A_26 : memref<1x64xi32, #tpu.memory_space<vmem>> -> memref<64xi32, #tpu.memory_space<vmem>>
      %dma_start3A_28 = arith.constant 0 : i32
      %dma_start3A_29 = arith.constant 0 : i32
      %dma_start3A_30 = tpu.memref_slice %arg2[%dma_start3A_28, %dma_start3A_29] : memref<20000x128xf32, #tpu.memory_space<hbm>> -> memref<20000x128xf32, #tpu.memory_space<hbm>>
      tpu.enqueue_indirect_dma source(%dma_start3A_30 : memref<20000x128xf32, #tpu.memory_space<hbm>>) target(%arg10 : memref<64x128xf32, #tpu.memory_space<vmem>>) offsets(%dma_start3A_27 : memref<64xi32, #tpu.memory_space<vmem>>) semaphore(%arg15 : memref<!tpu.dma_semaphore, #tpu.memory_space<semaphore_mem>>)
      %dma_start3A_31 = arith.constant 2 : i32
      %dma_start3A_32 = arith.constant 0 : i32
      %dma_start3A_33 = tpu.memref_slice %arg7[%dma_start3A_31, %dma_start3A_32] : memref<40x64xi32, #tpu.memory_space<vmem>> -> memref<1x64xi32, #tpu.memory_space<vmem>>
      %dma_start3A_34 = tpu.memref_squeeze %dma_start3A_33 : memref<1x64xi32, #tpu.memory_space<vmem>> -> memref<64xi32, #tpu.memory_space<vmem>>
      %dma_start3A_35 = arith.constant 0 : i32
      %dma_start3A_36 = arith.constant 0 : i32
      %dma_start3A_37 = tpu.memref_slice %arg2[%dma_start3A_35, %dma_start3A_36] : memref<20000x128xf32, #tpu.memory_space<hbm>> -> memref<20000x128xf32, #tpu.memory_space<hbm>>
      tpu.enqueue_indirect_dma source(%dma_start3A_37 : memref<20000x128xf32, #tpu.memory_space<hbm>>) target(%arg11 : memref<64x128xf32, #tpu.memory_space<vmem>>) offsets(%dma_start3A_34 : memref<64xi32, #tpu.memory_space<vmem>>) semaphore(%arg16 : memref<!tpu.dma_semaphore, #tpu.memory_space<semaphore_mem>>)
      %dma_start3A_38 = arith.constant 3 : i32
      %dma_start3A_39 = arith.constant 0 : i32
      %dma_start3A_40 = tpu.memref_slice %arg7[%dma_start3A_38, %dma_start3A_39] : memref<40x64xi32, #tpu.memory_space<vmem>> -> memref<1x64xi32, #tpu.memory_space<vmem>>
      %dma_start3A_41 = tpu.memref_squeeze %dma_start3A_40 : memref<1x64xi32, #tpu.memory_space<vmem>> -> memref<64xi32, #tpu.memory_space<vmem>>
      %dma_start3A_42 = arith.constant 0 : i32
      %dma_start3A_43 = arith.constant 0 : i32
      %dma_start3A_44 = tpu.memref_slice %arg2[%dma_start3A_42, %dma_start3A_43] : memref<20000x128xf32, #tpu.memory_space<hbm>> -> memref<20000x128xf32, #tpu.memory_space<hbm>>
      tpu.enqueue_indirect_dma source(%dma_start3A_44 : memref<20000x128xf32, #tpu.memory_space<hbm>>) target(%arg12 : memref<64x128xf32, #tpu.memory_space<vmem>>) offsets(%dma_start3A_41 : memref<64xi32, #tpu.memory_space<vmem>>) semaphore(%arg17 : memref<!tpu.dma_semaphore, #tpu.memory_space<semaphore_mem>>)
      %scan3A_45 = arith.constant 0 : i32
      %scan3A_46 = arith.constant 0 : i32
      %scan3A_47 = arith.constant 10 : i32
      %scan3A_48 = arith.addi %scan3A_46, %scan3A_47 : i32
      %scan3A_49 = arith.constant 1 : i32
      scf.for %scan3A_51 = %scan3A_46 to %scan3A_48 step %scan3A_49  : i32 {
        %mul3A_52 = arith.constant 4 : i32
        %mul3A_53 = arith.muli %mul3A_52, %scan3A_51 : i32
        %add3A_54 = arith.constant 0 : i32
        %add3A_55 = arith.addi %mul3A_53, %add3A_54 : i32
        %dma_wait3A = arith.constant 0 : i32
        %dma_wait3A_56 = arith.constant 0 : i32
        %dma_wait3A_57 = tpu.memref_slice %arg2[%dma_wait3A, %dma_wait3A_56] : memref<20000x128xf32, #tpu.memory_space<hbm>> -> memref<64x128xf32, #tpu.memory_space<hbm>>
        %dma_wait3A_58 = arith.constant 0 : i32
        %dma_wait3A_59 = arith.constant 0 : i32
        %dma_wait3A_60 = tpu.memref_slice %arg2[%dma_wait3A_58, %dma_wait3A_59] : memref<20000x128xf32, #tpu.memory_space<hbm>> -> memref<64x128xf32, #tpu.memory_space<hbm>>
        tpu.wait_dma2 semaphore(%arg14 : memref<!tpu.dma_semaphore, #tpu.memory_space<semaphore_mem>>) src(%dma_wait3A_60 : memref<64x128xf32, #tpu.memory_space<hbm>>) dst(%arg9 : memref<64x128xf32, #tpu.memory_space<vmem>>)
        "tpu.region"() ({
          %run_scoped3A = tpu.sem_alloc : memref<!tpu.dma_semaphore, #tpu.memory_space<semaphore_mem>>
          %dma_start3A_110 = arith.constant 0 : i32
          %dma_start3A_111 = tpu.memref_slice %arg8[%add3A_55, %dma_start3A_110] : memref<40x64xi32, #tpu.memory_space<vmem>> -> memref<1x64xi32, #tpu.memory_space<vmem>>
          %dma_start3A_112 = tpu.memref_squeeze %dma_start3A_111 : memref<1x64xi32, #tpu.memory_space<vmem>> -> memref<64xi32, #tpu.memory_space<vmem>>
          %dma_start3A_113 = arith.constant 0 : i32
          %dma_start3A_114 = arith.constant 0 : i32
          %dma_start3A_115 = tpu.memref_slice %arg13[%dma_start3A_113, %dma_start3A_114] : memref<10240x128xf32, #tpu.memory_space<vmem_shared>> -> memref<10240x128xf32, #tpu.memory_space<vmem_shared>>
          tpu.enqueue_indirect_dma source(%arg9 : memref<64x128xf32, #tpu.memory_space<vmem>>) target(%dma_start3A_115 : memref<10240x128xf32, #tpu.memory_space<vmem_shared>>) offsets(%dma_start3A_112 : memref<64xi32, #tpu.memory_space<vmem>>) semaphore(%run_scoped3A : memref<!tpu.dma_semaphore, #tpu.memory_space<semaphore_mem>>) {add = true}
          %dma_wait3A_116 = arith.constant 0 : i32
          %dma_wait3A_117 = tpu.memref_slice %arg8[%add3A_55, %dma_wait3A_116] : memref<40x64xi32, #tpu.memory_space<vmem>> -> memref<1x64xi32, #tpu.memory_space<vmem>>
          %dma_wait3A_118 = tpu.memref_squeeze %dma_wait3A_117 : memref<1x64xi32, #tpu.memory_space<vmem>> -> memref<64xi32, #tpu.memory_space<vmem>>
          %dma_wait3A_119 = arith.constant 0 : i32
          %dma_wait3A_120 = arith.constant 0 : i32
          %dma_wait3A_121 = tpu.memref_slice %arg13[%dma_wait3A_119, %dma_wait3A_120] : memref<10240x128xf32, #tpu.memory_space<vmem_shared>> -> memref<10240x128xf32, #tpu.memory_space<vmem_shared>>
          tpu.wait_indirect_dma semaphore(%run_scoped3A : memref<!tpu.dma_semaphore, #tpu.memory_space<semaphore_mem>>) src(%arg9 : memref<64x128xf32, #tpu.memory_space<vmem>>) dst(%dma_wait3A_121 : memref<10240x128xf32, #tpu.memory_space<vmem_shared>>)
          tpu.yield
        }) : () -> ()
        %add3A_61 = arith.constant 4 : i32
        %add3A_62 = arith.addi %add3A_55, %add3A_61 : i32
        %lt3A = arith.constant 40 : i32
        %lt3A_63 = arith.cmpi slt, %add3A_62, %lt3A : i32
        %convert_element_type3A = arith.extui %lt3A_63 : i1 to i32
        %cond3A = arith.constant 0 : i32
        %cond3A_64 = arith.cmpi ne, %convert_element_type3A, %cond3A : i32
        scf.if %cond3A_64 {
          %add3A_110 = arith.constant 4 : i32
          %add3A_111 = arith.addi %add3A_55, %add3A_110 : i32
          %dma_start3A_112 = arith.constant 0 : i32
          %dma_start3A_113 = tpu.memref_slice %arg7[%add3A_111, %dma_start3A_112] : memref<40x64xi32, #tpu.memory_space<vmem>> -> memref<1x64xi32, #tpu.memory_space<vmem>>
          %dma_start3A_114 = tpu.memref_squeeze %dma_start3A_113 : memref<1x64xi32, #tpu.memory_space<vmem>> -> memref<64xi32, #tpu.memory_space<vmem>>
          %dma_start3A_115 = arith.constant 0 : i32
          %dma_start3A_116 = arith.constant 0 : i32
          %dma_start3A_117 = tpu.memref_slice %arg2[%dma_start3A_115, %dma_start3A_116] : memref<20000x128xf32, #tpu.memory_space<hbm>> -> memref<20000x128xf32, #tpu.memory_space<hbm>>
          tpu.enqueue_indirect_dma source(%dma_start3A_117 : memref<20000x128xf32, #tpu.memory_space<hbm>>) target(%arg9 : memref<64x128xf32, #tpu.memory_space<vmem>>) offsets(%dma_start3A_114 : memref<64xi32, #tpu.memory_space<vmem>>) semaphore(%arg14 : memref<!tpu.dma_semaphore, #tpu.memory_space<semaphore_mem>>)
        } else {
        }
        %add3A_65 = arith.constant 1 : i32
        %add3A_66 = arith.addi %mul3A_53, %add3A_65 : i32
        %dma_wait3A_67 = arith.constant 0 : i32
        %dma_wait3A_68 = arith.constant 0 : i32
        %dma_wait3A_69 = tpu.memref_slice %arg2[%dma_wait3A_67, %dma_wait3A_68] : memref<20000x128xf32, #tpu.memory_space<hbm>> -> memref<64x128xf32, #tpu.memory_space<hbm>>
        %dma_wait3A_70 = arith.constant 0 : i32
        %dma_wait3A_71 = arith.constant 0 : i32
        %dma_wait3A_72 = tpu.memref_slice %arg2[%dma_wait3A_70, %dma_wait3A_71] : memref<20000x128xf32, #tpu.memory_space<hbm>> -> memref<64x128xf32, #tpu.memory_space<hbm>>
        tpu.wait_dma2 semaphore(%arg15 : memref<!tpu.dma_semaphore, #tpu.memory_space<semaphore_mem>>) src(%dma_wait3A_72 : memref<64x128xf32, #tpu.memory_space<hbm>>) dst(%arg10 : memref<64x128xf32, #tpu.memory_space<vmem>>)
        "tpu.region"() ({
          %run_scoped3A = tpu.sem_alloc : memref<!tpu.dma_semaphore, #tpu.memory_space<semaphore_mem>>
          %dma_start3A_110 = arith.constant 0 : i32
          %dma_start3A_111 = tpu.memref_slice %arg8[%add3A_66, %dma_start3A_110] : memref<40x64xi32, #tpu.memory_space<vmem>> -> memref<1x64xi32, #tpu.memory_space<vmem>>
          %dma_start3A_112 = tpu.memref_squeeze %dma_start3A_111 : memref<1x64xi32, #tpu.memory_space<vmem>> -> memref<64xi32, #tpu.memory_space<vmem>>
          %dma_start3A_113 = arith.constant 0 : i32
          %dma_start3A_114 = arith.constant 0 : i32
          %dma_start3A_115 = tpu.memref_slice %arg13[%dma_start3A_113, %dma_start3A_114] : memref<10240x128xf32, #tpu.memory_space<vmem_shared>> -> memref<10240x128xf32, #tpu.memory_space<vmem_shared>>
          tpu.enqueue_indirect_dma source(%arg10 : memref<64x128xf32, #tpu.memory_space<vmem>>) target(%dma_start3A_115 : memref<10240x128xf32, #tpu.memory_space<vmem_shared>>) offsets(%dma_start3A_112 : memref<64xi32, #tpu.memory_space<vmem>>) semaphore(%run_scoped3A : memref<!tpu.dma_semaphore, #tpu.memory_space<semaphore_mem>>) {add = true}
          %dma_wait3A_116 = arith.constant 0 : i32
          %dma_wait3A_117 = tpu.memref_slice %arg8[%add3A_66, %dma_wait3A_116] : memref<40x64xi32, #tpu.memory_space<vmem>> -> memref<1x64xi32, #tpu.memory_space<vmem>>
          %dma_wait3A_118 = tpu.memref_squeeze %dma_wait3A_117 : memref<1x64xi32, #tpu.memory_space<vmem>> -> memref<64xi32, #tpu.memory_space<vmem>>
          %dma_wait3A_119 = arith.constant 0 : i32
          %dma_wait3A_120 = arith.constant 0 : i32
          %dma_wait3A_121 = tpu.memref_slice %arg13[%dma_wait3A_119, %dma_wait3A_120] : memref<10240x128xf32, #tpu.memory_space<vmem_shared>> -> memref<10240x128xf32, #tpu.memory_space<vmem_shared>>
          tpu.wait_indirect_dma semaphore(%run_scoped3A : memref<!tpu.dma_semaphore, #tpu.memory_space<semaphore_mem>>) src(%arg10 : memref<64x128xf32, #tpu.memory_space<vmem>>) dst(%dma_wait3A_121 : memref<10240x128xf32, #tpu.memory_space<vmem_shared>>)
          tpu.yield
        }) : () -> ()
        %add3A_73 = arith.constant 4 : i32
        %add3A_74 = arith.addi %add3A_66, %add3A_73 : i32
        %lt3A_75 = arith.constant 40 : i32
        %lt3A_76 = arith.cmpi slt, %add3A_74, %lt3A_75 : i32
        %convert_element_type3A_77 = arith.extui %lt3A_76 : i1 to i32
        %cond3A_78 = arith.constant 0 : i32
        %cond3A_79 = arith.cmpi ne, %convert_element_type3A_77, %cond3A_78 : i32
        scf.if %cond3A_79 {
          %add3A_110 = arith.constant 4 : i32
          %add3A_111 = arith.addi %add3A_66, %add3A_110 : i32
          %dma_start3A_112 = arith.constant 0 : i32
          %dma_start3A_113 = tpu.memref_slice %arg7[%add3A_111, %dma_start3A_112] : memref<40x64xi32, #tpu.memory_space<vmem>> -> memref<1x64xi32, #tpu.memory_space<vmem>>
          %dma_start3A_114 = tpu.memref_squeeze %dma_start3A_113 : memref<1x64xi32, #tpu.memory_space<vmem>> -> memref<64xi32, #tpu.memory_space<vmem>>
          %dma_start3A_115 = arith.constant 0 : i32
          %dma_start3A_116 = arith.constant 0 : i32
          %dma_start3A_117 = tpu.memref_slice %arg2[%dma_start3A_115, %dma_start3A_116] : memref<20000x128xf32, #tpu.memory_space<hbm>> -> memref<20000x128xf32, #tpu.memory_space<hbm>>
          tpu.enqueue_indirect_dma source(%dma_start3A_117 : memref<20000x128xf32, #tpu.memory_space<hbm>>) target(%arg10 : memref<64x128xf32, #tpu.memory_space<vmem>>) offsets(%dma_start3A_114 : memref<64xi32, #tpu.memory_space<vmem>>) semaphore(%arg15 : memref<!tpu.dma_semaphore, #tpu.memory_space<semaphore_mem>>)
        } else {
        }
        %add3A_80 = arith.constant 2 : i32
        %add3A_81 = arith.addi %mul3A_53, %add3A_80 : i32
        %dma_wait3A_82 = arith.constant 0 : i32
        %dma_wait3A_83 = arith.constant 0 : i32
        %dma_wait3A_84 = tpu.memref_slice %arg2[%dma_wait3A_82, %dma_wait3A_83] : memref<20000x128xf32, #tpu.memory_space<hbm>> -> memref<64x128xf32, #tpu.memory_space<hbm>>
        %dma_wait3A_85 = arith.constant 0 : i32
        %dma_wait3A_86 = arith.constant 0 : i32
        %dma_wait3A_87 = tpu.memref_slice %arg2[%dma_wait3A_85, %dma_wait3A_86] : memref<20000x128xf32, #tpu.memory_space<hbm>> -> memref<64x128xf32, #tpu.memory_space<hbm>>
        tpu.wait_dma2 semaphore(%arg16 : memref<!tpu.dma_semaphore, #tpu.memory_space<semaphore_mem>>) src(%dma_wait3A_87 : memref<64x128xf32, #tpu.memory_space<hbm>>) dst(%arg11 : memref<64x128xf32, #tpu.memory_space<vmem>>)
        "tpu.region"() ({
          %run_scoped3A = tpu.sem_alloc : memref<!tpu.dma_semaphore, #tpu.memory_space<semaphore_mem>>
          %dma_start3A_110 = arith.constant 0 : i32
          %dma_start3A_111 = tpu.memref_slice %arg8[%add3A_81, %dma_start3A_110] : memref<40x64xi32, #tpu.memory_space<vmem>> -> memref<1x64xi32, #tpu.memory_space<vmem>>
          %dma_start3A_112 = tpu.memref_squeeze %dma_start3A_111 : memref<1x64xi32, #tpu.memory_space<vmem>> -> memref<64xi32, #tpu.memory_space<vmem>>
          %dma_start3A_113 = arith.constant 0 : i32
          %dma_start3A_114 = arith.constant 0 : i32
          %dma_start3A_115 = tpu.memref_slice %arg13[%dma_start3A_113, %dma_start3A_114] : memref<10240x128xf32, #tpu.memory_space<vmem_shared>> -> memref<10240x128xf32, #tpu.memory_space<vmem_shared>>
          tpu.enqueue_indirect_dma source(%arg11 : memref<64x128xf32, #tpu.memory_space<vmem>>) target(%dma_start3A_115 : memref<10240x128xf32, #tpu.memory_space<vmem_shared>>) offsets(%dma_start3A_112 : memref<64xi32, #tpu.memory_space<vmem>>) semaphore(%run_scoped3A : memref<!tpu.dma_semaphore, #tpu.memory_space<semaphore_mem>>) {add = true}
          %dma_wait3A_116 = arith.constant 0 : i32
          %dma_wait3A_117 = tpu.memref_slice %arg8[%add3A_81, %dma_wait3A_116] : memref<40x64xi32, #tpu.memory_space<vmem>> -> memref<1x64xi32, #tpu.memory_space<vmem>>
          %dma_wait3A_118 = tpu.memref_squeeze %dma_wait3A_117 : memref<1x64xi32, #tpu.memory_space<vmem>> -> memref<64xi32, #tpu.memory_space<vmem>>
          %dma_wait3A_119 = arith.constant 0 : i32
          %dma_wait3A_120 = arith.constant 0 : i32
          %dma_wait3A_121 = tpu.memref_slice %arg13[%dma_wait3A_119, %dma_wait3A_120] : memref<10240x128xf32, #tpu.memory_space<vmem_shared>> -> memref<10240x128xf32, #tpu.memory_space<vmem_shared>>
          tpu.wait_indirect_dma semaphore(%run_scoped3A : memref<!tpu.dma_semaphore, #tpu.memory_space<semaphore_mem>>) src(%arg11 : memref<64x128xf32, #tpu.memory_space<vmem>>) dst(%dma_wait3A_121 : memref<10240x128xf32, #tpu.memory_space<vmem_shared>>)
          tpu.yield
        }) : () -> ()
        %add3A_88 = arith.constant 4 : i32
        %add3A_89 = arith.addi %add3A_81, %add3A_88 : i32
        %lt3A_90 = arith.constant 40 : i32
        %lt3A_91 = arith.cmpi slt, %add3A_89, %lt3A_90 : i32
        %convert_element_type3A_92 = arith.extui %lt3A_91 : i1 to i32
        %cond3A_93 = arith.constant 0 : i32
        %cond3A_94 = arith.cmpi ne, %convert_element_type3A_92, %cond3A_93 : i32
        scf.if %cond3A_94 {
          %add3A_110 = arith.constant 4 : i32
          %add3A_111 = arith.addi %add3A_81, %add3A_110 : i32
          %dma_start3A_112 = arith.constant 0 : i32
          %dma_start3A_113 = tpu.memref_slice %arg7[%add3A_111, %dma_start3A_112] : memref<40x64xi32, #tpu.memory_space<vmem>> -> memref<1x64xi32, #tpu.memory_space<vmem>>
          %dma_start3A_114 = tpu.memref_squeeze %dma_start3A_113 : memref<1x64xi32, #tpu.memory_space<vmem>> -> memref<64xi32, #tpu.memory_space<vmem>>
          %dma_start3A_115 = arith.constant 0 : i32
          %dma_start3A_116 = arith.constant 0 : i32
          %dma_start3A_117 = tpu.memref_slice %arg2[%dma_start3A_115, %dma_start3A_116] : memref<20000x128xf32, #tpu.memory_space<hbm>> -> memref<20000x128xf32, #tpu.memory_space<hbm>>
          tpu.enqueue_indirect_dma source(%dma_start3A_117 : memref<20000x128xf32, #tpu.memory_space<hbm>>) target(%arg11 : memref<64x128xf32, #tpu.memory_space<vmem>>) offsets(%dma_start3A_114 : memref<64xi32, #tpu.memory_space<vmem>>) semaphore(%arg16 : memref<!tpu.dma_semaphore, #tpu.memory_space<semaphore_mem>>)
        } else {
        }
        %add3A_95 = arith.constant 3 : i32
        %add3A_96 = arith.addi %mul3A_53, %add3A_95 : i32
        %dma_wait3A_97 = arith.constant 0 : i32
        %dma_wait3A_98 = arith.constant 0 : i32
        %dma_wait3A_99 = tpu.memref_slice %arg2[%dma_wait3A_97, %dma_wait3A_98] : memref<20000x128xf32, #tpu.memory_space<hbm>> -> memref<64x128xf32, #tpu.memory_space<hbm>>
        %dma_wait3A_100 = arith.constant 0 : i32
        %dma_wait3A_101 = arith.constant 0 : i32
        %dma_wait3A_102 = tpu.memref_slice %arg2[%dma_wait3A_100, %dma_wait3A_101] : memref<20000x128xf32, #tpu.memory_space<hbm>> -> memref<64x128xf32, #tpu.memory_space<hbm>>
        tpu.wait_dma2 semaphore(%arg17 : memref<!tpu.dma_semaphore, #tpu.memory_space<semaphore_mem>>) src(%dma_wait3A_102 : memref<64x128xf32, #tpu.memory_space<hbm>>) dst(%arg12 : memref<64x128xf32, #tpu.memory_space<vmem>>)
        "tpu.region"() ({
          %run_scoped3A = tpu.sem_alloc : memref<!tpu.dma_semaphore, #tpu.memory_space<semaphore_mem>>
          %dma_start3A_110 = arith.constant 0 : i32
          %dma_start3A_111 = tpu.memref_slice %arg8[%add3A_96, %dma_start3A_110] : memref<40x64xi32, #tpu.memory_space<vmem>> -> memref<1x64xi32, #tpu.memory_space<vmem>>
          %dma_start3A_112 = tpu.memref_squeeze %dma_start3A_111 : memref<1x64xi32, #tpu.memory_space<vmem>> -> memref<64xi32, #tpu.memory_space<vmem>>
          %dma_start3A_113 = arith.constant 0 : i32
          %dma_start3A_114 = arith.constant 0 : i32
          %dma_start3A_115 = tpu.memref_slice %arg13[%dma_start3A_113, %dma_start3A_114] : memref<10240x128xf32, #tpu.memory_space<vmem_shared>> -> memref<10240x128xf32, #tpu.memory_space<vmem_shared>>
          tpu.enqueue_indirect_dma source(%arg12 : memref<64x128xf32, #tpu.memory_space<vmem>>) target(%dma_start3A_115 : memref<10240x128xf32, #tpu.memory_space<vmem_shared>>) offsets(%dma_start3A_112 : memref<64xi32, #tpu.memory_space<vmem>>) semaphore(%run_scoped3A : memref<!tpu.dma_semaphore, #tpu.memory_space<semaphore_mem>>) {add = true}
          %dma_wait3A_116 = arith.constant 0 : i32
          %dma_wait3A_117 = tpu.memref_slice %arg8[%add3A_96, %dma_wait3A_116] : memref<40x64xi32, #tpu.memory_space<vmem>> -> memref<1x64xi32, #tpu.memory_space<vmem>>
          %dma_wait3A_118 = tpu.memref_squeeze %dma_wait3A_117 : memref<1x64xi32, #tpu.memory_space<vmem>> -> memref<64xi32, #tpu.memory_space<vmem>>
          %dma_wait3A_119 = arith.constant 0 : i32
          %dma_wait3A_120 = arith.constant 0 : i32
          %dma_wait3A_121 = tpu.memref_slice %arg13[%dma_wait3A_119, %dma_wait3A_120] : memref<10240x128xf32, #tpu.memory_space<vmem_shared>> -> memref<10240x128xf32, #tpu.memory_space<vmem_shared>>
          tpu.wait_indirect_dma semaphore(%run_scoped3A : memref<!tpu.dma_semaphore, #tpu.memory_space<semaphore_mem>>) src(%arg12 : memref<64x128xf32, #tpu.memory_space<vmem>>) dst(%dma_wait3A_121 : memref<10240x128xf32, #tpu.memory_space<vmem_shared>>)
          tpu.yield
        }) : () -> ()
        %add3A_103 = arith.constant 4 : i32
        %add3A_104 = arith.addi %add3A_96, %add3A_103 : i32
        %lt3A_105 = arith.constant 40 : i32
        %lt3A_106 = arith.cmpi slt, %add3A_104, %lt3A_105 : i32
        %convert_element_type3A_107 = arith.extui %lt3A_106 : i1 to i32
        %cond3A_108 = arith.constant 0 : i32
        %cond3A_109 = arith.cmpi ne, %convert_element_type3A_107, %cond3A_108 : i32
        scf.if %cond3A_109 {
          %add3A_110 = arith.constant 4 : i32
          %add3A_111 = arith.addi %add3A_96, %add3A_110 : i32
          %dma_start3A_112 = arith.constant 0 : i32
          %dma_start3A_113 = tpu.memref_slice %arg7[%add3A_111, %dma_start3A_112] : memref<40x64xi32, #tpu.memory_space<vmem>> -> memref<1x64xi32, #tpu.memory_space<vmem>>
          %dma_start3A_114 = tpu.memref_squeeze %dma_start3A_113 : memref<1x64xi32, #tpu.memory_space<vmem>> -> memref<64xi32, #tpu.memory_space<vmem>>
          %dma_start3A_115 = arith.constant 0 : i32
          %dma_start3A_116 = arith.constant 0 : i32
          %dma_start3A_117 = tpu.memref_slice %arg2[%dma_start3A_115, %dma_start3A_116] : memref<20000x128xf32, #tpu.memory_space<hbm>> -> memref<20000x128xf32, #tpu.memory_space<hbm>>
          tpu.enqueue_indirect_dma source(%dma_start3A_117 : memref<20000x128xf32, #tpu.memory_space<hbm>>) target(%arg12 : memref<64x128xf32, #tpu.memory_space<vmem>>) offsets(%dma_start3A_114 : memref<64xi32, #tpu.memory_space<vmem>>) semaphore(%arg17 : memref<!tpu.dma_semaphore, #tpu.memory_space<semaphore_mem>>)
        } else {
        }
      }
      %scan3A_50 = arith.constant 10 : i32
    }
    %scan3A_7 = arith.constant 8 : i32
    %barrier3A_8 = arith.constant 0 : index
    tpu.barrier barrier_id(%barrier3A_8)
    %mul3A_9 = arith.constant 640 : i32
    %mul3A_10 = arith.muli %arg1, %mul3A_9 : i32
    %mul3A_11 = arith.constant 640 : i32
    %mul3A_12 = arith.muli %arg1, %mul3A_11 : i32
    "tpu.region"() ({
      %run_scoped3A = tpu.sem_alloc : memref<!tpu.dma_semaphore, #tpu.memory_space<semaphore_mem>>
      %dma_start3A = arith.constant 0 : i32
      %dma_start3A_13 = tpu.memref_slice %arg6[%arg0, %mul3A_12, %dma_start3A] : memref<2x10240x128xf32, #tpu.memory_space<hbm>> -> memref<1x640x128xf32, #tpu.memory_space<hbm>>
      %dma_start3A_14 = tpu.memref_squeeze %dma_start3A_13 : memref<1x640x128xf32, #tpu.memory_space<hbm>> -> memref<640x128xf32, #tpu.memory_space<hbm>>
      %dma_start3A_15 = arith.constant 0 : i32
      %dma_start3A_16 = tpu.memref_slice %arg13[%mul3A_10, %dma_start3A_15] : memref<10240x128xf32, #tpu.memory_space<vmem_shared>> -> memref<640x128xf32, #tpu.memory_space<vmem_shared>>
      tpu.enqueue_dma source(%dma_start3A_16 : memref<640x128xf32, #tpu.memory_space<vmem_shared>>) target(%dma_start3A_14 : memref<640x128xf32, #tpu.memory_space<hbm>>) target_semaphore(%run_scoped3A : memref<!tpu.dma_semaphore, #tpu.memory_space<semaphore_mem>>)
      %dma_wait3A = arith.constant 0 : i32
      %dma_wait3A_17 = tpu.memref_slice %arg6[%arg0, %mul3A_12, %dma_wait3A] : memref<2x10240x128xf32, #tpu.memory_space<hbm>> -> memref<1x640x128xf32, #tpu.memory_space<hbm>>
      %dma_wait3A_18 = tpu.memref_squeeze %dma_wait3A_17 : memref<1x640x128xf32, #tpu.memory_space<hbm>> -> memref<640x128xf32, #tpu.memory_space<hbm>>
      %dma_wait3A_19 = arith.constant 0 : i32
      %dma_wait3A_20 = tpu.memref_slice %arg13[%mul3A_10, %dma_wait3A_19] : memref<10240x128xf32, #tpu.memory_space<vmem_shared>> -> memref<640x128xf32, #tpu.memory_space<vmem_shared>>
      tpu.wait_dma2 semaphore(%run_scoped3A : memref<!tpu.dma_semaphore, #tpu.memory_space<semaphore_mem>>) src(%dma_wait3A_20 : memref<640x128xf32, #tpu.memory_space<vmem_shared>>) dst(%dma_wait3A_18 : memref<640x128xf32, #tpu.memory_space<hbm>>)
      tpu.yield
    }) : () -> ()
    return
  }
}

#map = affine_map<(d0, d1) -> (0, 0)>
#map1 = affine_map<(d0, d1) -> (0, 0, 0)>
module attributes {stable_mosaic.version = 14 : i64} {
  func.func @seg(%arg0: i32, %arg1: i32, %arg2: memref<10000x128xf32, #tpu.memory_space<hbm>>, %arg3: memref<32x160x64xi32, #tpu.memory_space<hbm>>, %arg4: memref<32x160x64xi32, #tpu.memory_space<hbm>>, %arg5: memref<640x128xf32, #tpu.memory_space<hbm>>, %arg6: memref<2x10240x128xf32, #tpu.memory_space<hbm>>, %arg7: memref<40x64xi32, #tpu.memory_space<vmem>>, %arg8: memref<40x64xi32, #tpu.memory_space<vmem>>, %arg9: memref<64x128xf32, #tpu.memory_space<vmem>>, %arg10: memref<64x128xf32, #tpu.memory_space<vmem>>, %arg11: memref<64x128xf32, #tpu.memory_space<vmem>>, %arg12: memref<64x128xf32, #tpu.memory_space<vmem>>, %arg13: memref<10240x128xf32, #tpu.memory_space<vmem_shared>>, %arg14: memref<!tpu.dma_semaphore, #tpu.memory_space<semaphore_mem>>, %arg15: memref<!tpu.dma_semaphore, #tpu.memory_space<semaphore_mem>>, %arg16: memref<!tpu.dma_semaphore, #tpu.memory_space<semaphore_mem>>, %arg17: memref<!tpu.dma_semaphore, #tpu.memory_space<semaphore_mem>>) attributes {dimension_semantics = [#tpu.dimension_semantics<core_parallel>, #tpu.dimension_semantics<subcore_parallel>], iteration_bounds = array<i64: 2, 16>, scalar_prefetch = 0 : i64, scratch_operands = 11 : i64, tpu.core_type = #tpu.core_type<sc_vector_subcore>, window_params = [{transform_indices = #map}, {transform_indices = #map1}, {transform_indices = #map1}, {transform_indices = #map}, {transform_indices = #map1}]} {
    %mul3A = arith.constant 16 : i32
    %mul3A_0 = arith.muli %arg0, %mul3A : i32
    %add3A = arith.addi %mul3A_0, %arg1 : i32
    %mul3A_1 = arith.constant 640 : i32
    %mul3A_2 = arith.muli %arg1, %mul3A_1 : i32
    "tpu.region"() ({
      %run_scoped3A = tpu.sem_alloc : memref<!tpu.dma_semaphore, #tpu.memory_space<semaphore_mem>>
      %dma_start3A = arith.constant 0 : i32
      %dma_start3A_13 = tpu.memref_slice %arg13[%mul3A_2, %dma_start3A] : memref<10240x128xf32, #tpu.memory_space<vmem_shared>> -> memref<640x128xf32, #tpu.memory_space<vmem_shared>>
      tpu.enqueue_dma source(%arg5 : memref<640x128xf32, #tpu.memory_space<hbm>>) target(%dma_start3A_13 : memref<640x128xf32, #tpu.memory_space<vmem_shared>>) target_semaphore(%run_scoped3A : memref<!tpu.dma_semaphore, #tpu.memory_space<semaphore_mem>>)
      %dma_wait3A = arith.constant 0 : i32
      %dma_wait3A_14 = tpu.memref_slice %arg13[%mul3A_2, %dma_wait3A] : memref<10240x128xf32, #tpu.memory_space<vmem_shared>> -> memref<640x128xf32, #tpu.memory_space<vmem_shared>>
      tpu.wait_dma2 semaphore(%run_scoped3A : memref<!tpu.dma_semaphore, #tpu.memory_space<semaphore_mem>>) src(%arg5 : memref<640x128xf32, #tpu.memory_space<hbm>>) dst(%dma_wait3A_14 : memref<640x128xf32, #tpu.memory_space<vmem_shared>>)
      tpu.yield
    }) : () -> ()
    %barrier3A = arith.constant 0 : index
    tpu.barrier barrier_id(%barrier3A)
    %scan3A = arith.constant 0 : i32
    %scan3A_3 = arith.constant 0 : i32
    %scan3A_4 = arith.constant 4 : i32
    %scan3A_5 = arith.addi %scan3A_3, %scan3A_4 : i32
    %scan3A_6 = arith.constant 1 : i32
    scf.for %scan3A_13 = %scan3A_3 to %scan3A_5 step %scan3A_6  : i32 {
      %mul3A_14 = arith.constant 40 : i32
      %mul3A_15 = arith.muli %scan3A_13, %mul3A_14 : i32
      "tpu.region"() ({
        %run_scoped3A = tpu.sem_alloc : memref<!tpu.dma_semaphore, #tpu.memory_space<semaphore_mem>>
        %dma_start3A_51 = arith.constant 0 : i32
        %dma_start3A_52 = tpu.memref_slice %arg3[%add3A, %mul3A_15, %dma_start3A_51] : memref<32x160x64xi32, #tpu.memory_space<hbm>> -> memref<1x40x64xi32, #tpu.memory_space<hbm>>
        %dma_start3A_53 = tpu.memref_squeeze %dma_start3A_52 : memref<1x40x64xi32, #tpu.memory_space<hbm>> -> memref<40x64xi32, #tpu.memory_space<hbm>>
        %dma_start3A_54 = arith.constant 0 : i32
        %dma_start3A_55 = tpu.memref_slice %arg3[%add3A, %mul3A_15, %dma_start3A_54] : memref<32x160x64xi32, #tpu.memory_space<hbm>> -> memref<1x40x64xi32, #tpu.memory_space<hbm>>
        %dma_start3A_56 = tpu.memref_squeeze %dma_start3A_55 : memref<1x40x64xi32, #tpu.memory_space<hbm>> -> memref<40x64xi32, #tpu.memory_space<hbm>>
        tpu.enqueue_dma source(%dma_start3A_56 : memref<40x64xi32, #tpu.memory_space<hbm>>) target(%arg7 : memref<40x64xi32, #tpu.memory_space<vmem>>) target_semaphore(%run_scoped3A : memref<!tpu.dma_semaphore, #tpu.memory_space<semaphore_mem>>)
        %dma_wait3A = arith.constant 0 : i32
        %dma_wait3A_57 = tpu.memref_slice %arg3[%add3A, %mul3A_15, %dma_wait3A] : memref<32x160x64xi32, #tpu.memory_space<hbm>> -> memref<1x40x64xi32, #tpu.memory_space<hbm>>
        %dma_wait3A_58 = tpu.memref_squeeze %dma_wait3A_57 : memref<1x40x64xi32, #tpu.memory_space<hbm>> -> memref<40x64xi32, #tpu.memory_space<hbm>>
        %dma_wait3A_59 = arith.constant 0 : i32
        %dma_wait3A_60 = tpu.memref_slice %arg3[%add3A, %mul3A_15, %dma_wait3A_59] : memref<32x160x64xi32, #tpu.memory_space<hbm>> -> memref<1x40x64xi32, #tpu.memory_space<hbm>>
        %dma_wait3A_61 = tpu.memref_squeeze %dma_wait3A_60 : memref<1x40x64xi32, #tpu.memory_space<hbm>> -> memref<40x64xi32, #tpu.memory_space<hbm>>
        tpu.wait_dma2 semaphore(%run_scoped3A : memref<!tpu.dma_semaphore, #tpu.memory_space<semaphore_mem>>) src(%dma_wait3A_61 : memref<40x64xi32, #tpu.memory_space<hbm>>) dst(%arg7 : memref<40x64xi32, #tpu.memory_space<vmem>>)
        tpu.yield
      }) : () -> ()
      %mul3A_16 = arith.constant 40 : i32
      %mul3A_17 = arith.muli %scan3A_13, %mul3A_16 : i32
      "tpu.region"() ({
        %run_scoped3A = tpu.sem_alloc : memref<!tpu.dma_semaphore, #tpu.memory_space<semaphore_mem>>
        %dma_start3A_51 = arith.constant 0 : i32
        %dma_start3A_52 = tpu.memref_slice %arg4[%add3A, %mul3A_17, %dma_start3A_51] : memref<32x160x64xi32, #tpu.memory_space<hbm>> -> memref<1x40x64xi32, #tpu.memory_space<hbm>>
        %dma_start3A_53 = tpu.memref_squeeze %dma_start3A_52 : memref<1x40x64xi32, #tpu.memory_space<hbm>> -> memref<40x64xi32, #tpu.memory_space<hbm>>
        %dma_start3A_54 = arith.constant 0 : i32
        %dma_start3A_55 = tpu.memref_slice %arg4[%add3A, %mul3A_17, %dma_start3A_54] : memref<32x160x64xi32, #tpu.memory_space<hbm>> -> memref<1x40x64xi32, #tpu.memory_space<hbm>>
        %dma_start3A_56 = tpu.memref_squeeze %dma_start3A_55 : memref<1x40x64xi32, #tpu.memory_space<hbm>> -> memref<40x64xi32, #tpu.memory_space<hbm>>
        tpu.enqueue_dma source(%dma_start3A_56 : memref<40x64xi32, #tpu.memory_space<hbm>>) target(%arg8 : memref<40x64xi32, #tpu.memory_space<vmem>>) target_semaphore(%run_scoped3A : memref<!tpu.dma_semaphore, #tpu.memory_space<semaphore_mem>>)
        %dma_wait3A = arith.constant 0 : i32
        %dma_wait3A_57 = tpu.memref_slice %arg4[%add3A, %mul3A_17, %dma_wait3A] : memref<32x160x64xi32, #tpu.memory_space<hbm>> -> memref<1x40x64xi32, #tpu.memory_space<hbm>>
        %dma_wait3A_58 = tpu.memref_squeeze %dma_wait3A_57 : memref<1x40x64xi32, #tpu.memory_space<hbm>> -> memref<40x64xi32, #tpu.memory_space<hbm>>
        %dma_wait3A_59 = arith.constant 0 : i32
        %dma_wait3A_60 = tpu.memref_slice %arg4[%add3A, %mul3A_17, %dma_wait3A_59] : memref<32x160x64xi32, #tpu.memory_space<hbm>> -> memref<1x40x64xi32, #tpu.memory_space<hbm>>
        %dma_wait3A_61 = tpu.memref_squeeze %dma_wait3A_60 : memref<1x40x64xi32, #tpu.memory_space<hbm>> -> memref<40x64xi32, #tpu.memory_space<hbm>>
        tpu.wait_dma2 semaphore(%run_scoped3A : memref<!tpu.dma_semaphore, #tpu.memory_space<semaphore_mem>>) src(%dma_wait3A_61 : memref<40x64xi32, #tpu.memory_space<hbm>>) dst(%arg8 : memref<40x64xi32, #tpu.memory_space<vmem>>)
        tpu.yield
      }) : () -> ()
      %dma_start3A = arith.constant 0 : i32
      %dma_start3A_18 = arith.constant 0 : i32
      %dma_start3A_19 = tpu.memref_slice %arg7[%dma_start3A, %dma_start3A_18] : memref<40x64xi32, #tpu.memory_space<vmem>> -> memref<1x64xi32, #tpu.memory_space<vmem>>
      %dma_start3A_20 = tpu.memref_squeeze %dma_start3A_19 : memref<1x64xi32, #tpu.memory_space<vmem>> -> memref<64xi32, #tpu.memory_space<vmem>>
      %dma_start3A_21 = arith.constant 0 : i32
      %dma_start3A_22 = arith.constant 0 : i32
      %dma_start3A_23 = tpu.memref_slice %arg2[%dma_start3A_21, %dma_start3A_22] : memref<10000x128xf32, #tpu.memory_space<hbm>> -> memref<10000x128xf32, #tpu.memory_space<hbm>>
      tpu.enqueue_indirect_dma source(%dma_start3A_23 : memref<10000x128xf32, #tpu.memory_space<hbm>>) target(%arg9 : memref<64x128xf32, #tpu.memory_space<vmem>>) offsets(%dma_start3A_20 : memref<64xi32, #tpu.memory_space<vmem>>) semaphore(%arg14 : memref<!tpu.dma_semaphore, #tpu.memory_space<semaphore_mem>>)
      %dma_start3A_24 = arith.constant 1 : i32
      %dma_start3A_25 = arith.constant 0 : i32
      %dma_start3A_26 = tpu.memref_slice %arg7[%dma_start3A_24, %dma_start3A_25] : memref<40x64xi32, #tpu.memory_space<vmem>> -> memref<1x64xi32, #tpu.memory_space<vmem>>
      %dma_start3A_27 = tpu.memref_squeeze %dma_start3A_26 : memref<1x64xi32, #tpu.memory_space<vmem>> -> memref<64xi32, #tpu.memory_space<vmem>>
      %dma_start3A_28 = arith.constant 0 : i32
      %dma_start3A_29 = arith.constant 0 : i32
      %dma_start3A_30 = tpu.memref_slice %arg2[%dma_start3A_28, %dma_start3A_29] : memref<10000x128xf32, #tpu.memory_space<hbm>> -> memref<10000x128xf32, #tpu.memory_space<hbm>>
      tpu.enqueue_indirect_dma source(%dma_start3A_30 : memref<10000x128xf32, #tpu.memory_space<hbm>>) target(%arg10 : memref<64x128xf32, #tpu.memory_space<vmem>>) offsets(%dma_start3A_27 : memref<64xi32, #tpu.memory_space<vmem>>) semaphore(%arg15 : memref<!tpu.dma_semaphore, #tpu.memory_space<semaphore_mem>>)
      %dma_start3A_31 = arith.constant 2 : i32
      %dma_start3A_32 = arith.constant 0 : i32
      %dma_start3A_33 = tpu.memref_slice %arg7[%dma_start3A_31, %dma_start3A_32] : memref<40x64xi32, #tpu.memory_space<vmem>> -> memref<1x64xi32, #tpu.memory_space<vmem>>
      %dma_start3A_34 = tpu.memref_squeeze %dma_start3A_33 : memref<1x64xi32, #tpu.memory_space<vmem>> -> memref<64xi32, #tpu.memory_space<vmem>>
      %dma_start3A_35 = arith.constant 0 : i32
      %dma_start3A_36 = arith.constant 0 : i32
      %dma_start3A_37 = tpu.memref_slice %arg2[%dma_start3A_35, %dma_start3A_36] : memref<10000x128xf32, #tpu.memory_space<hbm>> -> memref<10000x128xf32, #tpu.memory_space<hbm>>
      tpu.enqueue_indirect_dma source(%dma_start3A_37 : memref<10000x128xf32, #tpu.memory_space<hbm>>) target(%arg11 : memref<64x128xf32, #tpu.memory_space<vmem>>) offsets(%dma_start3A_34 : memref<64xi32, #tpu.memory_space<vmem>>) semaphore(%arg16 : memref<!tpu.dma_semaphore, #tpu.memory_space<semaphore_mem>>)
      %dma_start3A_38 = arith.constant 3 : i32
      %dma_start3A_39 = arith.constant 0 : i32
      %dma_start3A_40 = tpu.memref_slice %arg7[%dma_start3A_38, %dma_start3A_39] : memref<40x64xi32, #tpu.memory_space<vmem>> -> memref<1x64xi32, #tpu.memory_space<vmem>>
      %dma_start3A_41 = tpu.memref_squeeze %dma_start3A_40 : memref<1x64xi32, #tpu.memory_space<vmem>> -> memref<64xi32, #tpu.memory_space<vmem>>
      %dma_start3A_42 = arith.constant 0 : i32
      %dma_start3A_43 = arith.constant 0 : i32
      %dma_start3A_44 = tpu.memref_slice %arg2[%dma_start3A_42, %dma_start3A_43] : memref<10000x128xf32, #tpu.memory_space<hbm>> -> memref<10000x128xf32, #tpu.memory_space<hbm>>
      tpu.enqueue_indirect_dma source(%dma_start3A_44 : memref<10000x128xf32, #tpu.memory_space<hbm>>) target(%arg12 : memref<64x128xf32, #tpu.memory_space<vmem>>) offsets(%dma_start3A_41 : memref<64xi32, #tpu.memory_space<vmem>>) semaphore(%arg17 : memref<!tpu.dma_semaphore, #tpu.memory_space<semaphore_mem>>)
      %scan3A_45 = arith.constant 0 : i32
      %scan3A_46 = arith.constant 0 : i32
      %scan3A_47 = arith.constant 10 : i32
      %scan3A_48 = arith.addi %scan3A_46, %scan3A_47 : i32
      %scan3A_49 = arith.constant 1 : i32
      scf.for %scan3A_51 = %scan3A_46 to %scan3A_48 step %scan3A_49  : i32 {
        %mul3A_52 = arith.constant 4 : i32
        %mul3A_53 = arith.muli %mul3A_52, %scan3A_51 : i32
        %add3A_54 = arith.constant 0 : i32
        %add3A_55 = arith.addi %mul3A_53, %add3A_54 : i32
        %dma_wait3A = arith.constant 0 : i32
        %dma_wait3A_56 = arith.constant 0 : i32
        %dma_wait3A_57 = tpu.memref_slice %arg2[%dma_wait3A, %dma_wait3A_56] : memref<10000x128xf32, #tpu.memory_space<hbm>> -> memref<64x128xf32, #tpu.memory_space<hbm>>
        %dma_wait3A_58 = arith.constant 0 : i32
        %dma_wait3A_59 = arith.constant 0 : i32
        %dma_wait3A_60 = tpu.memref_slice %arg2[%dma_wait3A_58, %dma_wait3A_59] : memref<10000x128xf32, #tpu.memory_space<hbm>> -> memref<64x128xf32, #tpu.memory_space<hbm>>
        tpu.wait_dma2 semaphore(%arg14 : memref<!tpu.dma_semaphore, #tpu.memory_space<semaphore_mem>>) src(%dma_wait3A_60 : memref<64x128xf32, #tpu.memory_space<hbm>>) dst(%arg9 : memref<64x128xf32, #tpu.memory_space<vmem>>)
        "tpu.region"() ({
          %run_scoped3A = tpu.sem_alloc : memref<!tpu.dma_semaphore, #tpu.memory_space<semaphore_mem>>
          %dma_start3A_110 = arith.constant 0 : i32
          %dma_start3A_111 = tpu.memref_slice %arg8[%add3A_55, %dma_start3A_110] : memref<40x64xi32, #tpu.memory_space<vmem>> -> memref<1x64xi32, #tpu.memory_space<vmem>>
          %dma_start3A_112 = tpu.memref_squeeze %dma_start3A_111 : memref<1x64xi32, #tpu.memory_space<vmem>> -> memref<64xi32, #tpu.memory_space<vmem>>
          %dma_start3A_113 = arith.constant 0 : i32
          %dma_start3A_114 = arith.constant 0 : i32
          %dma_start3A_115 = tpu.memref_slice %arg13[%dma_start3A_113, %dma_start3A_114] : memref<10240x128xf32, #tpu.memory_space<vmem_shared>> -> memref<10240x128xf32, #tpu.memory_space<vmem_shared>>
          tpu.enqueue_indirect_dma source(%arg9 : memref<64x128xf32, #tpu.memory_space<vmem>>) target(%dma_start3A_115 : memref<10240x128xf32, #tpu.memory_space<vmem_shared>>) offsets(%dma_start3A_112 : memref<64xi32, #tpu.memory_space<vmem>>) semaphore(%run_scoped3A : memref<!tpu.dma_semaphore, #tpu.memory_space<semaphore_mem>>) {add = true}
          %dma_wait3A_116 = arith.constant 0 : i32
          %dma_wait3A_117 = tpu.memref_slice %arg8[%add3A_55, %dma_wait3A_116] : memref<40x64xi32, #tpu.memory_space<vmem>> -> memref<1x64xi32, #tpu.memory_space<vmem>>
          %dma_wait3A_118 = tpu.memref_squeeze %dma_wait3A_117 : memref<1x64xi32, #tpu.memory_space<vmem>> -> memref<64xi32, #tpu.memory_space<vmem>>
          %dma_wait3A_119 = arith.constant 0 : i32
          %dma_wait3A_120 = arith.constant 0 : i32
          %dma_wait3A_121 = tpu.memref_slice %arg13[%dma_wait3A_119, %dma_wait3A_120] : memref<10240x128xf32, #tpu.memory_space<vmem_shared>> -> memref<10240x128xf32, #tpu.memory_space<vmem_shared>>
          tpu.wait_indirect_dma semaphore(%run_scoped3A : memref<!tpu.dma_semaphore, #tpu.memory_space<semaphore_mem>>) src(%arg9 : memref<64x128xf32, #tpu.memory_space<vmem>>) dst(%dma_wait3A_121 : memref<10240x128xf32, #tpu.memory_space<vmem_shared>>)
          tpu.yield
        }) : () -> ()
        %add3A_61 = arith.constant 4 : i32
        %add3A_62 = arith.addi %add3A_55, %add3A_61 : i32
        %lt3A = arith.constant 40 : i32
        %lt3A_63 = arith.cmpi slt, %add3A_62, %lt3A : i32
        %convert_element_type3A = arith.extui %lt3A_63 : i1 to i32
        %cond3A = arith.constant 0 : i32
        %cond3A_64 = arith.cmpi ne, %convert_element_type3A, %cond3A : i32
        scf.if %cond3A_64 {
          %add3A_110 = arith.constant 4 : i32
          %add3A_111 = arith.addi %add3A_55, %add3A_110 : i32
          %dma_start3A_112 = arith.constant 0 : i32
          %dma_start3A_113 = tpu.memref_slice %arg7[%add3A_111, %dma_start3A_112] : memref<40x64xi32, #tpu.memory_space<vmem>> -> memref<1x64xi32, #tpu.memory_space<vmem>>
          %dma_start3A_114 = tpu.memref_squeeze %dma_start3A_113 : memref<1x64xi32, #tpu.memory_space<vmem>> -> memref<64xi32, #tpu.memory_space<vmem>>
          %dma_start3A_115 = arith.constant 0 : i32
          %dma_start3A_116 = arith.constant 0 : i32
          %dma_start3A_117 = tpu.memref_slice %arg2[%dma_start3A_115, %dma_start3A_116] : memref<10000x128xf32, #tpu.memory_space<hbm>> -> memref<10000x128xf32, #tpu.memory_space<hbm>>
          tpu.enqueue_indirect_dma source(%dma_start3A_117 : memref<10000x128xf32, #tpu.memory_space<hbm>>) target(%arg9 : memref<64x128xf32, #tpu.memory_space<vmem>>) offsets(%dma_start3A_114 : memref<64xi32, #tpu.memory_space<vmem>>) semaphore(%arg14 : memref<!tpu.dma_semaphore, #tpu.memory_space<semaphore_mem>>)
        } else {
        }
        %add3A_65 = arith.constant 1 : i32
        %add3A_66 = arith.addi %mul3A_53, %add3A_65 : i32
        %dma_wait3A_67 = arith.constant 0 : i32
        %dma_wait3A_68 = arith.constant 0 : i32
        %dma_wait3A_69 = tpu.memref_slice %arg2[%dma_wait3A_67, %dma_wait3A_68] : memref<10000x128xf32, #tpu.memory_space<hbm>> -> memref<64x128xf32, #tpu.memory_space<hbm>>
        %dma_wait3A_70 = arith.constant 0 : i32
        %dma_wait3A_71 = arith.constant 0 : i32
        %dma_wait3A_72 = tpu.memref_slice %arg2[%dma_wait3A_70, %dma_wait3A_71] : memref<10000x128xf32, #tpu.memory_space<hbm>> -> memref<64x128xf32, #tpu.memory_space<hbm>>
        tpu.wait_dma2 semaphore(%arg15 : memref<!tpu.dma_semaphore, #tpu.memory_space<semaphore_mem>>) src(%dma_wait3A_72 : memref<64x128xf32, #tpu.memory_space<hbm>>) dst(%arg10 : memref<64x128xf32, #tpu.memory_space<vmem>>)
        "tpu.region"() ({
          %run_scoped3A = tpu.sem_alloc : memref<!tpu.dma_semaphore, #tpu.memory_space<semaphore_mem>>
          %dma_start3A_110 = arith.constant 0 : i32
          %dma_start3A_111 = tpu.memref_slice %arg8[%add3A_66, %dma_start3A_110] : memref<40x64xi32, #tpu.memory_space<vmem>> -> memref<1x64xi32, #tpu.memory_space<vmem>>
          %dma_start3A_112 = tpu.memref_squeeze %dma_start3A_111 : memref<1x64xi32, #tpu.memory_space<vmem>> -> memref<64xi32, #tpu.memory_space<vmem>>
          %dma_start3A_113 = arith.constant 0 : i32
          %dma_start3A_114 = arith.constant 0 : i32
          %dma_start3A_115 = tpu.memref_slice %arg13[%dma_start3A_113, %dma_start3A_114] : memref<10240x128xf32, #tpu.memory_space<vmem_shared>> -> memref<10240x128xf32, #tpu.memory_space<vmem_shared>>
          tpu.enqueue_indirect_dma source(%arg10 : memref<64x128xf32, #tpu.memory_space<vmem>>) target(%dma_start3A_115 : memref<10240x128xf32, #tpu.memory_space<vmem_shared>>) offsets(%dma_start3A_112 : memref<64xi32, #tpu.memory_space<vmem>>) semaphore(%run_scoped3A : memref<!tpu.dma_semaphore, #tpu.memory_space<semaphore_mem>>) {add = true}
          %dma_wait3A_116 = arith.constant 0 : i32
          %dma_wait3A_117 = tpu.memref_slice %arg8[%add3A_66, %dma_wait3A_116] : memref<40x64xi32, #tpu.memory_space<vmem>> -> memref<1x64xi32, #tpu.memory_space<vmem>>
          %dma_wait3A_118 = tpu.memref_squeeze %dma_wait3A_117 : memref<1x64xi32, #tpu.memory_space<vmem>> -> memref<64xi32, #tpu.memory_space<vmem>>
          %dma_wait3A_119 = arith.constant 0 : i32
          %dma_wait3A_120 = arith.constant 0 : i32
          %dma_wait3A_121 = tpu.memref_slice %arg13[%dma_wait3A_119, %dma_wait3A_120] : memref<10240x128xf32, #tpu.memory_space<vmem_shared>> -> memref<10240x128xf32, #tpu.memory_space<vmem_shared>>
          tpu.wait_indirect_dma semaphore(%run_scoped3A : memref<!tpu.dma_semaphore, #tpu.memory_space<semaphore_mem>>) src(%arg10 : memref<64x128xf32, #tpu.memory_space<vmem>>) dst(%dma_wait3A_121 : memref<10240x128xf32, #tpu.memory_space<vmem_shared>>)
          tpu.yield
        }) : () -> ()
        %add3A_73 = arith.constant 4 : i32
        %add3A_74 = arith.addi %add3A_66, %add3A_73 : i32
        %lt3A_75 = arith.constant 40 : i32
        %lt3A_76 = arith.cmpi slt, %add3A_74, %lt3A_75 : i32
        %convert_element_type3A_77 = arith.extui %lt3A_76 : i1 to i32
        %cond3A_78 = arith.constant 0 : i32
        %cond3A_79 = arith.cmpi ne, %convert_element_type3A_77, %cond3A_78 : i32
        scf.if %cond3A_79 {
          %add3A_110 = arith.constant 4 : i32
          %add3A_111 = arith.addi %add3A_66, %add3A_110 : i32
          %dma_start3A_112 = arith.constant 0 : i32
          %dma_start3A_113 = tpu.memref_slice %arg7[%add3A_111, %dma_start3A_112] : memref<40x64xi32, #tpu.memory_space<vmem>> -> memref<1x64xi32, #tpu.memory_space<vmem>>
          %dma_start3A_114 = tpu.memref_squeeze %dma_start3A_113 : memref<1x64xi32, #tpu.memory_space<vmem>> -> memref<64xi32, #tpu.memory_space<vmem>>
          %dma_start3A_115 = arith.constant 0 : i32
          %dma_start3A_116 = arith.constant 0 : i32
          %dma_start3A_117 = tpu.memref_slice %arg2[%dma_start3A_115, %dma_start3A_116] : memref<10000x128xf32, #tpu.memory_space<hbm>> -> memref<10000x128xf32, #tpu.memory_space<hbm>>
          tpu.enqueue_indirect_dma source(%dma_start3A_117 : memref<10000x128xf32, #tpu.memory_space<hbm>>) target(%arg10 : memref<64x128xf32, #tpu.memory_space<vmem>>) offsets(%dma_start3A_114 : memref<64xi32, #tpu.memory_space<vmem>>) semaphore(%arg15 : memref<!tpu.dma_semaphore, #tpu.memory_space<semaphore_mem>>)
        } else {
        }
        %add3A_80 = arith.constant 2 : i32
        %add3A_81 = arith.addi %mul3A_53, %add3A_80 : i32
        %dma_wait3A_82 = arith.constant 0 : i32
        %dma_wait3A_83 = arith.constant 0 : i32
        %dma_wait3A_84 = tpu.memref_slice %arg2[%dma_wait3A_82, %dma_wait3A_83] : memref<10000x128xf32, #tpu.memory_space<hbm>> -> memref<64x128xf32, #tpu.memory_space<hbm>>
        %dma_wait3A_85 = arith.constant 0 : i32
        %dma_wait3A_86 = arith.constant 0 : i32
        %dma_wait3A_87 = tpu.memref_slice %arg2[%dma_wait3A_85, %dma_wait3A_86] : memref<10000x128xf32, #tpu.memory_space<hbm>> -> memref<64x128xf32, #tpu.memory_space<hbm>>
        tpu.wait_dma2 semaphore(%arg16 : memref<!tpu.dma_semaphore, #tpu.memory_space<semaphore_mem>>) src(%dma_wait3A_87 : memref<64x128xf32, #tpu.memory_space<hbm>>) dst(%arg11 : memref<64x128xf32, #tpu.memory_space<vmem>>)
        "tpu.region"() ({
          %run_scoped3A = tpu.sem_alloc : memref<!tpu.dma_semaphore, #tpu.memory_space<semaphore_mem>>
          %dma_start3A_110 = arith.constant 0 : i32
          %dma_start3A_111 = tpu.memref_slice %arg8[%add3A_81, %dma_start3A_110] : memref<40x64xi32, #tpu.memory_space<vmem>> -> memref<1x64xi32, #tpu.memory_space<vmem>>
          %dma_start3A_112 = tpu.memref_squeeze %dma_start3A_111 : memref<1x64xi32, #tpu.memory_space<vmem>> -> memref<64xi32, #tpu.memory_space<vmem>>
          %dma_start3A_113 = arith.constant 0 : i32
          %dma_start3A_114 = arith.constant 0 : i32
          %dma_start3A_115 = tpu.memref_slice %arg13[%dma_start3A_113, %dma_start3A_114] : memref<10240x128xf32, #tpu.memory_space<vmem_shared>> -> memref<10240x128xf32, #tpu.memory_space<vmem_shared>>
          tpu.enqueue_indirect_dma source(%arg11 : memref<64x128xf32, #tpu.memory_space<vmem>>) target(%dma_start3A_115 : memref<10240x128xf32, #tpu.memory_space<vmem_shared>>) offsets(%dma_start3A_112 : memref<64xi32, #tpu.memory_space<vmem>>) semaphore(%run_scoped3A : memref<!tpu.dma_semaphore, #tpu.memory_space<semaphore_mem>>) {add = true}
          %dma_wait3A_116 = arith.constant 0 : i32
          %dma_wait3A_117 = tpu.memref_slice %arg8[%add3A_81, %dma_wait3A_116] : memref<40x64xi32, #tpu.memory_space<vmem>> -> memref<1x64xi32, #tpu.memory_space<vmem>>
          %dma_wait3A_118 = tpu.memref_squeeze %dma_wait3A_117 : memref<1x64xi32, #tpu.memory_space<vmem>> -> memref<64xi32, #tpu.memory_space<vmem>>
          %dma_wait3A_119 = arith.constant 0 : i32
          %dma_wait3A_120 = arith.constant 0 : i32
          %dma_wait3A_121 = tpu.memref_slice %arg13[%dma_wait3A_119, %dma_wait3A_120] : memref<10240x128xf32, #tpu.memory_space<vmem_shared>> -> memref<10240x128xf32, #tpu.memory_space<vmem_shared>>
          tpu.wait_indirect_dma semaphore(%run_scoped3A : memref<!tpu.dma_semaphore, #tpu.memory_space<semaphore_mem>>) src(%arg11 : memref<64x128xf32, #tpu.memory_space<vmem>>) dst(%dma_wait3A_121 : memref<10240x128xf32, #tpu.memory_space<vmem_shared>>)
          tpu.yield
        }) : () -> ()
        %add3A_88 = arith.constant 4 : i32
        %add3A_89 = arith.addi %add3A_81, %add3A_88 : i32
        %lt3A_90 = arith.constant 40 : i32
        %lt3A_91 = arith.cmpi slt, %add3A_89, %lt3A_90 : i32
        %convert_element_type3A_92 = arith.extui %lt3A_91 : i1 to i32
        %cond3A_93 = arith.constant 0 : i32
        %cond3A_94 = arith.cmpi ne, %convert_element_type3A_92, %cond3A_93 : i32
        scf.if %cond3A_94 {
          %add3A_110 = arith.constant 4 : i32
          %add3A_111 = arith.addi %add3A_81, %add3A_110 : i32
          %dma_start3A_112 = arith.constant 0 : i32
          %dma_start3A_113 = tpu.memref_slice %arg7[%add3A_111, %dma_start3A_112] : memref<40x64xi32, #tpu.memory_space<vmem>> -> memref<1x64xi32, #tpu.memory_space<vmem>>
          %dma_start3A_114 = tpu.memref_squeeze %dma_start3A_113 : memref<1x64xi32, #tpu.memory_space<vmem>> -> memref<64xi32, #tpu.memory_space<vmem>>
          %dma_start3A_115 = arith.constant 0 : i32
          %dma_start3A_116 = arith.constant 0 : i32
          %dma_start3A_117 = tpu.memref_slice %arg2[%dma_start3A_115, %dma_start3A_116] : memref<10000x128xf32, #tpu.memory_space<hbm>> -> memref<10000x128xf32, #tpu.memory_space<hbm>>
          tpu.enqueue_indirect_dma source(%dma_start3A_117 : memref<10000x128xf32, #tpu.memory_space<hbm>>) target(%arg11 : memref<64x128xf32, #tpu.memory_space<vmem>>) offsets(%dma_start3A_114 : memref<64xi32, #tpu.memory_space<vmem>>) semaphore(%arg16 : memref<!tpu.dma_semaphore, #tpu.memory_space<semaphore_mem>>)
        } else {
        }
        %add3A_95 = arith.constant 3 : i32
        %add3A_96 = arith.addi %mul3A_53, %add3A_95 : i32
        %dma_wait3A_97 = arith.constant 0 : i32
        %dma_wait3A_98 = arith.constant 0 : i32
        %dma_wait3A_99 = tpu.memref_slice %arg2[%dma_wait3A_97, %dma_wait3A_98] : memref<10000x128xf32, #tpu.memory_space<hbm>> -> memref<64x128xf32, #tpu.memory_space<hbm>>
        %dma_wait3A_100 = arith.constant 0 : i32
        %dma_wait3A_101 = arith.constant 0 : i32
        %dma_wait3A_102 = tpu.memref_slice %arg2[%dma_wait3A_100, %dma_wait3A_101] : memref<10000x128xf32, #tpu.memory_space<hbm>> -> memref<64x128xf32, #tpu.memory_space<hbm>>
        tpu.wait_dma2 semaphore(%arg17 : memref<!tpu.dma_semaphore, #tpu.memory_space<semaphore_mem>>) src(%dma_wait3A_102 : memref<64x128xf32, #tpu.memory_space<hbm>>) dst(%arg12 : memref<64x128xf32, #tpu.memory_space<vmem>>)
        "tpu.region"() ({
          %run_scoped3A = tpu.sem_alloc : memref<!tpu.dma_semaphore, #tpu.memory_space<semaphore_mem>>
          %dma_start3A_110 = arith.constant 0 : i32
          %dma_start3A_111 = tpu.memref_slice %arg8[%add3A_96, %dma_start3A_110] : memref<40x64xi32, #tpu.memory_space<vmem>> -> memref<1x64xi32, #tpu.memory_space<vmem>>
          %dma_start3A_112 = tpu.memref_squeeze %dma_start3A_111 : memref<1x64xi32, #tpu.memory_space<vmem>> -> memref<64xi32, #tpu.memory_space<vmem>>
          %dma_start3A_113 = arith.constant 0 : i32
          %dma_start3A_114 = arith.constant 0 : i32
          %dma_start3A_115 = tpu.memref_slice %arg13[%dma_start3A_113, %dma_start3A_114] : memref<10240x128xf32, #tpu.memory_space<vmem_shared>> -> memref<10240x128xf32, #tpu.memory_space<vmem_shared>>
          tpu.enqueue_indirect_dma source(%arg12 : memref<64x128xf32, #tpu.memory_space<vmem>>) target(%dma_start3A_115 : memref<10240x128xf32, #tpu.memory_space<vmem_shared>>) offsets(%dma_start3A_112 : memref<64xi32, #tpu.memory_space<vmem>>) semaphore(%run_scoped3A : memref<!tpu.dma_semaphore, #tpu.memory_space<semaphore_mem>>) {add = true}
          %dma_wait3A_116 = arith.constant 0 : i32
          %dma_wait3A_117 = tpu.memref_slice %arg8[%add3A_96, %dma_wait3A_116] : memref<40x64xi32, #tpu.memory_space<vmem>> -> memref<1x64xi32, #tpu.memory_space<vmem>>
          %dma_wait3A_118 = tpu.memref_squeeze %dma_wait3A_117 : memref<1x64xi32, #tpu.memory_space<vmem>> -> memref<64xi32, #tpu.memory_space<vmem>>
          %dma_wait3A_119 = arith.constant 0 : i32
          %dma_wait3A_120 = arith.constant 0 : i32
          %dma_wait3A_121 = tpu.memref_slice %arg13[%dma_wait3A_119, %dma_wait3A_120] : memref<10240x128xf32, #tpu.memory_space<vmem_shared>> -> memref<10240x128xf32, #tpu.memory_space<vmem_shared>>
          tpu.wait_indirect_dma semaphore(%run_scoped3A : memref<!tpu.dma_semaphore, #tpu.memory_space<semaphore_mem>>) src(%arg12 : memref<64x128xf32, #tpu.memory_space<vmem>>) dst(%dma_wait3A_121 : memref<10240x128xf32, #tpu.memory_space<vmem_shared>>)
          tpu.yield
        }) : () -> ()
        %add3A_103 = arith.constant 4 : i32
        %add3A_104 = arith.addi %add3A_96, %add3A_103 : i32
        %lt3A_105 = arith.constant 40 : i32
        %lt3A_106 = arith.cmpi slt, %add3A_104, %lt3A_105 : i32
        %convert_element_type3A_107 = arith.extui %lt3A_106 : i1 to i32
        %cond3A_108 = arith.constant 0 : i32
        %cond3A_109 = arith.cmpi ne, %convert_element_type3A_107, %cond3A_108 : i32
        scf.if %cond3A_109 {
          %add3A_110 = arith.constant 4 : i32
          %add3A_111 = arith.addi %add3A_96, %add3A_110 : i32
          %dma_start3A_112 = arith.constant 0 : i32
          %dma_start3A_113 = tpu.memref_slice %arg7[%add3A_111, %dma_start3A_112] : memref<40x64xi32, #tpu.memory_space<vmem>> -> memref<1x64xi32, #tpu.memory_space<vmem>>
          %dma_start3A_114 = tpu.memref_squeeze %dma_start3A_113 : memref<1x64xi32, #tpu.memory_space<vmem>> -> memref<64xi32, #tpu.memory_space<vmem>>
          %dma_start3A_115 = arith.constant 0 : i32
          %dma_start3A_116 = arith.constant 0 : i32
          %dma_start3A_117 = tpu.memref_slice %arg2[%dma_start3A_115, %dma_start3A_116] : memref<10000x128xf32, #tpu.memory_space<hbm>> -> memref<10000x128xf32, #tpu.memory_space<hbm>>
          tpu.enqueue_indirect_dma source(%dma_start3A_117 : memref<10000x128xf32, #tpu.memory_space<hbm>>) target(%arg12 : memref<64x128xf32, #tpu.memory_space<vmem>>) offsets(%dma_start3A_114 : memref<64xi32, #tpu.memory_space<vmem>>) semaphore(%arg17 : memref<!tpu.dma_semaphore, #tpu.memory_space<semaphore_mem>>)
        } else {
        }
      }
      %scan3A_50 = arith.constant 10 : i32
    }
    %scan3A_7 = arith.constant 4 : i32
    %barrier3A_8 = arith.constant 0 : index
    tpu.barrier barrier_id(%barrier3A_8)
    %mul3A_9 = arith.constant 640 : i32
    %mul3A_10 = arith.muli %arg1, %mul3A_9 : i32
    %mul3A_11 = arith.constant 640 : i32
    %mul3A_12 = arith.muli %arg1, %mul3A_11 : i32
    "tpu.region"() ({
      %run_scoped3A = tpu.sem_alloc : memref<!tpu.dma_semaphore, #tpu.memory_space<semaphore_mem>>
      %dma_start3A = arith.constant 0 : i32
      %dma_start3A_13 = tpu.memref_slice %arg6[%arg0, %mul3A_12, %dma_start3A] : memref<2x10240x128xf32, #tpu.memory_space<hbm>> -> memref<1x640x128xf32, #tpu.memory_space<hbm>>
      %dma_start3A_14 = tpu.memref_squeeze %dma_start3A_13 : memref<1x640x128xf32, #tpu.memory_space<hbm>> -> memref<640x128xf32, #tpu.memory_space<hbm>>
      %dma_start3A_15 = arith.constant 0 : i32
      %dma_start3A_16 = tpu.memref_slice %arg13[%mul3A_10, %dma_start3A_15] : memref<10240x128xf32, #tpu.memory_space<vmem_shared>> -> memref<640x128xf32, #tpu.memory_space<vmem_shared>>
      tpu.enqueue_dma source(%dma_start3A_16 : memref<640x128xf32, #tpu.memory_space<vmem_shared>>) target(%dma_start3A_14 : memref<640x128xf32, #tpu.memory_space<hbm>>) target_semaphore(%run_scoped3A : memref<!tpu.dma_semaphore, #tpu.memory_space<semaphore_mem>>)
      %dma_wait3A = arith.constant 0 : i32
      %dma_wait3A_17 = tpu.memref_slice %arg6[%arg0, %mul3A_12, %dma_wait3A] : memref<2x10240x128xf32, #tpu.memory_space<hbm>> -> memref<1x640x128xf32, #tpu.memory_space<hbm>>
      %dma_wait3A_18 = tpu.memref_squeeze %dma_wait3A_17 : memref<1x640x128xf32, #tpu.memory_space<hbm>> -> memref<640x128xf32, #tpu.memory_space<hbm>>
      %dma_wait3A_19 = arith.constant 0 : i32
      %dma_wait3A_20 = tpu.memref_slice %arg13[%mul3A_10, %dma_wait3A_19] : memref<10240x128xf32, #tpu.memory_space<vmem_shared>> -> memref<640x128xf32, #tpu.memory_space<vmem_shared>>
      tpu.wait_dma2 semaphore(%run_scoped3A : memref<!tpu.dma_semaphore, #tpu.memory_space<semaphore_mem>>) src(%dma_wait3A_20 : memref<640x128xf32, #tpu.memory_space<vmem_shared>>) dst(%dma_wait3A_18 : memref<640x128xf32, #tpu.memory_space<hbm>>)
      tpu.yield
    }) : () -> ()
    return
  }
}

#map = affine_map<(d0, d1) -> (0, 0)>
#map1 = affine_map<(d0, d1) -> (0, 0, 0)>
module attributes {stable_mosaic.version = 14 : i64} {
  func.func @seg(%arg0: i32, %arg1: i32, %arg2: memref<20000x128xf32, #tpu.memory_space<hbm>>, %arg3: memref<32x320x64xi32, #tpu.memory_space<hbm>>, %arg4: memref<32x320x64xi32, #tpu.memory_space<hbm>>, %arg5: memref<640x128xf32, #tpu.memory_space<hbm>>, %arg6: memref<2x10240x128xf32, #tpu.memory_space<hbm>>, %arg7: memref<40x64xi32, #tpu.memory_space<vmem>>, %arg8: memref<40x64xi32, #tpu.memory_space<vmem>>, %arg9: memref<64x128xf32, #tpu.memory_space<vmem>>, %arg10: memref<64x128xf32, #tpu.memory_space<vmem>>, %arg11: memref<64x128xf32, #tpu.memory_space<vmem>>, %arg12: memref<64x128xf32, #tpu.memory_space<vmem>>, %arg13: memref<10240x128xf32, #tpu.memory_space<vmem_shared>>, %arg14: memref<!tpu.dma_semaphore, #tpu.memory_space<semaphore_mem>>, %arg15: memref<!tpu.dma_semaphore, #tpu.memory_space<semaphore_mem>>, %arg16: memref<!tpu.dma_semaphore, #tpu.memory_space<semaphore_mem>>, %arg17: memref<!tpu.dma_semaphore, #tpu.memory_space<semaphore_mem>>) attributes {dimension_semantics = [#tpu.dimension_semantics<core_parallel>, #tpu.dimension_semantics<subcore_parallel>], iteration_bounds = array<i64: 2, 16>, scalar_prefetch = 0 : i64, scratch_operands = 11 : i64, tpu.core_type = #tpu.core_type<sc_vector_subcore>, window_params = [{transform_indices = #map}, {transform_indices = #map1}, {transform_indices = #map1}, {transform_indices = #map}, {transform_indices = #map1}]} {
    %mul3A = arith.constant 16 : i32
    %mul3A_0 = arith.muli %arg0, %mul3A : i32
    %add3A = arith.addi %mul3A_0, %arg1 : i32
    %mul3A_1 = arith.constant 640 : i32
    %mul3A_2 = arith.muli %arg1, %mul3A_1 : i32
    "tpu.region"() ({
      %run_scoped3A = tpu.sem_alloc : memref<!tpu.dma_semaphore, #tpu.memory_space<semaphore_mem>>
      %dma_start3A = arith.constant 0 : i32
      %dma_start3A_13 = tpu.memref_slice %arg13[%mul3A_2, %dma_start3A] : memref<10240x128xf32, #tpu.memory_space<vmem_shared>> -> memref<640x128xf32, #tpu.memory_space<vmem_shared>>
      tpu.enqueue_dma source(%arg5 : memref<640x128xf32, #tpu.memory_space<hbm>>) target(%dma_start3A_13 : memref<640x128xf32, #tpu.memory_space<vmem_shared>>) target_semaphore(%run_scoped3A : memref<!tpu.dma_semaphore, #tpu.memory_space<semaphore_mem>>)
      %dma_wait3A = arith.constant 0 : i32
      %dma_wait3A_14 = tpu.memref_slice %arg13[%mul3A_2, %dma_wait3A] : memref<10240x128xf32, #tpu.memory_space<vmem_shared>> -> memref<640x128xf32, #tpu.memory_space<vmem_shared>>
      tpu.wait_dma2 semaphore(%run_scoped3A : memref<!tpu.dma_semaphore, #tpu.memory_space<semaphore_mem>>) src(%arg5 : memref<640x128xf32, #tpu.memory_space<hbm>>) dst(%dma_wait3A_14 : memref<640x128xf32, #tpu.memory_space<vmem_shared>>)
      tpu.yield
    }) : () -> ()
    %barrier3A = arith.constant 0 : index
    tpu.barrier barrier_id(%barrier3A)
    %scan3A = arith.constant 0 : i32
    %scan3A_3 = arith.constant 0 : i32
    %scan3A_4 = arith.constant 8 : i32
    %scan3A_5 = arith.addi %scan3A_3, %scan3A_4 : i32
    %scan3A_6 = arith.constant 1 : i32
    scf.for %scan3A_13 = %scan3A_3 to %scan3A_5 step %scan3A_6  : i32 {
      %mul3A_14 = arith.constant 40 : i32
      %mul3A_15 = arith.muli %scan3A_13, %mul3A_14 : i32
      "tpu.region"() ({
        %run_scoped3A = tpu.sem_alloc : memref<!tpu.dma_semaphore, #tpu.memory_space<semaphore_mem>>
        %dma_start3A_51 = arith.constant 0 : i32
        %dma_start3A_52 = tpu.memref_slice %arg3[%add3A, %mul3A_15, %dma_start3A_51] : memref<32x320x64xi32, #tpu.memory_space<hbm>> -> memref<1x40x64xi32, #tpu.memory_space<hbm>>
        %dma_start3A_53 = tpu.memref_squeeze %dma_start3A_52 : memref<1x40x64xi32, #tpu.memory_space<hbm>> -> memref<40x64xi32, #tpu.memory_space<hbm>>
        %dma_start3A_54 = arith.constant 0 : i32
        %dma_start3A_55 = tpu.memref_slice %arg3[%add3A, %mul3A_15, %dma_start3A_54] : memref<32x320x64xi32, #tpu.memory_space<hbm>> -> memref<1x40x64xi32, #tpu.memory_space<hbm>>
        %dma_start3A_56 = tpu.memref_squeeze %dma_start3A_55 : memref<1x40x64xi32, #tpu.memory_space<hbm>> -> memref<40x64xi32, #tpu.memory_space<hbm>>
        tpu.enqueue_dma source(%dma_start3A_56 : memref<40x64xi32, #tpu.memory_space<hbm>>) target(%arg7 : memref<40x64xi32, #tpu.memory_space<vmem>>) target_semaphore(%run_scoped3A : memref<!tpu.dma_semaphore, #tpu.memory_space<semaphore_mem>>)
        %dma_wait3A = arith.constant 0 : i32
        %dma_wait3A_57 = tpu.memref_slice %arg3[%add3A, %mul3A_15, %dma_wait3A] : memref<32x320x64xi32, #tpu.memory_space<hbm>> -> memref<1x40x64xi32, #tpu.memory_space<hbm>>
        %dma_wait3A_58 = tpu.memref_squeeze %dma_wait3A_57 : memref<1x40x64xi32, #tpu.memory_space<hbm>> -> memref<40x64xi32, #tpu.memory_space<hbm>>
        %dma_wait3A_59 = arith.constant 0 : i32
        %dma_wait3A_60 = tpu.memref_slice %arg3[%add3A, %mul3A_15, %dma_wait3A_59] : memref<32x320x64xi32, #tpu.memory_space<hbm>> -> memref<1x40x64xi32, #tpu.memory_space<hbm>>
        %dma_wait3A_61 = tpu.memref_squeeze %dma_wait3A_60 : memref<1x40x64xi32, #tpu.memory_space<hbm>> -> memref<40x64xi32, #tpu.memory_space<hbm>>
        tpu.wait_dma2 semaphore(%run_scoped3A : memref<!tpu.dma_semaphore, #tpu.memory_space<semaphore_mem>>) src(%dma_wait3A_61 : memref<40x64xi32, #tpu.memory_space<hbm>>) dst(%arg7 : memref<40x64xi32, #tpu.memory_space<vmem>>)
        tpu.yield
      }) : () -> ()
      %mul3A_16 = arith.constant 40 : i32
      %mul3A_17 = arith.muli %scan3A_13, %mul3A_16 : i32
      "tpu.region"() ({
        %run_scoped3A = tpu.sem_alloc : memref<!tpu.dma_semaphore, #tpu.memory_space<semaphore_mem>>
        %dma_start3A_51 = arith.constant 0 : i32
        %dma_start3A_52 = tpu.memref_slice %arg4[%add3A, %mul3A_17, %dma_start3A_51] : memref<32x320x64xi32, #tpu.memory_space<hbm>> -> memref<1x40x64xi32, #tpu.memory_space<hbm>>
        %dma_start3A_53 = tpu.memref_squeeze %dma_start3A_52 : memref<1x40x64xi32, #tpu.memory_space<hbm>> -> memref<40x64xi32, #tpu.memory_space<hbm>>
        %dma_start3A_54 = arith.constant 0 : i32
        %dma_start3A_55 = tpu.memref_slice %arg4[%add3A, %mul3A_17, %dma_start3A_54] : memref<32x320x64xi32, #tpu.memory_space<hbm>> -> memref<1x40x64xi32, #tpu.memory_space<hbm>>
        %dma_start3A_56 = tpu.memref_squeeze %dma_start3A_55 : memref<1x40x64xi32, #tpu.memory_space<hbm>> -> memref<40x64xi32, #tpu.memory_space<hbm>>
        tpu.enqueue_dma source(%dma_start3A_56 : memref<40x64xi32, #tpu.memory_space<hbm>>) target(%arg8 : memref<40x64xi32, #tpu.memory_space<vmem>>) target_semaphore(%run_scoped3A : memref<!tpu.dma_semaphore, #tpu.memory_space<semaphore_mem>>)
        %dma_wait3A = arith.constant 0 : i32
        %dma_wait3A_57 = tpu.memref_slice %arg4[%add3A, %mul3A_17, %dma_wait3A] : memref<32x320x64xi32, #tpu.memory_space<hbm>> -> memref<1x40x64xi32, #tpu.memory_space<hbm>>
        %dma_wait3A_58 = tpu.memref_squeeze %dma_wait3A_57 : memref<1x40x64xi32, #tpu.memory_space<hbm>> -> memref<40x64xi32, #tpu.memory_space<hbm>>
        %dma_wait3A_59 = arith.constant 0 : i32
        %dma_wait3A_60 = tpu.memref_slice %arg4[%add3A, %mul3A_17, %dma_wait3A_59] : memref<32x320x64xi32, #tpu.memory_space<hbm>> -> memref<1x40x64xi32, #tpu.memory_space<hbm>>
        %dma_wait3A_61 = tpu.memref_squeeze %dma_wait3A_60 : memref<1x40x64xi32, #tpu.memory_space<hbm>> -> memref<40x64xi32, #tpu.memory_space<hbm>>
        tpu.wait_dma2 semaphore(%run_scoped3A : memref<!tpu.dma_semaphore, #tpu.memory_space<semaphore_mem>>) src(%dma_wait3A_61 : memref<40x64xi32, #tpu.memory_space<hbm>>) dst(%arg8 : memref<40x64xi32, #tpu.memory_space<vmem>>)
        tpu.yield
      }) : () -> ()
      %dma_start3A = arith.constant 0 : i32
      %dma_start3A_18 = arith.constant 0 : i32
      %dma_start3A_19 = tpu.memref_slice %arg7[%dma_start3A, %dma_start3A_18] : memref<40x64xi32, #tpu.memory_space<vmem>> -> memref<1x64xi32, #tpu.memory_space<vmem>>
      %dma_start3A_20 = tpu.memref_squeeze %dma_start3A_19 : memref<1x64xi32, #tpu.memory_space<vmem>> -> memref<64xi32, #tpu.memory_space<vmem>>
      %dma_start3A_21 = arith.constant 0 : i32
      %dma_start3A_22 = arith.constant 0 : i32
      %dma_start3A_23 = tpu.memref_slice %arg2[%dma_start3A_21, %dma_start3A_22] : memref<20000x128xf32, #tpu.memory_space<hbm>> -> memref<20000x128xf32, #tpu.memory_space<hbm>>
      tpu.enqueue_indirect_dma source(%dma_start3A_23 : memref<20000x128xf32, #tpu.memory_space<hbm>>) target(%arg9 : memref<64x128xf32, #tpu.memory_space<vmem>>) offsets(%dma_start3A_20 : memref<64xi32, #tpu.memory_space<vmem>>) semaphore(%arg14 : memref<!tpu.dma_semaphore, #tpu.memory_space<semaphore_mem>>)
      %dma_start3A_24 = arith.constant 1 : i32
      %dma_start3A_25 = arith.constant 0 : i32
      %dma_start3A_26 = tpu.memref_slice %arg7[%dma_start3A_24, %dma_start3A_25] : memref<40x64xi32, #tpu.memory_space<vmem>> -> memref<1x64xi32, #tpu.memory_space<vmem>>
      %dma_start3A_27 = tpu.memref_squeeze %dma_start3A_26 : memref<1x64xi32, #tpu.memory_space<vmem>> -> memref<64xi32, #tpu.memory_space<vmem>>
      %dma_start3A_28 = arith.constant 0 : i32
      %dma_start3A_29 = arith.constant 0 : i32
      %dma_start3A_30 = tpu.memref_slice %arg2[%dma_start3A_28, %dma_start3A_29] : memref<20000x128xf32, #tpu.memory_space<hbm>> -> memref<20000x128xf32, #tpu.memory_space<hbm>>
      tpu.enqueue_indirect_dma source(%dma_start3A_30 : memref<20000x128xf32, #tpu.memory_space<hbm>>) target(%arg10 : memref<64x128xf32, #tpu.memory_space<vmem>>) offsets(%dma_start3A_27 : memref<64xi32, #tpu.memory_space<vmem>>) semaphore(%arg15 : memref<!tpu.dma_semaphore, #tpu.memory_space<semaphore_mem>>)
      %dma_start3A_31 = arith.constant 2 : i32
      %dma_start3A_32 = arith.constant 0 : i32
      %dma_start3A_33 = tpu.memref_slice %arg7[%dma_start3A_31, %dma_start3A_32] : memref<40x64xi32, #tpu.memory_space<vmem>> -> memref<1x64xi32, #tpu.memory_space<vmem>>
      %dma_start3A_34 = tpu.memref_squeeze %dma_start3A_33 : memref<1x64xi32, #tpu.memory_space<vmem>> -> memref<64xi32, #tpu.memory_space<vmem>>
      %dma_start3A_35 = arith.constant 0 : i32
      %dma_start3A_36 = arith.constant 0 : i32
      %dma_start3A_37 = tpu.memref_slice %arg2[%dma_start3A_35, %dma_start3A_36] : memref<20000x128xf32, #tpu.memory_space<hbm>> -> memref<20000x128xf32, #tpu.memory_space<hbm>>
      tpu.enqueue_indirect_dma source(%dma_start3A_37 : memref<20000x128xf32, #tpu.memory_space<hbm>>) target(%arg11 : memref<64x128xf32, #tpu.memory_space<vmem>>) offsets(%dma_start3A_34 : memref<64xi32, #tpu.memory_space<vmem>>) semaphore(%arg16 : memref<!tpu.dma_semaphore, #tpu.memory_space<semaphore_mem>>)
      %dma_start3A_38 = arith.constant 3 : i32
      %dma_start3A_39 = arith.constant 0 : i32
      %dma_start3A_40 = tpu.memref_slice %arg7[%dma_start3A_38, %dma_start3A_39] : memref<40x64xi32, #tpu.memory_space<vmem>> -> memref<1x64xi32, #tpu.memory_space<vmem>>
      %dma_start3A_41 = tpu.memref_squeeze %dma_start3A_40 : memref<1x64xi32, #tpu.memory_space<vmem>> -> memref<64xi32, #tpu.memory_space<vmem>>
      %dma_start3A_42 = arith.constant 0 : i32
      %dma_start3A_43 = arith.constant 0 : i32
      %dma_start3A_44 = tpu.memref_slice %arg2[%dma_start3A_42, %dma_start3A_43] : memref<20000x128xf32, #tpu.memory_space<hbm>> -> memref<20000x128xf32, #tpu.memory_space<hbm>>
      tpu.enqueue_indirect_dma source(%dma_start3A_44 : memref<20000x128xf32, #tpu.memory_space<hbm>>) target(%arg12 : memref<64x128xf32, #tpu.memory_space<vmem>>) offsets(%dma_start3A_41 : memref<64xi32, #tpu.memory_space<vmem>>) semaphore(%arg17 : memref<!tpu.dma_semaphore, #tpu.memory_space<semaphore_mem>>)
      %scan3A_45 = arith.constant 0 : i32
      %scan3A_46 = arith.constant 0 : i32
      %scan3A_47 = arith.constant 10 : i32
      %scan3A_48 = arith.addi %scan3A_46, %scan3A_47 : i32
      %scan3A_49 = arith.constant 1 : i32
      scf.for %scan3A_51 = %scan3A_46 to %scan3A_48 step %scan3A_49  : i32 {
        %mul3A_52 = arith.constant 4 : i32
        %mul3A_53 = arith.muli %mul3A_52, %scan3A_51 : i32
        %add3A_54 = arith.constant 0 : i32
        %add3A_55 = arith.addi %mul3A_53, %add3A_54 : i32
        %dma_wait3A = arith.constant 0 : i32
        %dma_wait3A_56 = arith.constant 0 : i32
        %dma_wait3A_57 = tpu.memref_slice %arg2[%dma_wait3A, %dma_wait3A_56] : memref<20000x128xf32, #tpu.memory_space<hbm>> -> memref<64x128xf32, #tpu.memory_space<hbm>>
        %dma_wait3A_58 = arith.constant 0 : i32
        %dma_wait3A_59 = arith.constant 0 : i32
        %dma_wait3A_60 = tpu.memref_slice %arg2[%dma_wait3A_58, %dma_wait3A_59] : memref<20000x128xf32, #tpu.memory_space<hbm>> -> memref<64x128xf32, #tpu.memory_space<hbm>>
        tpu.wait_dma2 semaphore(%arg14 : memref<!tpu.dma_semaphore, #tpu.memory_space<semaphore_mem>>) src(%dma_wait3A_60 : memref<64x128xf32, #tpu.memory_space<hbm>>) dst(%arg9 : memref<64x128xf32, #tpu.memory_space<vmem>>)
        "tpu.region"() ({
          %run_scoped3A = tpu.sem_alloc : memref<!tpu.dma_semaphore, #tpu.memory_space<semaphore_mem>>
          %dma_start3A_110 = arith.constant 0 : i32
          %dma_start3A_111 = tpu.memref_slice %arg8[%add3A_55, %dma_start3A_110] : memref<40x64xi32, #tpu.memory_space<vmem>> -> memref<1x64xi32, #tpu.memory_space<vmem>>
          %dma_start3A_112 = tpu.memref_squeeze %dma_start3A_111 : memref<1x64xi32, #tpu.memory_space<vmem>> -> memref<64xi32, #tpu.memory_space<vmem>>
          %dma_start3A_113 = arith.constant 0 : i32
          %dma_start3A_114 = arith.constant 0 : i32
          %dma_start3A_115 = tpu.memref_slice %arg13[%dma_start3A_113, %dma_start3A_114] : memref<10240x128xf32, #tpu.memory_space<vmem_shared>> -> memref<10240x128xf32, #tpu.memory_space<vmem_shared>>
          tpu.enqueue_indirect_dma source(%arg9 : memref<64x128xf32, #tpu.memory_space<vmem>>) target(%dma_start3A_115 : memref<10240x128xf32, #tpu.memory_space<vmem_shared>>) offsets(%dma_start3A_112 : memref<64xi32, #tpu.memory_space<vmem>>) semaphore(%run_scoped3A : memref<!tpu.dma_semaphore, #tpu.memory_space<semaphore_mem>>) {add = true}
          %dma_wait3A_116 = arith.constant 0 : i32
          %dma_wait3A_117 = tpu.memref_slice %arg8[%add3A_55, %dma_wait3A_116] : memref<40x64xi32, #tpu.memory_space<vmem>> -> memref<1x64xi32, #tpu.memory_space<vmem>>
          %dma_wait3A_118 = tpu.memref_squeeze %dma_wait3A_117 : memref<1x64xi32, #tpu.memory_space<vmem>> -> memref<64xi32, #tpu.memory_space<vmem>>
          %dma_wait3A_119 = arith.constant 0 : i32
          %dma_wait3A_120 = arith.constant 0 : i32
          %dma_wait3A_121 = tpu.memref_slice %arg13[%dma_wait3A_119, %dma_wait3A_120] : memref<10240x128xf32, #tpu.memory_space<vmem_shared>> -> memref<10240x128xf32, #tpu.memory_space<vmem_shared>>
          tpu.wait_indirect_dma semaphore(%run_scoped3A : memref<!tpu.dma_semaphore, #tpu.memory_space<semaphore_mem>>) src(%arg9 : memref<64x128xf32, #tpu.memory_space<vmem>>) dst(%dma_wait3A_121 : memref<10240x128xf32, #tpu.memory_space<vmem_shared>>)
          tpu.yield
        }) : () -> ()
        %add3A_61 = arith.constant 4 : i32
        %add3A_62 = arith.addi %add3A_55, %add3A_61 : i32
        %lt3A = arith.constant 40 : i32
        %lt3A_63 = arith.cmpi slt, %add3A_62, %lt3A : i32
        %convert_element_type3A = arith.extui %lt3A_63 : i1 to i32
        %cond3A = arith.constant 0 : i32
        %cond3A_64 = arith.cmpi ne, %convert_element_type3A, %cond3A : i32
        scf.if %cond3A_64 {
          %add3A_110 = arith.constant 4 : i32
          %add3A_111 = arith.addi %add3A_55, %add3A_110 : i32
          %dma_start3A_112 = arith.constant 0 : i32
          %dma_start3A_113 = tpu.memref_slice %arg7[%add3A_111, %dma_start3A_112] : memref<40x64xi32, #tpu.memory_space<vmem>> -> memref<1x64xi32, #tpu.memory_space<vmem>>
          %dma_start3A_114 = tpu.memref_squeeze %dma_start3A_113 : memref<1x64xi32, #tpu.memory_space<vmem>> -> memref<64xi32, #tpu.memory_space<vmem>>
          %dma_start3A_115 = arith.constant 0 : i32
          %dma_start3A_116 = arith.constant 0 : i32
          %dma_start3A_117 = tpu.memref_slice %arg2[%dma_start3A_115, %dma_start3A_116] : memref<20000x128xf32, #tpu.memory_space<hbm>> -> memref<20000x128xf32, #tpu.memory_space<hbm>>
          tpu.enqueue_indirect_dma source(%dma_start3A_117 : memref<20000x128xf32, #tpu.memory_space<hbm>>) target(%arg9 : memref<64x128xf32, #tpu.memory_space<vmem>>) offsets(%dma_start3A_114 : memref<64xi32, #tpu.memory_space<vmem>>) semaphore(%arg14 : memref<!tpu.dma_semaphore, #tpu.memory_space<semaphore_mem>>)
        } else {
        }
        %add3A_65 = arith.constant 1 : i32
        %add3A_66 = arith.addi %mul3A_53, %add3A_65 : i32
        %dma_wait3A_67 = arith.constant 0 : i32
        %dma_wait3A_68 = arith.constant 0 : i32
        %dma_wait3A_69 = tpu.memref_slice %arg2[%dma_wait3A_67, %dma_wait3A_68] : memref<20000x128xf32, #tpu.memory_space<hbm>> -> memref<64x128xf32, #tpu.memory_space<hbm>>
        %dma_wait3A_70 = arith.constant 0 : i32
        %dma_wait3A_71 = arith.constant 0 : i32
        %dma_wait3A_72 = tpu.memref_slice %arg2[%dma_wait3A_70, %dma_wait3A_71] : memref<20000x128xf32, #tpu.memory_space<hbm>> -> memref<64x128xf32, #tpu.memory_space<hbm>>
        tpu.wait_dma2 semaphore(%arg15 : memref<!tpu.dma_semaphore, #tpu.memory_space<semaphore_mem>>) src(%dma_wait3A_72 : memref<64x128xf32, #tpu.memory_space<hbm>>) dst(%arg10 : memref<64x128xf32, #tpu.memory_space<vmem>>)
        "tpu.region"() ({
          %run_scoped3A = tpu.sem_alloc : memref<!tpu.dma_semaphore, #tpu.memory_space<semaphore_mem>>
          %dma_start3A_110 = arith.constant 0 : i32
          %dma_start3A_111 = tpu.memref_slice %arg8[%add3A_66, %dma_start3A_110] : memref<40x64xi32, #tpu.memory_space<vmem>> -> memref<1x64xi32, #tpu.memory_space<vmem>>
          %dma_start3A_112 = tpu.memref_squeeze %dma_start3A_111 : memref<1x64xi32, #tpu.memory_space<vmem>> -> memref<64xi32, #tpu.memory_space<vmem>>
          %dma_start3A_113 = arith.constant 0 : i32
          %dma_start3A_114 = arith.constant 0 : i32
          %dma_start3A_115 = tpu.memref_slice %arg13[%dma_start3A_113, %dma_start3A_114] : memref<10240x128xf32, #tpu.memory_space<vmem_shared>> -> memref<10240x128xf32, #tpu.memory_space<vmem_shared>>
          tpu.enqueue_indirect_dma source(%arg10 : memref<64x128xf32, #tpu.memory_space<vmem>>) target(%dma_start3A_115 : memref<10240x128xf32, #tpu.memory_space<vmem_shared>>) offsets(%dma_start3A_112 : memref<64xi32, #tpu.memory_space<vmem>>) semaphore(%run_scoped3A : memref<!tpu.dma_semaphore, #tpu.memory_space<semaphore_mem>>) {add = true}
          %dma_wait3A_116 = arith.constant 0 : i32
          %dma_wait3A_117 = tpu.memref_slice %arg8[%add3A_66, %dma_wait3A_116] : memref<40x64xi32, #tpu.memory_space<vmem>> -> memref<1x64xi32, #tpu.memory_space<vmem>>
          %dma_wait3A_118 = tpu.memref_squeeze %dma_wait3A_117 : memref<1x64xi32, #tpu.memory_space<vmem>> -> memref<64xi32, #tpu.memory_space<vmem>>
          %dma_wait3A_119 = arith.constant 0 : i32
          %dma_wait3A_120 = arith.constant 0 : i32
          %dma_wait3A_121 = tpu.memref_slice %arg13[%dma_wait3A_119, %dma_wait3A_120] : memref<10240x128xf32, #tpu.memory_space<vmem_shared>> -> memref<10240x128xf32, #tpu.memory_space<vmem_shared>>
          tpu.wait_indirect_dma semaphore(%run_scoped3A : memref<!tpu.dma_semaphore, #tpu.memory_space<semaphore_mem>>) src(%arg10 : memref<64x128xf32, #tpu.memory_space<vmem>>) dst(%dma_wait3A_121 : memref<10240x128xf32, #tpu.memory_space<vmem_shared>>)
          tpu.yield
        }) : () -> ()
        %add3A_73 = arith.constant 4 : i32
        %add3A_74 = arith.addi %add3A_66, %add3A_73 : i32
        %lt3A_75 = arith.constant 40 : i32
        %lt3A_76 = arith.cmpi slt, %add3A_74, %lt3A_75 : i32
        %convert_element_type3A_77 = arith.extui %lt3A_76 : i1 to i32
        %cond3A_78 = arith.constant 0 : i32
        %cond3A_79 = arith.cmpi ne, %convert_element_type3A_77, %cond3A_78 : i32
        scf.if %cond3A_79 {
          %add3A_110 = arith.constant 4 : i32
          %add3A_111 = arith.addi %add3A_66, %add3A_110 : i32
          %dma_start3A_112 = arith.constant 0 : i32
          %dma_start3A_113 = tpu.memref_slice %arg7[%add3A_111, %dma_start3A_112] : memref<40x64xi32, #tpu.memory_space<vmem>> -> memref<1x64xi32, #tpu.memory_space<vmem>>
          %dma_start3A_114 = tpu.memref_squeeze %dma_start3A_113 : memref<1x64xi32, #tpu.memory_space<vmem>> -> memref<64xi32, #tpu.memory_space<vmem>>
          %dma_start3A_115 = arith.constant 0 : i32
          %dma_start3A_116 = arith.constant 0 : i32
          %dma_start3A_117 = tpu.memref_slice %arg2[%dma_start3A_115, %dma_start3A_116] : memref<20000x128xf32, #tpu.memory_space<hbm>> -> memref<20000x128xf32, #tpu.memory_space<hbm>>
          tpu.enqueue_indirect_dma source(%dma_start3A_117 : memref<20000x128xf32, #tpu.memory_space<hbm>>) target(%arg10 : memref<64x128xf32, #tpu.memory_space<vmem>>) offsets(%dma_start3A_114 : memref<64xi32, #tpu.memory_space<vmem>>) semaphore(%arg15 : memref<!tpu.dma_semaphore, #tpu.memory_space<semaphore_mem>>)
        } else {
        }
        %add3A_80 = arith.constant 2 : i32
        %add3A_81 = arith.addi %mul3A_53, %add3A_80 : i32
        %dma_wait3A_82 = arith.constant 0 : i32
        %dma_wait3A_83 = arith.constant 0 : i32
        %dma_wait3A_84 = tpu.memref_slice %arg2[%dma_wait3A_82, %dma_wait3A_83] : memref<20000x128xf32, #tpu.memory_space<hbm>> -> memref<64x128xf32, #tpu.memory_space<hbm>>
        %dma_wait3A_85 = arith.constant 0 : i32
        %dma_wait3A_86 = arith.constant 0 : i32
        %dma_wait3A_87 = tpu.memref_slice %arg2[%dma_wait3A_85, %dma_wait3A_86] : memref<20000x128xf32, #tpu.memory_space<hbm>> -> memref<64x128xf32, #tpu.memory_space<hbm>>
        tpu.wait_dma2 semaphore(%arg16 : memref<!tpu.dma_semaphore, #tpu.memory_space<semaphore_mem>>) src(%dma_wait3A_87 : memref<64x128xf32, #tpu.memory_space<hbm>>) dst(%arg11 : memref<64x128xf32, #tpu.memory_space<vmem>>)
        "tpu.region"() ({
          %run_scoped3A = tpu.sem_alloc : memref<!tpu.dma_semaphore, #tpu.memory_space<semaphore_mem>>
          %dma_start3A_110 = arith.constant 0 : i32
          %dma_start3A_111 = tpu.memref_slice %arg8[%add3A_81, %dma_start3A_110] : memref<40x64xi32, #tpu.memory_space<vmem>> -> memref<1x64xi32, #tpu.memory_space<vmem>>
          %dma_start3A_112 = tpu.memref_squeeze %dma_start3A_111 : memref<1x64xi32, #tpu.memory_space<vmem>> -> memref<64xi32, #tpu.memory_space<vmem>>
          %dma_start3A_113 = arith.constant 0 : i32
          %dma_start3A_114 = arith.constant 0 : i32
          %dma_start3A_115 = tpu.memref_slice %arg13[%dma_start3A_113, %dma_start3A_114] : memref<10240x128xf32, #tpu.memory_space<vmem_shared>> -> memref<10240x128xf32, #tpu.memory_space<vmem_shared>>
          tpu.enqueue_indirect_dma source(%arg11 : memref<64x128xf32, #tpu.memory_space<vmem>>) target(%dma_start3A_115 : memref<10240x128xf32, #tpu.memory_space<vmem_shared>>) offsets(%dma_start3A_112 : memref<64xi32, #tpu.memory_space<vmem>>) semaphore(%run_scoped3A : memref<!tpu.dma_semaphore, #tpu.memory_space<semaphore_mem>>) {add = true}
          %dma_wait3A_116 = arith.constant 0 : i32
          %dma_wait3A_117 = tpu.memref_slice %arg8[%add3A_81, %dma_wait3A_116] : memref<40x64xi32, #tpu.memory_space<vmem>> -> memref<1x64xi32, #tpu.memory_space<vmem>>
          %dma_wait3A_118 = tpu.memref_squeeze %dma_wait3A_117 : memref<1x64xi32, #tpu.memory_space<vmem>> -> memref<64xi32, #tpu.memory_space<vmem>>
          %dma_wait3A_119 = arith.constant 0 : i32
          %dma_wait3A_120 = arith.constant 0 : i32
          %dma_wait3A_121 = tpu.memref_slice %arg13[%dma_wait3A_119, %dma_wait3A_120] : memref<10240x128xf32, #tpu.memory_space<vmem_shared>> -> memref<10240x128xf32, #tpu.memory_space<vmem_shared>>
          tpu.wait_indirect_dma semaphore(%run_scoped3A : memref<!tpu.dma_semaphore, #tpu.memory_space<semaphore_mem>>) src(%arg11 : memref<64x128xf32, #tpu.memory_space<vmem>>) dst(%dma_wait3A_121 : memref<10240x128xf32, #tpu.memory_space<vmem_shared>>)
          tpu.yield
        }) : () -> ()
        %add3A_88 = arith.constant 4 : i32
        %add3A_89 = arith.addi %add3A_81, %add3A_88 : i32
        %lt3A_90 = arith.constant 40 : i32
        %lt3A_91 = arith.cmpi slt, %add3A_89, %lt3A_90 : i32
        %convert_element_type3A_92 = arith.extui %lt3A_91 : i1 to i32
        %cond3A_93 = arith.constant 0 : i32
        %cond3A_94 = arith.cmpi ne, %convert_element_type3A_92, %cond3A_93 : i32
        scf.if %cond3A_94 {
          %add3A_110 = arith.constant 4 : i32
          %add3A_111 = arith.addi %add3A_81, %add3A_110 : i32
          %dma_start3A_112 = arith.constant 0 : i32
          %dma_start3A_113 = tpu.memref_slice %arg7[%add3A_111, %dma_start3A_112] : memref<40x64xi32, #tpu.memory_space<vmem>> -> memref<1x64xi32, #tpu.memory_space<vmem>>
          %dma_start3A_114 = tpu.memref_squeeze %dma_start3A_113 : memref<1x64xi32, #tpu.memory_space<vmem>> -> memref<64xi32, #tpu.memory_space<vmem>>
          %dma_start3A_115 = arith.constant 0 : i32
          %dma_start3A_116 = arith.constant 0 : i32
          %dma_start3A_117 = tpu.memref_slice %arg2[%dma_start3A_115, %dma_start3A_116] : memref<20000x128xf32, #tpu.memory_space<hbm>> -> memref<20000x128xf32, #tpu.memory_space<hbm>>
          tpu.enqueue_indirect_dma source(%dma_start3A_117 : memref<20000x128xf32, #tpu.memory_space<hbm>>) target(%arg11 : memref<64x128xf32, #tpu.memory_space<vmem>>) offsets(%dma_start3A_114 : memref<64xi32, #tpu.memory_space<vmem>>) semaphore(%arg16 : memref<!tpu.dma_semaphore, #tpu.memory_space<semaphore_mem>>)
        } else {
        }
        %add3A_95 = arith.constant 3 : i32
        %add3A_96 = arith.addi %mul3A_53, %add3A_95 : i32
        %dma_wait3A_97 = arith.constant 0 : i32
        %dma_wait3A_98 = arith.constant 0 : i32
        %dma_wait3A_99 = tpu.memref_slice %arg2[%dma_wait3A_97, %dma_wait3A_98] : memref<20000x128xf32, #tpu.memory_space<hbm>> -> memref<64x128xf32, #tpu.memory_space<hbm>>
        %dma_wait3A_100 = arith.constant 0 : i32
        %dma_wait3A_101 = arith.constant 0 : i32
        %dma_wait3A_102 = tpu.memref_slice %arg2[%dma_wait3A_100, %dma_wait3A_101] : memref<20000x128xf32, #tpu.memory_space<hbm>> -> memref<64x128xf32, #tpu.memory_space<hbm>>
        tpu.wait_dma2 semaphore(%arg17 : memref<!tpu.dma_semaphore, #tpu.memory_space<semaphore_mem>>) src(%dma_wait3A_102 : memref<64x128xf32, #tpu.memory_space<hbm>>) dst(%arg12 : memref<64x128xf32, #tpu.memory_space<vmem>>)
        "tpu.region"() ({
          %run_scoped3A = tpu.sem_alloc : memref<!tpu.dma_semaphore, #tpu.memory_space<semaphore_mem>>
          %dma_start3A_110 = arith.constant 0 : i32
          %dma_start3A_111 = tpu.memref_slice %arg8[%add3A_96, %dma_start3A_110] : memref<40x64xi32, #tpu.memory_space<vmem>> -> memref<1x64xi32, #tpu.memory_space<vmem>>
          %dma_start3A_112 = tpu.memref_squeeze %dma_start3A_111 : memref<1x64xi32, #tpu.memory_space<vmem>> -> memref<64xi32, #tpu.memory_space<vmem>>
          %dma_start3A_113 = arith.constant 0 : i32
          %dma_start3A_114 = arith.constant 0 : i32
          %dma_start3A_115 = tpu.memref_slice %arg13[%dma_start3A_113, %dma_start3A_114] : memref<10240x128xf32, #tpu.memory_space<vmem_shared>> -> memref<10240x128xf32, #tpu.memory_space<vmem_shared>>
          tpu.enqueue_indirect_dma source(%arg12 : memref<64x128xf32, #tpu.memory_space<vmem>>) target(%dma_start3A_115 : memref<10240x128xf32, #tpu.memory_space<vmem_shared>>) offsets(%dma_start3A_112 : memref<64xi32, #tpu.memory_space<vmem>>) semaphore(%run_scoped3A : memref<!tpu.dma_semaphore, #tpu.memory_space<semaphore_mem>>) {add = true}
          %dma_wait3A_116 = arith.constant 0 : i32
          %dma_wait3A_117 = tpu.memref_slice %arg8[%add3A_96, %dma_wait3A_116] : memref<40x64xi32, #tpu.memory_space<vmem>> -> memref<1x64xi32, #tpu.memory_space<vmem>>
          %dma_wait3A_118 = tpu.memref_squeeze %dma_wait3A_117 : memref<1x64xi32, #tpu.memory_space<vmem>> -> memref<64xi32, #tpu.memory_space<vmem>>
          %dma_wait3A_119 = arith.constant 0 : i32
          %dma_wait3A_120 = arith.constant 0 : i32
          %dma_wait3A_121 = tpu.memref_slice %arg13[%dma_wait3A_119, %dma_wait3A_120] : memref<10240x128xf32, #tpu.memory_space<vmem_shared>> -> memref<10240x128xf32, #tpu.memory_space<vmem_shared>>
          tpu.wait_indirect_dma semaphore(%run_scoped3A : memref<!tpu.dma_semaphore, #tpu.memory_space<semaphore_mem>>) src(%arg12 : memref<64x128xf32, #tpu.memory_space<vmem>>) dst(%dma_wait3A_121 : memref<10240x128xf32, #tpu.memory_space<vmem_shared>>)
          tpu.yield
        }) : () -> ()
        %add3A_103 = arith.constant 4 : i32
        %add3A_104 = arith.addi %add3A_96, %add3A_103 : i32
        %lt3A_105 = arith.constant 40 : i32
        %lt3A_106 = arith.cmpi slt, %add3A_104, %lt3A_105 : i32
        %convert_element_type3A_107 = arith.extui %lt3A_106 : i1 to i32
        %cond3A_108 = arith.constant 0 : i32
        %cond3A_109 = arith.cmpi ne, %convert_element_type3A_107, %cond3A_108 : i32
        scf.if %cond3A_109 {
          %add3A_110 = arith.constant 4 : i32
          %add3A_111 = arith.addi %add3A_96, %add3A_110 : i32
          %dma_start3A_112 = arith.constant 0 : i32
          %dma_start3A_113 = tpu.memref_slice %arg7[%add3A_111, %dma_start3A_112] : memref<40x64xi32, #tpu.memory_space<vmem>> -> memref<1x64xi32, #tpu.memory_space<vmem>>
          %dma_start3A_114 = tpu.memref_squeeze %dma_start3A_113 : memref<1x64xi32, #tpu.memory_space<vmem>> -> memref<64xi32, #tpu.memory_space<vmem>>
          %dma_start3A_115 = arith.constant 0 : i32
          %dma_start3A_116 = arith.constant 0 : i32
          %dma_start3A_117 = tpu.memref_slice %arg2[%dma_start3A_115, %dma_start3A_116] : memref<20000x128xf32, #tpu.memory_space<hbm>> -> memref<20000x128xf32, #tpu.memory_space<hbm>>
          tpu.enqueue_indirect_dma source(%dma_start3A_117 : memref<20000x128xf32, #tpu.memory_space<hbm>>) target(%arg12 : memref<64x128xf32, #tpu.memory_space<vmem>>) offsets(%dma_start3A_114 : memref<64xi32, #tpu.memory_space<vmem>>) semaphore(%arg17 : memref<!tpu.dma_semaphore, #tpu.memory_space<semaphore_mem>>)
        } else {
        }
      }
      %scan3A_50 = arith.constant 10 : i32
    }
    %scan3A_7 = arith.constant 8 : i32
    %barrier3A_8 = arith.constant 0 : index
    tpu.barrier barrier_id(%barrier3A_8)
    %mul3A_9 = arith.constant 640 : i32
    %mul3A_10 = arith.muli %arg1, %mul3A_9 : i32
    %mul3A_11 = arith.constant 640 : i32
    %mul3A_12 = arith.muli %arg1, %mul3A_11 : i32
    "tpu.region"() ({
      %run_scoped3A = tpu.sem_alloc : memref<!tpu.dma_semaphore, #tpu.memory_space<semaphore_mem>>
      %dma_start3A = arith.constant 0 : i32
      %dma_start3A_13 = tpu.memref_slice %arg6[%arg0, %mul3A_12, %dma_start3A] : memref<2x10240x128xf32, #tpu.memory_space<hbm>> -> memref<1x640x128xf32, #tpu.memory_space<hbm>>
      %dma_start3A_14 = tpu.memref_squeeze %dma_start3A_13 : memref<1x640x128xf32, #tpu.memory_space<hbm>> -> memref<640x128xf32, #tpu.memory_space<hbm>>
      %dma_start3A_15 = arith.constant 0 : i32
      %dma_start3A_16 = tpu.memref_slice %arg13[%mul3A_10, %dma_start3A_15] : memref<10240x128xf32, #tpu.memory_space<vmem_shared>> -> memref<640x128xf32, #tpu.memory_space<vmem_shared>>
      tpu.enqueue_dma source(%dma_start3A_16 : memref<640x128xf32, #tpu.memory_space<vmem_shared>>) target(%dma_start3A_14 : memref<640x128xf32, #tpu.memory_space<hbm>>) target_semaphore(%run_scoped3A : memref<!tpu.dma_semaphore, #tpu.memory_space<semaphore_mem>>)
      %dma_wait3A = arith.constant 0 : i32
      %dma_wait3A_17 = tpu.memref_slice %arg6[%arg0, %mul3A_12, %dma_wait3A] : memref<2x10240x128xf32, #tpu.memory_space<hbm>> -> memref<1x640x128xf32, #tpu.memory_space<hbm>>
      %dma_wait3A_18 = tpu.memref_squeeze %dma_wait3A_17 : memref<1x640x128xf32, #tpu.memory_space<hbm>> -> memref<640x128xf32, #tpu.memory_space<hbm>>
      %dma_wait3A_19 = arith.constant 0 : i32
      %dma_wait3A_20 = tpu.memref_slice %arg13[%mul3A_10, %dma_wait3A_19] : memref<10240x128xf32, #tpu.memory_space<vmem_shared>> -> memref<640x128xf32, #tpu.memory_space<vmem_shared>>
      tpu.wait_dma2 semaphore(%run_scoped3A : memref<!tpu.dma_semaphore, #tpu.memory_space<semaphore_mem>>) src(%dma_wait3A_20 : memref<640x128xf32, #tpu.memory_space<vmem_shared>>) dst(%dma_wait3A_18 : memref<640x128xf32, #tpu.memory_space<hbm>>)
      tpu.yield
    }) : () -> ()
    return
  }
}

#map = affine_map<(d0, d1) -> (0, 0, 0)>
#map1 = affine_map<(d0, d1) -> (0, 0)>
module attributes {stable_mosaic.version = 14 : i64} {
  func.func @_cnt_kernel(%arg0: i32, %arg1: i32, %arg2: memref<32x160x64xi32, #tpu.memory_space<hbm>>, %arg3: memref<64x128xf32, #tpu.memory_space<hbm>>, %arg4: memref<640x128xf32, #tpu.memory_space<hbm>>, %arg5: memref<2x10240x128xf32, #tpu.memory_space<hbm>>, %arg6: memref<160x64xi32, #tpu.memory_space<vmem>>, %arg7: memref<64x128xf32, #tpu.memory_space<vmem>>, %arg8: memref<10240x128xf32, #tpu.memory_space<vmem_shared>>) attributes {dimension_semantics = [#tpu.dimension_semantics<core_parallel>, #tpu.dimension_semantics<subcore_parallel>], iteration_bounds = array<i64: 2, 16>, scalar_prefetch = 0 : i64, scratch_operands = 3 : i64, tpu.core_type = #tpu.core_type<sc_vector_subcore>, window_params = [{transform_indices = #map}, {transform_indices = #map1}, {transform_indices = #map1}, {transform_indices = #map}]} {
    %mul3A = arith.constant 16 : i32
    %mul3A_0 = arith.muli %arg0, %mul3A : i32
    %add3A = arith.addi %mul3A_0, %arg1 : i32
    %mul3A_1 = arith.constant 640 : i32
    %mul3A_2 = arith.muli %arg1, %mul3A_1 : i32
    "tpu.region"() ({
      %run_scoped3A = tpu.sem_alloc : memref<!tpu.dma_semaphore, #tpu.memory_space<semaphore_mem>>
      %dma_start3A = arith.constant 0 : i32
      %dma_start3A_13 = tpu.memref_slice %arg8[%mul3A_2, %dma_start3A] : memref<10240x128xf32, #tpu.memory_space<vmem_shared>> -> memref<640x128xf32, #tpu.memory_space<vmem_shared>>
      tpu.enqueue_dma source(%arg4 : memref<640x128xf32, #tpu.memory_space<hbm>>) target(%dma_start3A_13 : memref<640x128xf32, #tpu.memory_space<vmem_shared>>) target_semaphore(%run_scoped3A : memref<!tpu.dma_semaphore, #tpu.memory_space<semaphore_mem>>)
      %dma_wait3A = arith.constant 0 : i32
      %dma_wait3A_14 = tpu.memref_slice %arg8[%mul3A_2, %dma_wait3A] : memref<10240x128xf32, #tpu.memory_space<vmem_shared>> -> memref<640x128xf32, #tpu.memory_space<vmem_shared>>
      tpu.wait_dma2 semaphore(%run_scoped3A : memref<!tpu.dma_semaphore, #tpu.memory_space<semaphore_mem>>) src(%arg4 : memref<640x128xf32, #tpu.memory_space<hbm>>) dst(%dma_wait3A_14 : memref<640x128xf32, #tpu.memory_space<vmem_shared>>)
      tpu.yield
    }) : () -> ()
    "tpu.region"() ({
      %run_scoped3A = tpu.sem_alloc : memref<!tpu.dma_semaphore, #tpu.memory_space<semaphore_mem>>
      tpu.enqueue_dma source(%arg3 : memref<64x128xf32, #tpu.memory_space<hbm>>) target(%arg7 : memref<64x128xf32, #tpu.memory_space<vmem>>) target_semaphore(%run_scoped3A : memref<!tpu.dma_semaphore, #tpu.memory_space<semaphore_mem>>)
      tpu.wait_dma2 semaphore(%run_scoped3A : memref<!tpu.dma_semaphore, #tpu.memory_space<semaphore_mem>>) src(%arg3 : memref<64x128xf32, #tpu.memory_space<hbm>>) dst(%arg7 : memref<64x128xf32, #tpu.memory_space<vmem>>)
      tpu.yield
    }) : () -> ()
    "tpu.region"() ({
      %run_scoped3A = tpu.sem_alloc : memref<!tpu.dma_semaphore, #tpu.memory_space<semaphore_mem>>
      %dma_start3A = arith.constant 0 : i32
      %dma_start3A_13 = arith.constant 0 : i32
      %dma_start3A_14 = tpu.memref_slice %arg2[%add3A, %dma_start3A, %dma_start3A_13] : memref<32x160x64xi32, #tpu.memory_space<hbm>> -> memref<1x160x64xi32, #tpu.memory_space<hbm>>
      %dma_start3A_15 = tpu.memref_squeeze %dma_start3A_14 : memref<1x160x64xi32, #tpu.memory_space<hbm>> -> memref<160x64xi32, #tpu.memory_space<hbm>>
      %dma_start3A_16 = arith.constant 0 : i32
      %dma_start3A_17 = arith.constant 0 : i32
      %dma_start3A_18 = tpu.memref_slice %arg2[%add3A, %dma_start3A_16, %dma_start3A_17] : memref<32x160x64xi32, #tpu.memory_space<hbm>> -> memref<1x160x64xi32, #tpu.memory_space<hbm>>
      %dma_start3A_19 = tpu.memref_squeeze %dma_start3A_18 : memref<1x160x64xi32, #tpu.memory_space<hbm>> -> memref<160x64xi32, #tpu.memory_space<hbm>>
      tpu.enqueue_dma source(%dma_start3A_19 : memref<160x64xi32, #tpu.memory_space<hbm>>) target(%arg6 : memref<160x64xi32, #tpu.memory_space<vmem>>) target_semaphore(%run_scoped3A : memref<!tpu.dma_semaphore, #tpu.memory_space<semaphore_mem>>)
      %dma_wait3A = arith.constant 0 : i32
      %dma_wait3A_20 = arith.constant 0 : i32
      %dma_wait3A_21 = tpu.memref_slice %arg2[%add3A, %dma_wait3A, %dma_wait3A_20] : memref<32x160x64xi32, #tpu.memory_space<hbm>> -> memref<1x160x64xi32, #tpu.memory_space<hbm>>
      %dma_wait3A_22 = tpu.memref_squeeze %dma_wait3A_21 : memref<1x160x64xi32, #tpu.memory_space<hbm>> -> memref<160x64xi32, #tpu.memory_space<hbm>>
      %dma_wait3A_23 = arith.constant 0 : i32
      %dma_wait3A_24 = arith.constant 0 : i32
      %dma_wait3A_25 = tpu.memref_slice %arg2[%add3A, %dma_wait3A_23, %dma_wait3A_24] : memref<32x160x64xi32, #tpu.memory_space<hbm>> -> memref<1x160x64xi32, #tpu.memory_space<hbm>>
      %dma_wait3A_26 = tpu.memref_squeeze %dma_wait3A_25 : memref<1x160x64xi32, #tpu.memory_space<hbm>> -> memref<160x64xi32, #tpu.memory_space<hbm>>
      tpu.wait_dma2 semaphore(%run_scoped3A : memref<!tpu.dma_semaphore, #tpu.memory_space<semaphore_mem>>) src(%dma_wait3A_26 : memref<160x64xi32, #tpu.memory_space<hbm>>) dst(%arg6 : memref<160x64xi32, #tpu.memory_space<vmem>>)
      tpu.yield
    }) : () -> ()
    %barrier3A = arith.constant 0 : index
    tpu.barrier barrier_id(%barrier3A)
    %scan3A = arith.constant 0 : i32
    %scan3A_3 = arith.constant 0 : i32
    %scan3A_4 = arith.constant 160 : i32
    %scan3A_5 = arith.addi %scan3A_3, %scan3A_4 : i32
    %scan3A_6 = arith.constant 1 : i32
    scf.for %scan3A_13 = %scan3A_3 to %scan3A_5 step %scan3A_6  : i32 {
      "tpu.region"() ({
        %run_scoped3A = tpu.sem_alloc : memref<!tpu.dma_semaphore, #tpu.memory_space<semaphore_mem>>
        %dma_start3A = arith.constant 0 : i32
        %dma_start3A_14 = tpu.memref_slice %arg6[%scan3A_13, %dma_start3A] : memref<160x64xi32, #tpu.memory_space<vmem>> -> memref<1x64xi32, #tpu.memory_space<vmem>>
        %dma_start3A_15 = tpu.memref_squeeze %dma_start3A_14 : memref<1x64xi32, #tpu.memory_space<vmem>> -> memref<64xi32, #tpu.memory_space<vmem>>
        %dma_start3A_16 = arith.constant 0 : i32
        %dma_start3A_17 = arith.constant 0 : i32
        %dma_start3A_18 = tpu.memref_slice %arg8[%dma_start3A_16, %dma_start3A_17] : memref<10240x128xf32, #tpu.memory_space<vmem_shared>> -> memref<10240x128xf32, #tpu.memory_space<vmem_shared>>
        tpu.enqueue_indirect_dma source(%arg7 : memref<64x128xf32, #tpu.memory_space<vmem>>) target(%dma_start3A_18 : memref<10240x128xf32, #tpu.memory_space<vmem_shared>>) offsets(%dma_start3A_15 : memref<64xi32, #tpu.memory_space<vmem>>) semaphore(%run_scoped3A : memref<!tpu.dma_semaphore, #tpu.memory_space<semaphore_mem>>) {add = true}
        %dma_wait3A = arith.constant 0 : i32
        %dma_wait3A_19 = tpu.memref_slice %arg6[%scan3A_13, %dma_wait3A] : memref<160x64xi32, #tpu.memory_space<vmem>> -> memref<1x64xi32, #tpu.memory_space<vmem>>
        %dma_wait3A_20 = tpu.memref_squeeze %dma_wait3A_19 : memref<1x64xi32, #tpu.memory_space<vmem>> -> memref<64xi32, #tpu.memory_space<vmem>>
        %dma_wait3A_21 = arith.constant 0 : i32
        %dma_wait3A_22 = arith.constant 0 : i32
        %dma_wait3A_23 = tpu.memref_slice %arg8[%dma_wait3A_21, %dma_wait3A_22] : memref<10240x128xf32, #tpu.memory_space<vmem_shared>> -> memref<10240x128xf32, #tpu.memory_space<vmem_shared>>
        tpu.wait_indirect_dma semaphore(%run_scoped3A : memref<!tpu.dma_semaphore, #tpu.memory_space<semaphore_mem>>) src(%arg7 : memref<64x128xf32, #tpu.memory_space<vmem>>) dst(%dma_wait3A_23 : memref<10240x128xf32, #tpu.memory_space<vmem_shared>>)
        tpu.yield
      }) : () -> ()
    }
    %scan3A_7 = arith.constant 160 : i32
    %barrier3A_8 = arith.constant 0 : index
    tpu.barrier barrier_id(%barrier3A_8)
    %mul3A_9 = arith.constant 640 : i32
    %mul3A_10 = arith.muli %arg1, %mul3A_9 : i32
    %mul3A_11 = arith.constant 640 : i32
    %mul3A_12 = arith.muli %arg1, %mul3A_11 : i32
    "tpu.region"() ({
      %run_scoped3A = tpu.sem_alloc : memref<!tpu.dma_semaphore, #tpu.memory_space<semaphore_mem>>
      %dma_start3A = arith.constant 0 : i32
      %dma_start3A_13 = tpu.memref_slice %arg5[%arg0, %mul3A_12, %dma_start3A] : memref<2x10240x128xf32, #tpu.memory_space<hbm>> -> memref<1x640x128xf32, #tpu.memory_space<hbm>>
      %dma_start3A_14 = tpu.memref_squeeze %dma_start3A_13 : memref<1x640x128xf32, #tpu.memory_space<hbm>> -> memref<640x128xf32, #tpu.memory_space<hbm>>
      %dma_start3A_15 = arith.constant 0 : i32
      %dma_start3A_16 = tpu.memref_slice %arg8[%mul3A_10, %dma_start3A_15] : memref<10240x128xf32, #tpu.memory_space<vmem_shared>> -> memref<640x128xf32, #tpu.memory_space<vmem_shared>>
      tpu.enqueue_dma source(%dma_start3A_16 : memref<640x128xf32, #tpu.memory_space<vmem_shared>>) target(%dma_start3A_14 : memref<640x128xf32, #tpu.memory_space<hbm>>) target_semaphore(%run_scoped3A : memref<!tpu.dma_semaphore, #tpu.memory_space<semaphore_mem>>)
      %dma_wait3A = arith.constant 0 : i32
      %dma_wait3A_17 = tpu.memref_slice %arg5[%arg0, %mul3A_12, %dma_wait3A] : memref<2x10240x128xf32, #tpu.memory_space<hbm>> -> memref<1x640x128xf32, #tpu.memory_space<hbm>>
      %dma_wait3A_18 = tpu.memref_squeeze %dma_wait3A_17 : memref<1x640x128xf32, #tpu.memory_space<hbm>> -> memref<640x128xf32, #tpu.memory_space<hbm>>
      %dma_wait3A_19 = arith.constant 0 : i32
      %dma_wait3A_20 = tpu.memref_slice %arg8[%mul3A_10, %dma_wait3A_19] : memref<10240x128xf32, #tpu.memory_space<vmem_shared>> -> memref<640x128xf32, #tpu.memory_space<vmem_shared>>
      tpu.wait_dma2 semaphore(%run_scoped3A : memref<!tpu.dma_semaphore, #tpu.memory_space<semaphore_mem>>) src(%dma_wait3A_20 : memref<640x128xf32, #tpu.memory_space<vmem_shared>>) dst(%dma_wait3A_18 : memref<640x128xf32, #tpu.memory_space<hbm>>)
      tpu.yield
    }) : () -> ()
    return
  }
}

module attributes {stable_mosaic.version = 14 : i64} {
  func.func @_c0_body(%arg0: i32, %arg1: memref<2x1000x128xf32, #tpu.memory_space<vmem>>, %arg2: memref<2x1000x128xf32, #tpu.memory_space<vmem>>, %arg3: memref<1000x128xf32, #tpu.memory_space<vmem>>, %arg4: memref<128x256xf32, #tpu.memory_space<vmem>>, %arg5: memref<128x256xf32, #tpu.memory_space<vmem>>, %arg6: memref<1x256xf32, #tpu.memory_space<vmem>>, %arg7: memref<1000x256xf32, #tpu.memory_space<vmem>>, %arg8: memref<1x256xf32, #tpu.memory_space<vmem>>, %arg9: memref<1x256xf32, #tpu.memory_space<vmem>>) attributes {dimension_semantics = [#tpu.dimension_semantics<arbitrary>], iteration_bounds = array<i64: 10>, scalar_prefetch = 0 : i64, scratch_operands = 0 : i64, tpu.core_type = #tpu.core_type<tc>, window_params = [{transform_indices = @transform_0, window_bounds = array<i64: 2, 1000, 128>}, {transform_indices = @transform_1, window_bounds = array<i64: 2, 1000, 128>}, {transform_indices = @transform_2, window_bounds = array<i64: 1000, 128>}, {pipeline_mode = #tpu.pipeline_mode<synchronous>, transform_indices = @transform_3, window_bounds = array<i64: 128, 256>}, {pipeline_mode = #tpu.pipeline_mode<synchronous>, transform_indices = @transform_4, window_bounds = array<i64: 128, 256>}, {pipeline_mode = #tpu.pipeline_mode<synchronous>, transform_indices = @transform_5, window_bounds = array<i64: 1, 256>}, {transform_indices = @transform_6, window_bounds = array<i64: 1000, 256>}, {pipeline_mode = #tpu.pipeline_mode<synchronous>, transform_indices = @transform_7, window_bounds = array<i64: 1, 256>}, {pipeline_mode = #tpu.pipeline_mode<synchronous>, transform_indices = @transform_8, window_bounds = array<i64: 1, 256>}]} {
    %get3A = arith.constant 0 : index
    %get3A_0 = arith.constant 0 : index
    %get3A_1 = arith.constant 0 : index
    %get3A_2 = vector.load %arg2[%get3A, %get3A_0, %get3A_1] : memref<2x1000x128xf32, #tpu.memory_space<vmem>>, vector<1x1000x128xf32>
    %get3A_3 = vector.shape_cast %get3A_2 : vector<1x1000x128xf32> to vector<1000x128xf32>
    %get3A_4 = arith.constant 1 : index
    %get3A_5 = arith.constant 0 : index
    %get3A_6 = arith.constant 0 : index
    %get3A_7 = vector.load %arg2[%get3A_4, %get3A_5, %get3A_6] : memref<2x1000x128xf32, #tpu.memory_space<vmem>>, vector<1x1000x128xf32>
    %get3A_8 = vector.shape_cast %get3A_7 : vector<1x1000x128xf32> to vector<1000x128xf32>
    %add3A = arith.addf %get3A_3, %get3A_8 : vector<1000x128xf32>
    %max3A = arith.constant 1.000000e+00 : f32
    %max3A_9 = vector.broadcast %max3A : f32 to vector<1000x128xf32>
    %max3A_10 = arith.maximumf %add3A, %max3A_9 : vector<1000x128xf32>
    %div3A = arith.constant 1.000000e+00 : f32
    %div3A_11 = vector.broadcast %div3A : f32 to vector<1000x128xf32>
    %div3A_12 = arith.divf %div3A_11, %max3A_10 : vector<1000x128xf32>
    %get3A_13 = arith.constant 0 : index
    %get3A_14 = arith.constant 0 : index
    %get3A_15 = arith.constant 0 : index
    %get3A_16 = vector.load %arg1[%get3A_13, %get3A_14, %get3A_15] : memref<2x1000x128xf32, #tpu.memory_space<vmem>>, vector<1x1000x128xf32>
    %get3A_17 = vector.shape_cast %get3A_16 : vector<1x1000x128xf32> to vector<1000x128xf32>
    %get3A_18 = arith.constant 1 : index
    %get3A_19 = arith.constant 0 : index
    %get3A_20 = arith.constant 0 : index
    %get3A_21 = vector.load %arg1[%get3A_18, %get3A_19, %get3A_20] : memref<2x1000x128xf32, #tpu.memory_space<vmem>>, vector<1x1000x128xf32>
    %get3A_22 = vector.shape_cast %get3A_21 : vector<1x1000x128xf32> to vector<1000x128xf32>
    %add3A_23 = arith.addf %get3A_17, %get3A_22 : vector<1000x128xf32>
    %mul3A = arith.mulf %add3A_23, %div3A_12 : vector<1000x128xf32>
    %get3A_24 = arith.constant 0 : index
    %get3A_25 = arith.constant 0 : index
    %get3A_26 = vector.load %arg4[%get3A_24, %get3A_25] : memref<128x256xf32, #tpu.memory_space<vmem>>, vector<128x256xf32>
    %dot_general3A = arith.constant dense<0.000000e+00> : vector<1000x256xf32>
    %dot_general3A_27 = tpu.matmul %mul3A, %get3A_26, %dot_general3A {dimension_numbers = #tpu.dot_dimension_numbers<[1], [0], [0], [1], [0, 0, 1, 1], [], []>, precision = #tpu.contract_precision<fp32>, transpose_lhs_hint = false} : vector<1000x128xf32>, vector<128x256xf32>, vector<1000x256xf32> -> vector<1000x256xf32>
    %get3A_28 = arith.constant 0 : index
    %get3A_29 = arith.constant 0 : index
    %get3A_30 = vector.load %arg3[%get3A_28, %get3A_29] : memref<1000x128xf32, #tpu.memory_space<vmem>>, vector<1000x128xf32>
    %get3A_31 = arith.constant 0 : index
    %get3A_32 = arith.constant 0 : index
    %get3A_33 = vector.load %arg5[%get3A_31, %get3A_32] : memref<128x256xf32, #tpu.memory_space<vmem>>, vector<128x256xf32>
    %dot_general3A_34 = arith.constant dense<0.000000e+00> : vector<1000x256xf32>
    %dot_general3A_35 = tpu.matmul %get3A_30, %get3A_33, %dot_general3A_34 {dimension_numbers = #tpu.dot_dimension_numbers<[1], [0], [0], [1], [0, 0, 1, 1], [], []>, precision = #tpu.contract_precision<fp32>, transpose_lhs_hint = false} : vector<1000x128xf32>, vector<128x256xf32>, vector<1000x256xf32> -> vector<1000x256xf32>
    %add3A_36 = arith.addf %dot_general3A_27, %dot_general3A_35 : vector<1000x256xf32>
    %get3A_37 = arith.constant 0 : index
    %get3A_38 = arith.constant 0 : index
    %get3A_39 = vector.load %arg6[%get3A_37, %get3A_38] : memref<1x256xf32, #tpu.memory_space<vmem>>, vector<1x256xf32>
    %add3A_40 = vector.broadcast %get3A_39 : vector<1x256xf32> to vector<1000x256xf32>
    %add3A_41 = arith.addf %add3A_36, %add3A_40 : vector<1000x256xf32>
    %swap3A = arith.constant 0 : index
    %swap3A_42 = arith.constant 0 : index
    %swap3A_43 = vector.load %arg7[%swap3A, %swap3A_42] : memref<1000x256xf32, #tpu.memory_space<vmem>>, vector<1000x256xf32>
    tpu.vector_store %arg7[%swap3A, %swap3A_42], %add3A_41 {strides = array<i32>} : memref<1000x256xf32, #tpu.memory_space<vmem>>, vector<1000x256xf32>,
    %reduce_sum3A = arith.constant dense<0.000000e+00> : vector<256xf32>
    %reduce_sum3A_44 = vector.multi_reduction <add>, %add3A_41, %reduce_sum3A [0] : vector<1000x256xf32> to vector<256xf32>
    %broadcast_in_dim3A = vector.shape_cast %reduce_sum3A_44 : vector<256xf32> to vector<1x256xf32>
    %div3A_45 = arith.constant 1.000000e+03 : f32
    %div3A_46 = vector.broadcast %div3A_45 : f32 to vector<1x256xf32>
    %div3A_47 = arith.divf %broadcast_in_dim3A, %div3A_46 : vector<1x256xf32>
    %sub3A = vector.broadcast %div3A_47 : vector<1x256xf32> to vector<1000x256xf32>
    %sub3A_48 = arith.subf %add3A_41, %sub3A : vector<1000x256xf32>
    %sub3A_49 = vector.broadcast %div3A_47 : vector<1x256xf32> to vector<1000x256xf32>
    %sub3A_50 = arith.subf %add3A_41, %sub3A_49 : vector<1000x256xf32>
    %mul3A_51 = arith.mulf %sub3A_48, %sub3A_50 : vector<1000x256xf32>
    %reduce_sum3A_52 = arith.constant dense<0.000000e+00> : vector<256xf32>
    %reduce_sum3A_53 = vector.multi_reduction <add>, %mul3A_51, %reduce_sum3A_52 [0] : vector<1000x256xf32> to vector<256xf32>
    %broadcast_in_dim3A_54 = vector.shape_cast %reduce_sum3A_53 : vector<256xf32> to vector<1x256xf32>
    %eq3A = arith.constant 0 : i32
    %eq3A_55 = arith.cmpi eq, %arg0, %eq3A : i32
    %convert_element_type3A = arith.extui %eq3A_55 : i1 to i32
    %cond3A = arith.constant 0 : i32
    %cond3A_56 = arith.cmpi ne, %convert_element_type3A, %cond3A : i32
    scf.if %cond3A_56 {
      %swap3A_61 = arith.constant 0 : index
      %swap3A_62 = arith.constant 0 : index
      %swap3A_63 = vector.load %arg8[%swap3A_61, %swap3A_62] : memref<1x256xf32, #tpu.memory_space<vmem>>, vector<1x256xf32>
      tpu.vector_store %arg8[%swap3A_61, %swap3A_62], %div3A_47 {strides = array<i32>} : memref<1x256xf32, #tpu.memory_space<vmem>>, vector<1x256xf32>,
      %swap3A_64 = arith.constant 0 : index
      %swap3A_65 = arith.constant 0 : index
      %swap3A_66 = vector.load %arg9[%swap3A_64, %swap3A_65] : memref<1x256xf32, #tpu.memory_space<vmem>>, vector<1x256xf32>
      tpu.vector_store %arg9[%swap3A_64, %swap3A_65], %broadcast_in_dim3A_54 {strides = array<i32>} : memref<1x256xf32, #tpu.memory_space<vmem>>, vector<1x256xf32>,
    } else {
    }
    %gt3A = arith.constant 0 : i32
    %gt3A_57 = arith.cmpi sgt, %arg0, %gt3A : i32
    %convert_element_type3A_58 = arith.extui %gt3A_57 : i1 to i32
    %cond3A_59 = arith.constant 0 : i32
    %cond3A_60 = arith.cmpi ne, %convert_element_type3A_58, %cond3A_59 : i32
    scf.if %cond3A_60 {
      %mul3A_61 = arith.constant 1000 : i32
      %mul3A_62 = arith.muli %arg0, %mul3A_61 : i32
      %convert_element_type3A_63 = arith.sitofp %mul3A_62 : i32 to f32
      %add3A_64 = arith.constant 1.000000e+03 : f32
      %add3A_65 = arith.addf %convert_element_type3A_63, %add3A_64 : f32
      %div3A_66 = arith.constant 1.000000e+03 : f32
      %div3A_67 = arith.divf %div3A_66, %add3A_65 : f32
      %get3A_68 = arith.constant 0 : index
      %get3A_69 = arith.constant 0 : index
      %get3A_70 = vector.load %arg8[%get3A_68, %get3A_69] : memref<1x256xf32, #tpu.memory_space<vmem>>, vector<1x256xf32>
      %sub3A_71 = arith.subf %div3A_47, %get3A_70 : vector<1x256xf32>
      %get3A_72 = arith.constant 0 : index
      %get3A_73 = arith.constant 0 : index
      %get3A_74 = vector.load %arg8[%get3A_72, %get3A_73] : memref<1x256xf32, #tpu.memory_space<vmem>>, vector<1x256xf32>
      %mul3A_75 = vector.broadcast %div3A_67 : f32 to vector<1x256xf32>
      %mul3A_76 = arith.mulf %sub3A_71, %mul3A_75 : vector<1x256xf32>
      %add3A_77 = arith.addf %get3A_74, %mul3A_76 : vector<1x256xf32>
      %swap3A_78 = arith.constant 0 : index
      %swap3A_79 = arith.constant 0 : index
      %swap3A_80 = vector.load %arg8[%swap3A_78, %swap3A_79] : memref<1x256xf32, #tpu.memory_space<vmem>>, vector<1x256xf32>
      tpu.vector_store %arg8[%swap3A_78, %swap3A_79], %add3A_77 {strides = array<i32>} : memref<1x256xf32, #tpu.memory_space<vmem>>, vector<1x256xf32>,
      %get3A_81 = arith.constant 0 : index
      %get3A_82 = arith.constant 0 : index
      %get3A_83 = vector.load %arg9[%get3A_81, %get3A_82] : memref<1x256xf32, #tpu.memory_space<vmem>>, vector<1x256xf32>
      %mul3A_84 = arith.mulf %sub3A_71, %sub3A_71 : vector<1x256xf32>
      %mul3A_85 = arith.mulf %convert_element_type3A_63, %div3A_67 : f32
      %mul3A_86 = vector.broadcast %mul3A_85 : f32 to vector<1x256xf32>
      %mul3A_87 = arith.mulf %mul3A_84, %mul3A_86 : vector<1x256xf32>
      %add3A_88 = arith.addf %broadcast_in_dim3A_54, %mul3A_87 : vector<1x256xf32>
      %add3A_89 = arith.addf %get3A_83, %add3A_88 : vector<1x256xf32>
      %swap3A_90 = arith.constant 0 : index
      %swap3A_91 = arith.constant 0 : index
      %swap3A_92 = vector.load %arg9[%swap3A_90, %swap3A_91] : memref<1x256xf32, #tpu.memory_space<vmem>>, vector<1x256xf32>
      tpu.vector_store %arg9[%swap3A_90, %swap3A_91], %add3A_89 {strides = array<i32>} : memref<1x256xf32, #tpu.memory_space<vmem>>, vector<1x256xf32>,
    } else {
    }
    return
  }
  func.func @transform_0(%arg0: i32) -> (i32, i32, i32) {
    %c0_i32 = arith.constant 0 : i32
    %c0_i32_0 = arith.constant 0 : i32
    %c0_i32_1 = arith.constant 0 : i32
    return %c0_i32, %arg0, %c0_i32_0 : i32, i32, i32
  }
  func.func @transform_1(%arg0: i32) -> (i32, i32, i32) {
    %c0_i32 = arith.constant 0 : i32
    %c0_i32_0 = arith.constant 0 : i32
    %c0_i32_1 = arith.constant 0 : i32
    return %c0_i32, %arg0, %c0_i32_0 : i32, i32, i32
  }
  func.func @transform_2(%arg0: i32) -> (i32, i32) {
    %c0_i32 = arith.constant 0 : i32
    %c0_i32_0 = arith.constant 0 : i32
    return %arg0, %c0_i32 : i32, i32
  }
  func.func @transform_3(%arg0: i32) -> (i32, i32) {
    %c0_i32 = arith.constant 0 : i32
    %c0_i32_0 = arith.constant 0 : i32
    %c0_i32_1 = arith.constant 0 : i32
    return %c0_i32, %c0_i32_0 : i32, i32
  }
  func.func @transform_4(%arg0: i32) -> (i32, i32) {
    %c0_i32 = arith.constant 0 : i32
    %c0_i32_0 = arith.constant 0 : i32
    %c0_i32_1 = arith.constant 0 : i32
    return %c0_i32, %c0_i32_0 : i32, i32
  }
  func.func @transform_5(%arg0: i32) -> (i32, i32) {
    %c0_i32 = arith.constant 0 : i32
    %c0_i32_0 = arith.constant 0 : i32
    %c0_i32_1 = arith.constant 0 : i32
    return %c0_i32, %c0_i32_0 : i32, i32
  }
  func.func @transform_6(%arg0: i32) -> (i32, i32) {
    %c0_i32 = arith.constant 0 : i32
    %c0_i32_0 = arith.constant 0 : i32
    return %arg0, %c0_i32 : i32, i32
  }
  func.func @transform_7(%arg0: i32) -> (i32, i32) {
    %c0_i32 = arith.constant 0 : i32
    %c0_i32_0 = arith.constant 0 : i32
    %c0_i32_1 = arith.constant 0 : i32
    return %c0_i32, %c0_i32_0 : i32, i32
  }
  func.func @transform_8(%arg0: i32) -> (i32, i32) {
    %c0_i32 = arith.constant 0 : i32
    %c0_i32_0 = arith.constant 0 : i32
    %c0_i32_1 = arith.constant 0 : i32
    return %c0_i32, %c0_i32_0 : i32, i32
  }
}

module attributes {stable_mosaic.version = 14 : i64} {
  func.func @_d_body(%arg0: i32, %arg1: memref<1000x256xf32, #tpu.memory_space<vmem>>, %arg2: memref<1x256xf32, #tpu.memory_space<vmem>>, %arg3: memref<1x256xf32, #tpu.memory_space<vmem>>, %arg4: memref<1x256xf32, #tpu.memory_space<vmem>>, %arg5: memref<1x256xf32, #tpu.memory_space<vmem>>, %arg6: memref<2x1000x128xf32, #tpu.memory_space<vmem>>) attributes {dimension_semantics = [#tpu.dimension_semantics<arbitrary>], iteration_bounds = array<i64: 10>, scalar_prefetch = 0 : i64, scratch_operands = 0 : i64, tpu.core_type = #tpu.core_type<tc>, window_params = [{transform_indices = @transform_0, window_bounds = array<i64: 1000, 256>}, {pipeline_mode = #tpu.pipeline_mode<synchronous>, transform_indices = @transform_1, window_bounds = array<i64: 1, 256>}, {pipeline_mode = #tpu.pipeline_mode<synchronous>, transform_indices = @transform_2, window_bounds = array<i64: 1, 256>}, {pipeline_mode = #tpu.pipeline_mode<synchronous>, transform_indices = @transform_3, window_bounds = array<i64: 1, 256>}, {pipeline_mode = #tpu.pipeline_mode<synchronous>, transform_indices = @transform_4, window_bounds = array<i64: 1, 256>}, {transform_indices = @transform_5, window_bounds = array<i64: 2, 1000, 128>}]} {
    %get3A = arith.constant 0 : index
    %get3A_0 = arith.constant 0 : index
    %get3A_1 = vector.load %arg2[%get3A, %get3A_0] : memref<1x256xf32, #tpu.memory_space<vmem>>, vector<1x256xf32>
    %get3A_2 = arith.constant 0 : index
    %get3A_3 = arith.constant 0 : index
    %get3A_4 = vector.load %arg3[%get3A_2, %get3A_3] : memref<1x256xf32, #tpu.memory_space<vmem>>, vector<1x256xf32>
    %mul3A = arith.constant 9.99999974E-5 : f32
    %mul3A_5 = vector.broadcast %mul3A : f32 to vector<1x256xf32>
    %mul3A_6 = arith.mulf %get3A_4, %mul3A_5 : vector<1x256xf32>
    %get3A_7 = arith.constant 0 : index
    %get3A_8 = arith.constant 0 : index
    %get3A_9 = vector.load %arg4[%get3A_7, %get3A_8] : memref<1x256xf32, #tpu.memory_space<vmem>>, vector<1x256xf32>
    %add3A = arith.constant 9.99999974E-6 : f32
    %add3A_10 = vector.broadcast %add3A : f32 to vector<1x256xf32>
    %add3A_11 = arith.addf %mul3A_6, %add3A_10 : vector<1x256xf32>
    %rsqrt3A = math.rsqrt %add3A_11 : vector<1x256xf32>
    %mul3A_12 = arith.mulf %get3A_9, %rsqrt3A : vector<1x256xf32>
    %get3A_13 = arith.constant 0 : index
    %get3A_14 = arith.constant 0 : index
    %get3A_15 = vector.load %arg5[%get3A_13, %get3A_14] : memref<1x256xf32, #tpu.memory_space<vmem>>, vector<1x256xf32>
    %mul3A_16 = arith.mulf %get3A_1, %mul3A_12 : vector<1x256xf32>
    %sub3A = arith.subf %get3A_15, %mul3A_16 : vector<1x256xf32>
    %get3A_17 = arith.constant 0 : index
    %get3A_18 = arith.constant 0 : index
    %get3A_19 = vector.load %arg1[%get3A_17, %get3A_18] : memref<1000x256xf32, #tpu.memory_space<vmem>>, vector<1000x256xf32>
    %mul3A_20 = vector.broadcast %mul3A_12 : vector<1x256xf32> to vector<1000x256xf32>
    %mul3A_21 = arith.mulf %get3A_19, %mul3A_20 : vector<1000x256xf32>
    %add3A_22 = vector.broadcast %sub3A : vector<1x256xf32> to vector<1000x256xf32>
    %add3A_23 = arith.addf %mul3A_21, %add3A_22 : vector<1000x256xf32>
    %max3A = arith.constant 0.000000e+00 : f32
    %max3A_24 = vector.broadcast %max3A : f32 to vector<1000x256xf32>
    %max3A_25 = arith.maximumf %add3A_23, %max3A_24 : vector<1000x256xf32>
    %slice3A = vector.extract_strided_slice %max3A_25 {offsets = [0, 0], sizes = [1000, 128], strides = [1, 1]} : vector<1000x256xf32> to vector<1000x128xf32>
    %swap3A = arith.constant 0 : index
    %swap3A_26 = arith.constant 0 : index
    %swap3A_27 = arith.constant 0 : index
    %swap3A_28 = vector.load %arg6[%swap3A, %swap3A_26, %swap3A_27] : memref<2x1000x128xf32, #tpu.memory_space<vmem>>, vector<1x1000x128xf32>
    %swap3A_29 = vector.shape_cast %swap3A_28 : vector<1x1000x128xf32> to vector<1000x128xf32>
    %swap3A_30 = vector.shape_cast %slice3A : vector<1000x128xf32> to vector<1x1000x128xf32>
    tpu.vector_store %arg6[%swap3A, %swap3A_26, %swap3A_27], %swap3A_30 {strides = array<i32>} : memref<2x1000x128xf32, #tpu.memory_space<vmem>>, vector<1x1000x128xf32>,
    %slice3A_31 = vector.extract_strided_slice %max3A_25 {offsets = [0, 128], sizes = [1000, 128], strides = [1, 1]} : vector<1000x256xf32> to vector<1000x128xf32>
    %swap3A_32 = arith.constant 1 : index
    %swap3A_33 = arith.constant 0 : index
    %swap3A_34 = arith.constant 0 : index
    %swap3A_35 = vector.load %arg6[%swap3A_32, %swap3A_33, %swap3A_34] : memref<2x1000x128xf32, #tpu.memory_space<vmem>>, vector<1x1000x128xf32>
    %swap3A_36 = vector.shape_cast %swap3A_35 : vector<1x1000x128xf32> to vector<1000x128xf32>
    %swap3A_37 = vector.shape_cast %slice3A_31 : vector<1000x128xf32> to vector<1x1000x128xf32>
    tpu.vector_store %arg6[%swap3A_32, %swap3A_33, %swap3A_34], %swap3A_37 {strides = array<i32>} : memref<2x1000x128xf32, #tpu.memory_space<vmem>>, vector<1x1000x128xf32>,
    return
  }
  func.func @transform_0(%arg0: i32) -> (i32, i32) {
    %c0_i32 = arith.constant 0 : i32
    %c0_i32_0 = arith.constant 0 : i32
    return %arg0, %c0_i32 : i32, i32
  }
  func.func @transform_1(%arg0: i32) -> (i32, i32) {
    %c0_i32 = arith.constant 0 : i32
    %c0_i32_0 = arith.constant 0 : i32
    %c0_i32_1 = arith.constant 0 : i32
    return %c0_i32, %c0_i32_0 : i32, i32
  }
  func.func @transform_2(%arg0: i32) -> (i32, i32) {
    %c0_i32 = arith.constant 0 : i32
    %c0_i32_0 = arith.constant 0 : i32
    %c0_i32_1 = arith.constant 0 : i32
    return %c0_i32, %c0_i32_0 : i32, i32
  }
  func.func @transform_3(%arg0: i32) -> (i32, i32) {
    %c0_i32 = arith.constant 0 : i32
    %c0_i32_0 = arith.constant 0 : i32
    %c0_i32_1 = arith.constant 0 : i32
    return %c0_i32, %c0_i32_0 : i32, i32
  }
  func.func @transform_4(%arg0: i32) -> (i32, i32) {
    %c0_i32 = arith.constant 0 : i32
    %c0_i32_0 = arith.constant 0 : i32
    %c0_i32_1 = arith.constant 0 : i32
    return %c0_i32, %c0_i32_0 : i32, i32
  }
  func.func @transform_5(%arg0: i32) -> (i32, i32, i32) {
    %c0_i32 = arith.constant 0 : i32
    %c0_i32_0 = arith.constant 0 : i32
    %c0_i32_1 = arith.constant 0 : i32
    return %c0_i32, %arg0, %c0_i32_0 : i32, i32, i32
  }
}

module attributes {stable_mosaic.version = 14 : i64} {
  func.func @_c_body(%arg0: i32, %arg1: memref<2x1000x128xf32, #tpu.memory_space<vmem>>, %arg2: memref<2x1000x128xf32, #tpu.memory_space<vmem>>, %arg3: memref<2x1000x128xf32, #tpu.memory_space<vmem>>, %arg4: memref<256x256xf32, #tpu.memory_space<vmem>>, %arg5: memref<256x256xf32, #tpu.memory_space<vmem>>, %arg6: memref<1x256xf32, #tpu.memory_space<vmem>>, %arg7: memref<1000x256xf32, #tpu.memory_space<vmem>>, %arg8: memref<1x256xf32, #tpu.memory_space<vmem>>, %arg9: memref<1x256xf32, #tpu.memory_space<vmem>>) attributes {dimension_semantics = [#tpu.dimension_semantics<arbitrary>], iteration_bounds = array<i64: 10>, scalar_prefetch = 0 : i64, scratch_operands = 0 : i64, tpu.core_type = #tpu.core_type<tc>, window_params = [{transform_indices = @transform_0, window_bounds = array<i64: 2, 1000, 128>}, {transform_indices = @transform_1, window_bounds = array<i64: 2, 1000, 128>}, {transform_indices = @transform_2, window_bounds = array<i64: 2, 1000, 128>}, {pipeline_mode = #tpu.pipeline_mode<synchronous>, transform_indices = @transform_3, window_bounds = array<i64: 256, 256>}, {pipeline_mode = #tpu.pipeline_mode<synchronous>, transform_indices = @transform_4, window_bounds = array<i64: 256, 256>}, {pipeline_mode = #tpu.pipeline_mode<synchronous>, transform_indices = @transform_5, window_bounds = array<i64: 1, 256>}, {transform_indices = @transform_6, window_bounds = array<i64: 1000, 256>}, {pipeline_mode = #tpu.pipeline_mode<synchronous>, transform_indices = @transform_7, window_bounds = array<i64: 1, 256>}, {pipeline_mode = #tpu.pipeline_mode<synchronous>, transform_indices = @transform_8, window_bounds = array<i64: 1, 256>}]} {
    %get3A = arith.constant 0 : index
    %get3A_0 = arith.constant 0 : index
    %get3A_1 = arith.constant 0 : index
    %get3A_2 = vector.load %arg2[%get3A, %get3A_0, %get3A_1] : memref<2x1000x128xf32, #tpu.memory_space<vmem>>, vector<1x1000x128xf32>
    %get3A_3 = vector.shape_cast %get3A_2 : vector<1x1000x128xf32> to vector<1000x128xf32>
    %get3A_4 = arith.constant 1 : index
    %get3A_5 = arith.constant 0 : index
    %get3A_6 = arith.constant 0 : index
    %get3A_7 = vector.load %arg2[%get3A_4, %get3A_5, %get3A_6] : memref<2x1000x128xf32, #tpu.memory_space<vmem>>, vector<1x1000x128xf32>
    %get3A_8 = vector.shape_cast %get3A_7 : vector<1x1000x128xf32> to vector<1000x128xf32>
    %add3A = arith.addf %get3A_3, %get3A_8 : vector<1000x128xf32>
    %max3A = arith.constant 1.000000e+00 : f32
    %max3A_9 = vector.broadcast %max3A : f32 to vector<1000x128xf32>
    %max3A_10 = arith.maximumf %add3A, %max3A_9 : vector<1000x128xf32>
    %div3A = arith.constant 1.000000e+00 : f32
    %div3A_11 = vector.broadcast %div3A : f32 to vector<1000x128xf32>
    %div3A_12 = arith.divf %div3A_11, %max3A_10 : vector<1000x128xf32>
    %get3A_13 = arith.constant 0 : index
    %get3A_14 = arith.constant 0 : index
    %get3A_15 = vector.load %arg4[%get3A_13, %get3A_14] : memref<256x256xf32, #tpu.memory_space<vmem>>, vector<256x256xf32>
    %get3A_16 = arith.constant 0 : index
    %get3A_17 = arith.constant 0 : index
    %get3A_18 = vector.load %arg5[%get3A_16, %get3A_17] : memref<256x256xf32, #tpu.memory_space<vmem>>, vector<256x256xf32>
    %get3A_19 = arith.constant 0 : index
    %get3A_20 = arith.constant 0 : index
    %get3A_21 = arith.constant 0 : index
    %get3A_22 = vector.load %arg1[%get3A_19, %get3A_20, %get3A_21] : memref<2x1000x128xf32, #tpu.memory_space<vmem>>, vector<1x1000x128xf32>
    %get3A_23 = vector.shape_cast %get3A_22 : vector<1x1000x128xf32> to vector<1000x128xf32>
    %mul3A = arith.mulf %get3A_23, %div3A_12 : vector<1000x128xf32>
    %slice3A = vector.extract_strided_slice %get3A_15 {offsets = [0, 0], sizes = [128, 256], strides = [1, 1]} : vector<256x256xf32> to vector<128x256xf32>
    %dot_general3A = arith.constant dense<0.000000e+00> : vector<1000x256xf32>
    %dot_general3A_24 = tpu.matmul %mul3A, %slice3A, %dot_general3A {dimension_numbers = #tpu.dot_dimension_numbers<[1], [0], [0], [1], [0, 0, 1, 1], [], []>, precision = #tpu.contract_precision<fp32>, transpose_lhs_hint = false} : vector<1000x128xf32>, vector<128x256xf32>, vector<1000x256xf32> -> vector<1000x256xf32>
    %get3A_25 = arith.constant 1 : index
    %get3A_26 = arith.constant 0 : index
    %get3A_27 = arith.constant 0 : index
    %get3A_28 = vector.load %arg1[%get3A_25, %get3A_26, %get3A_27] : memref<2x1000x128xf32, #tpu.memory_space<vmem>>, vector<1x1000x128xf32>
    %get3A_29 = vector.shape_cast %get3A_28 : vector<1x1000x128xf32> to vector<1000x128xf32>
    %mul3A_30 = arith.mulf %get3A_29, %div3A_12 : vector<1000x128xf32>
    %slice3A_31 = vector.extract_strided_slice %get3A_15 {offsets = [128, 0], sizes = [128, 256], strides = [1, 1]} : vector<256x256xf32> to vector<128x256xf32>
    %dot_general3A_32 = arith.constant dense<0.000000e+00> : vector<1000x256xf32>
    %dot_general3A_33 = tpu.matmul %mul3A_30, %slice3A_31, %dot_general3A_32 {dimension_numbers = #tpu.dot_dimension_numbers<[1], [0], [0], [1], [0, 0, 1, 1], [], []>, precision = #tpu.contract_precision<fp32>, transpose_lhs_hint = false} : vector<1000x128xf32>, vector<128x256xf32>, vector<1000x256xf32> -> vector<1000x256xf32>
    %add3A_34 = arith.addf %dot_general3A_24, %dot_general3A_33 : vector<1000x256xf32>
    %get3A_35 = arith.constant 0 : index
    %get3A_36 = arith.constant 0 : index
    %get3A_37 = arith.constant 0 : index
    %get3A_38 = vector.load %arg3[%get3A_35, %get3A_36, %get3A_37] : memref<2x1000x128xf32, #tpu.memory_space<vmem>>, vector<1x1000x128xf32>
    %get3A_39 = vector.shape_cast %get3A_38 : vector<1x1000x128xf32> to vector<1000x128xf32>
    %slice3A_40 = vector.extract_strided_slice %get3A_18 {offsets = [0, 0], sizes = [128, 256], strides = [1, 1]} : vector<256x256xf32> to vector<128x256xf32>
    %dot_general3A_41 = arith.constant dense<0.000000e+00> : vector<1000x256xf32>
    %dot_general3A_42 = tpu.matmul %get3A_39, %slice3A_40, %dot_general3A_41 {dimension_numbers = #tpu.dot_dimension_numbers<[1], [0], [0], [1], [0, 0, 1, 1], [], []>, precision = #tpu.contract_precision<fp32>, transpose_lhs_hint = false} : vector<1000x128xf32>, vector<128x256xf32>, vector<1000x256xf32> -> vector<1000x256xf32>
    %add3A_43 = arith.addf %add3A_34, %dot_general3A_42 : vector<1000x256xf32>
    %get3A_44 = arith.constant 1 : index
    %get3A_45 = arith.constant 0 : index
    %get3A_46 = arith.constant 0 : index
    %get3A_47 = vector.load %arg3[%get3A_44, %get3A_45, %get3A_46] : memref<2x1000x128xf32, #tpu.memory_space<vmem>>, vector<1x1000x128xf32>
    %get3A_48 = vector.shape_cast %get3A_47 : vector<1x1000x128xf32> to vector<1000x128xf32>
    %slice3A_49 = vector.extract_strided_slice %get3A_18 {offsets = [128, 0], sizes = [128, 256], strides = [1, 1]} : vector<256x256xf32> to vector<128x256xf32>
    %dot_general3A_50 = arith.constant dense<0.000000e+00> : vector<1000x256xf32>
    %dot_general3A_51 = tpu.matmul %get3A_48, %slice3A_49, %dot_general3A_50 {dimension_numbers = #tpu.dot_dimension_numbers<[1], [0], [0], [1], [0, 0, 1, 1], [], []>, precision = #tpu.contract_precision<fp32>, transpose_lhs_hint = false} : vector<1000x128xf32>, vector<128x256xf32>, vector<1000x256xf32> -> vector<1000x256xf32>
    %add3A_52 = arith.addf %add3A_43, %dot_general3A_51 : vector<1000x256xf32>
    %get3A_53 = arith.constant 0 : index
    %get3A_54 = arith.constant 0 : index
    %get3A_55 = vector.load %arg6[%get3A_53, %get3A_54] : memref<1x256xf32, #tpu.memory_space<vmem>>, vector<1x256xf32>
    %add3A_56 = vector.broadcast %get3A_55 : vector<1x256xf32> to vector<1000x256xf32>
    %add3A_57 = arith.addf %add3A_52, %add3A_56 : vector<1000x256xf32>
    %swap3A = arith.constant 0 : index
    %swap3A_58 = arith.constant 0 : index
    %swap3A_59 = vector.load %arg7[%swap3A, %swap3A_58] : memref<1000x256xf32, #tpu.memory_space<vmem>>, vector<1000x256xf32>
    tpu.vector_store %arg7[%swap3A, %swap3A_58], %add3A_57 {strides = array<i32>} : memref<1000x256xf32, #tpu.memory_space<vmem>>, vector<1000x256xf32>,
    %reduce_sum3A = arith.constant dense<0.000000e+00> : vector<256xf32>
    %reduce_sum3A_60 = vector.multi_reduction <add>, %add3A_57, %reduce_sum3A [0] : vector<1000x256xf32> to vector<256xf32>
    %broadcast_in_dim3A = vector.shape_cast %reduce_sum3A_60 : vector<256xf32> to vector<1x256xf32>
    %div3A_61 = arith.constant 1.000000e+03 : f32
    %div3A_62 = vector.broadcast %div3A_61 : f32 to vector<1x256xf32>
    %div3A_63 = arith.divf %broadcast_in_dim3A, %div3A_62 : vector<1x256xf32>
    %sub3A = vector.broadcast %div3A_63 : vector<1x256xf32> to vector<1000x256xf32>
    %sub3A_64 = arith.subf %add3A_57, %sub3A : vector<1000x256xf32>
    %sub3A_65 = vector.broadcast %div3A_63 : vector<1x256xf32> to vector<1000x256xf32>
    %sub3A_66 = arith.subf %add3A_57, %sub3A_65 : vector<1000x256xf32>
    %mul3A_67 = arith.mulf %sub3A_64, %sub3A_66 : vector<1000x256xf32>
    %reduce_sum3A_68 = arith.constant dense<0.000000e+00> : vector<256xf32>
    %reduce_sum3A_69 = vector.multi_reduction <add>, %mul3A_67, %reduce_sum3A_68 [0] : vector<1000x256xf32> to vector<256xf32>
    %broadcast_in_dim3A_70 = vector.shape_cast %reduce_sum3A_69 : vector<256xf32> to vector<1x256xf32>
    %eq3A = arith.constant 0 : i32
    %eq3A_71 = arith.cmpi eq, %arg0, %eq3A : i32
    %convert_element_type3A = arith.extui %eq3A_71 : i1 to i32
    %cond3A = arith.constant 0 : i32
    %cond3A_72 = arith.cmpi ne, %convert_element_type3A, %cond3A : i32
    scf.if %cond3A_72 {
      %swap3A_77 = arith.constant 0 : index
      %swap3A_78 = arith.constant 0 : index
      %swap3A_79 = vector.load %arg8[%swap3A_77, %swap3A_78] : memref<1x256xf32, #tpu.memory_space<vmem>>, vector<1x256xf32>
      tpu.vector_store %arg8[%swap3A_77, %swap3A_78], %div3A_63 {strides = array<i32>} : memref<1x256xf32, #tpu.memory_space<vmem>>, vector<1x256xf32>,
      %swap3A_80 = arith.constant 0 : index
      %swap3A_81 = arith.constant 0 : index
      %swap3A_82 = vector.load %arg9[%swap3A_80, %swap3A_81] : memref<1x256xf32, #tpu.memory_space<vmem>>, vector<1x256xf32>
      tpu.vector_store %arg9[%swap3A_80, %swap3A_81], %broadcast_in_dim3A_70 {strides = array<i32>} : memref<1x256xf32, #tpu.memory_space<vmem>>, vector<1x256xf32>,
    } else {
    }
    %gt3A = arith.constant 0 : i32
    %gt3A_73 = arith.cmpi sgt, %arg0, %gt3A : i32
    %convert_element_type3A_74 = arith.extui %gt3A_73 : i1 to i32
    %cond3A_75 = arith.constant 0 : i32
    %cond3A_76 = arith.cmpi ne, %convert_element_type3A_74, %cond3A_75 : i32
    scf.if %cond3A_76 {
      %mul3A_77 = arith.constant 1000 : i32
      %mul3A_78 = arith.muli %arg0, %mul3A_77 : i32
      %convert_element_type3A_79 = arith.sitofp %mul3A_78 : i32 to f32
      %add3A_80 = arith.constant 1.000000e+03 : f32
      %add3A_81 = arith.addf %convert_element_type3A_79, %add3A_80 : f32
      %div3A_82 = arith.constant 1.000000e+03 : f32
      %div3A_83 = arith.divf %div3A_82, %add3A_81 : f32
      %get3A_84 = arith.constant 0 : index
      %get3A_85 = arith.constant 0 : index
      %get3A_86 = vector.load %arg8[%get3A_84, %get3A_85] : memref<1x256xf32, #tpu.memory_space<vmem>>, vector<1x256xf32>
      %sub3A_87 = arith.subf %div3A_63, %get3A_86 : vector<1x256xf32>
      %get3A_88 = arith.constant 0 : index
      %get3A_89 = arith.constant 0 : index
      %get3A_90 = vector.load %arg8[%get3A_88, %get3A_89] : memref<1x256xf32, #tpu.memory_space<vmem>>, vector<1x256xf32>
      %mul3A_91 = vector.broadcast %div3A_83 : f32 to vector<1x256xf32>
      %mul3A_92 = arith.mulf %sub3A_87, %mul3A_91 : vector<1x256xf32>
      %add3A_93 = arith.addf %get3A_90, %mul3A_92 : vector<1x256xf32>
      %swap3A_94 = arith.constant 0 : index
      %swap3A_95 = arith.constant 0 : index
      %swap3A_96 = vector.load %arg8[%swap3A_94, %swap3A_95] : memref<1x256xf32, #tpu.memory_space<vmem>>, vector<1x256xf32>
      tpu.vector_store %arg8[%swap3A_94, %swap3A_95], %add3A_93 {strides = array<i32>} : memref<1x256xf32, #tpu.memory_space<vmem>>, vector<1x256xf32>,
      %get3A_97 = arith.constant 0 : index
      %get3A_98 = arith.constant 0 : index
      %get3A_99 = vector.load %arg9[%get3A_97, %get3A_98] : memref<1x256xf32, #tpu.memory_space<vmem>>, vector<1x256xf32>
      %mul3A_100 = arith.mulf %sub3A_87, %sub3A_87 : vector<1x256xf32>
      %mul3A_101 = arith.mulf %convert_element_type3A_79, %div3A_83 : f32
      %mul3A_102 = vector.broadcast %mul3A_101 : f32 to vector<1x256xf32>
      %mul3A_103 = arith.mulf %mul3A_100, %mul3A_102 : vector<1x256xf32>
      %add3A_104 = arith.addf %broadcast_in_dim3A_70, %mul3A_103 : vector<1x256xf32>
      %add3A_105 = arith.addf %get3A_99, %add3A_104 : vector<1x256xf32>
      %swap3A_106 = arith.constant 0 : index
      %swap3A_107 = arith.constant 0 : index
      %swap3A_108 = vector.load %arg9[%swap3A_106, %swap3A_107] : memref<1x256xf32, #tpu.memory_space<vmem>>, vector<1x256xf32>
      tpu.vector_store %arg9[%swap3A_106, %swap3A_107], %add3A_105 {strides = array<i32>} : memref<1x256xf32, #tpu.memory_space<vmem>>, vector<1x256xf32>,
    } else {
    }
    return
  }
  func.func @transform_0(%arg0: i32) -> (i32, i32, i32) {
    %c0_i32 = arith.constant 0 : i32
    %c0_i32_0 = arith.constant 0 : i32
    %c0_i32_1 = arith.constant 0 : i32
    return %c0_i32, %arg0, %c0_i32_0 : i32, i32, i32
  }
  func.func @transform_1(%arg0: i32) -> (i32, i32, i32) {
    %c0_i32 = arith.constant 0 : i32
    %c0_i32_0 = arith.constant 0 : i32
    %c0_i32_1 = arith.constant 0 : i32
    return %c0_i32, %arg0, %c0_i32_0 : i32, i32, i32
  }
  func.func @transform_2(%arg0: i32) -> (i32, i32, i32) {
    %c0_i32 = arith.constant 0 : i32
    %c0_i32_0 = arith.constant 0 : i32
    %c0_i32_1 = arith.constant 0 : i32
    return %c0_i32, %arg0, %c0_i32_0 : i32, i32, i32
  }
  func.func @transform_3(%arg0: i32) -> (i32, i32) {
    %c0_i32 = arith.constant 0 : i32
    %c0_i32_0 = arith.constant 0 : i32
    %c0_i32_1 = arith.constant 0 : i32
    return %c0_i32, %c0_i32_0 : i32, i32
  }
  func.func @transform_4(%arg0: i32) -> (i32, i32) {
    %c0_i32 = arith.constant 0 : i32
    %c0_i32_0 = arith.constant 0 : i32
    %c0_i32_1 = arith.constant 0 : i32
    return %c0_i32, %c0_i32_0 : i32, i32
  }
  func.func @transform_5(%arg0: i32) -> (i32, i32) {
    %c0_i32 = arith.constant 0 : i32
    %c0_i32_0 = arith.constant 0 : i32
    %c0_i32_1 = arith.constant 0 : i32
    return %c0_i32, %c0_i32_0 : i32, i32
  }
  func.func @transform_6(%arg0: i32) -> (i32, i32) {
    %c0_i32 = arith.constant 0 : i32
    %c0_i32_0 = arith.constant 0 : i32
    return %arg0, %c0_i32 : i32, i32
  }
  func.func @transform_7(%arg0: i32) -> (i32, i32) {
    %c0_i32 = arith.constant 0 : i32
    %c0_i32_0 = arith.constant 0 : i32
    %c0_i32_1 = arith.constant 0 : i32
    return %c0_i32, %c0_i32_0 : i32, i32
  }
  func.func @transform_8(%arg0: i32) -> (i32, i32) {
    %c0_i32 = arith.constant 0 : i32
    %c0_i32_0 = arith.constant 0 : i32
    %c0_i32_1 = arith.constant 0 : i32
    return %c0_i32, %c0_i32_0 : i32, i32
  }
}

module attributes {stable_mosaic.version = 14 : i64} {
  func.func @_pool_body(%arg0: i32, %arg1: memref<2x1000x128xf32, #tpu.memory_space<vmem>>, %arg2: memref<1x1x1000xi32, #tpu.memory_space<vmem>>, %arg3: memref<256x128xf32, #tpu.memory_space<vmem>>, %arg4: memref<1x128xf32, #tpu.memory_space<vmem>>, %arg5: memref<1x128xf32, #tpu.memory_space<vmem>>, %arg6: memref<1x128xf32, #tpu.memory_space<vmem>>, %arg7: memref<64x128xf32, #tpu.memory_space<vmem>>, %arg8: memref<64x256xf32, #tpu.memory_space<vmem>>, %arg9: memref<64x128xf32, #tpu.memory_space<vmem>>) attributes {dimension_semantics = [#tpu.dimension_semantics<arbitrary>], iteration_bounds = array<i64: 10>, scalar_prefetch = 0 : i64, scratch_operands = 2 : i64, tpu.core_type = #tpu.core_type<tc>, window_params = [{transform_indices = @transform_0, window_bounds = array<i64: 2, 1000, 128>}, {transform_indices = @transform_1, window_bounds = array<i64: 1, 1, 1000>}, {pipeline_mode = #tpu.pipeline_mode<synchronous>, transform_indices = @transform_2, window_bounds = array<i64: 256, 128>}, {pipeline_mode = #tpu.pipeline_mode<synchronous>, transform_indices = @transform_3, window_bounds = array<i64: 1, 128>}, {pipeline_mode = #tpu.pipeline_mode<synchronous>, transform_indices = @transform_4, window_bounds = array<i64: 1, 128>}, {pipeline_mode = #tpu.pipeline_mode<synchronous>, transform_indices = @transform_5, window_bounds = array<i64: 1, 128>}, {pipeline_mode = #tpu.pipeline_mode<synchronous>, transform_indices = @transform_6, window_bounds = array<i64: 64, 128>}]} {
    %eq3A = arith.constant 0 : i32
    %eq3A_0 = arith.cmpi eq, %arg0, %eq3A : i32
    %convert_element_type3A = arith.extui %eq3A_0 : i1 to i32
    %cond3A = arith.constant 0 : i32
    %cond3A_1 = arith.cmpi ne, %convert_element_type3A, %cond3A : i32
    scf.if %cond3A_1 {
      %broadcast_in_dim3A_49 = arith.constant 0.000000e+00 : f32
      %broadcast_in_dim3A_50 = vector.broadcast %broadcast_in_dim3A_49 : f32 to vector<64x256xf32>
      %swap3A_51 = arith.constant 0 : index
      %swap3A_52 = arith.constant 0 : index
      %swap3A_53 = vector.load %arg8[%swap3A_51, %swap3A_52] : memref<64x256xf32, #tpu.memory_space<vmem>>, vector<64x256xf32>
      tpu.vector_store %arg8[%swap3A_51, %swap3A_52], %broadcast_in_dim3A_50 {strides = array<i32>} : memref<64x256xf32, #tpu.memory_space<vmem>>, vector<64x256xf32>,
      %broadcast_in_dim3A_54 = arith.constant 0.000000e+00 : f32
      %broadcast_in_dim3A_55 = vector.broadcast %broadcast_in_dim3A_54 : f32 to vector<64x128xf32>
      %swap3A_56 = arith.constant 0 : index
      %swap3A_57 = arith.constant 0 : index
      %swap3A_58 = vector.load %arg9[%swap3A_56, %swap3A_57] : memref<64x128xf32, #tpu.memory_space<vmem>>, vector<64x128xf32>
      tpu.vector_store %arg9[%swap3A_56, %swap3A_57], %broadcast_in_dim3A_55 {strides = array<i32>} : memref<64x128xf32, #tpu.memory_space<vmem>>, vector<64x128xf32>,
    } else {
    }
    %iota3A = tpu.iota {dimensions = array<i32: 0>} : vector<64x1000xi32>
    %get3A = arith.constant 0 : index
    %get3A_2 = arith.constant 0 : index
    %get3A_3 = arith.constant 0 : index
    %get3A_4 = vector.load %arg2[%get3A, %get3A_2, %get3A_3] : memref<1x1x1000xi32, #tpu.memory_space<vmem>>, vector<1x1x1000xi32>
    %get3A_5 = vector.shape_cast %get3A_4 : vector<1x1x1000xi32> to vector<1x1000xi32>
    %eq3A_6 = vector.broadcast %get3A_5 : vector<1x1000xi32> to vector<64x1000xi32>
    %eq3A_7 = arith.cmpi eq, %iota3A, %eq3A_6 : vector<64x1000xi32>
    %convert_element_type3A_8 = arith.extui %eq3A_7 : vector<64x1000xi1> to vector<64x1000xi32>
    %convert_element_type3A_9 = arith.sitofp %convert_element_type3A_8 : vector<64x1000xi32> to vector<64x1000xf32>
    %get3A_10 = arith.constant 0 : index
    %get3A_11 = arith.constant 0 : index
    %get3A_12 = vector.load %arg8[%get3A_10, %get3A_11] : memref<64x256xf32, #tpu.memory_space<vmem>>, vector<64x128xf32>
    %get3A_13 = arith.constant 0 : index
    %get3A_14 = arith.constant 0 : index
    %get3A_15 = arith.constant 0 : index
    %get3A_16 = vector.load %arg1[%get3A_13, %get3A_14, %get3A_15] : memref<2x1000x128xf32, #tpu.memory_space<vmem>>, vector<1x1000x128xf32>
    %get3A_17 = vector.shape_cast %get3A_16 : vector<1x1000x128xf32> to vector<1000x128xf32>
    %dot_general3A = arith.constant dense<0.000000e+00> : vector<64x128xf32>
    %dot_general3A_18 = tpu.matmul %convert_element_type3A_9, %get3A_17, %dot_general3A {dimension_numbers = #tpu.dot_dimension_numbers<[1], [0], [0], [1], [0, 0, 1, 1], [], []>, precision = #tpu.contract_precision<fp32>, transpose_lhs_hint = false} : vector<64x1000xf32>, vector<1000x128xf32>, vector<64x128xf32> -> vector<64x128xf32>
    %add3A = arith.addf %get3A_12, %dot_general3A_18 : vector<64x128xf32>
    %swap3A = arith.constant 0 : index
    %swap3A_19 = arith.constant 0 : index
    %swap3A_20 = vector.load %arg8[%swap3A, %swap3A_19] : memref<64x256xf32, #tpu.memory_space<vmem>>, vector<64x128xf32>
    tpu.vector_store %arg8[%swap3A, %swap3A_19], %add3A {strides = array<i32>} : memref<64x256xf32, #tpu.memory_space<vmem>>, vector<64x128xf32>,
    %get3A_21 = arith.constant 0 : index
    %get3A_22 = arith.constant 128 : index
    %get3A_23 = vector.load %arg8[%get3A_21, %get3A_22] : memref<64x256xf32, #tpu.memory_space<vmem>>, vector<64x128xf32>
    %get3A_24 = arith.constant 1 : index
    %get3A_25 = arith.constant 0 : index
    %get3A_26 = arith.constant 0 : index
    %get3A_27 = vector.load %arg1[%get3A_24, %get3A_25, %get3A_26] : memref<2x1000x128xf32, #tpu.memory_space<vmem>>, vector<1x1000x128xf32>
    %get3A_28 = vector.shape_cast %get3A_27 : vector<1x1000x128xf32> to vector<1000x128xf32>
    %dot_general3A_29 = arith.constant dense<0.000000e+00> : vector<64x128xf32>
    %dot_general3A_30 = tpu.matmul %convert_element_type3A_9, %get3A_28, %dot_general3A_29 {dimension_numbers = #tpu.dot_dimension_numbers<[1], [0], [0], [1], [0, 0, 1, 1], [], []>, precision = #tpu.contract_precision<fp32>, transpose_lhs_hint = false} : vector<64x1000xf32>, vector<1000x128xf32>, vector<64x128xf32> -> vector<64x128xf32>
    %add3A_31 = arith.addf %get3A_23, %dot_general3A_30 : vector<64x128xf32>
    %swap3A_32 = arith.constant 0 : index
    %swap3A_33 = arith.constant 128 : index
    %swap3A_34 = vector.load %arg8[%swap3A_32, %swap3A_33] : memref<64x256xf32, #tpu.memory_space<vmem>>, vector<64x128xf32>
    tpu.vector_store %arg8[%swap3A_32, %swap3A_33], %add3A_31 {strides = array<i32>} : memref<64x256xf32, #tpu.memory_space<vmem>>, vector<64x128xf32>,
    %get3A_35 = arith.constant 0 : index
    %get3A_36 = arith.constant 0 : index
    %get3A_37 = vector.load %arg9[%get3A_35, %get3A_36] : memref<64x128xf32, #tpu.memory_space<vmem>>, vector<64x128xf32>
    %reduce_sum3A = arith.constant dense<0.000000e+00> : vector<64xf32>
    %reduce_sum3A_38 = vector.multi_reduction <add>, %convert_element_type3A_9, %reduce_sum3A [1] : vector<64x1000xf32> to vector<64xf32>
    %broadcast_in_dim3A = vector.shape_cast %reduce_sum3A_38 : vector<64xf32> to vector<64x1xf32>
    %add3A_39 = vector.broadcast %broadcast_in_dim3A : vector<64x1xf32> to vector<64x128xf32>
    %add3A_40 = arith.addf %get3A_37, %add3A_39 : vector<64x128xf32>
    %swap3A_41 = arith.constant 0 : index
    %swap3A_42 = arith.constant 0 : index
    %swap3A_43 = vector.load %arg9[%swap3A_41, %swap3A_42] : memref<64x128xf32, #tpu.memory_space<vmem>>, vector<64x128xf32>
    tpu.vector_store %arg9[%swap3A_41, %swap3A_42], %add3A_40 {strides = array<i32>} : memref<64x128xf32, #tpu.memory_space<vmem>>, vector<64x128xf32>,
    %eq3A_44 = arith.constant 9 : i32
    %eq3A_45 = arith.cmpi eq, %arg0, %eq3A_44 : i32
    %convert_element_type3A_46 = arith.extui %eq3A_45 : i1 to i32
    %cond3A_47 = arith.constant 0 : i32
    %cond3A_48 = arith.cmpi ne, %convert_element_type3A_46, %cond3A_47 : i32
    scf.if %cond3A_48 {
      %get3A_49 = arith.constant 0 : index
      %get3A_50 = arith.constant 0 : index
      %get3A_51 = vector.load %arg9[%get3A_49, %get3A_50] : memref<64x128xf32, #tpu.memory_space<vmem>>, vector<64x128xf32>
      %max3A = arith.constant 1.000000e+00 : f32
      %max3A_52 = vector.broadcast %max3A : f32 to vector<64x128xf32>
      %max3A_53 = arith.maximumf %get3A_51, %max3A_52 : vector<64x128xf32>
      %div3A = arith.constant 1.000000e+00 : f32
      %div3A_54 = vector.broadcast %div3A : f32 to vector<64x128xf32>
      %div3A_55 = arith.divf %div3A_54, %max3A_53 : vector<64x128xf32>
      %get3A_56 = arith.constant 0 : index
      %get3A_57 = arith.constant 0 : index
      %get3A_58 = vector.load %arg8[%get3A_56, %get3A_57] : memref<64x256xf32, #tpu.memory_space<vmem>>, vector<64x256xf32>
      %concatenate3A = tpu.concatenate %div3A_55, %div3A_55 in 1 : vector<64x128xf32>, vector<64x128xf32> -> vector<64x256xf32>
      %mul3A = arith.mulf %get3A_58, %concatenate3A : vector<64x256xf32>
      %get3A_59 = arith.constant 0 : index
      %get3A_60 = arith.constant 0 : index
      %get3A_61 = vector.load %arg3[%get3A_59, %get3A_60] : memref<256x128xf32, #tpu.memory_space<vmem>>, vector<256x128xf32>
      %dot_general3A_62 = arith.constant dense<0.000000e+00> : vector<64x128xf32>
      %dot_general3A_63 = tpu.matmul %mul3A, %get3A_61, %dot_general3A_62 {dimension_numbers = #tpu.dot_dimension_numbers<[1], [0], [0], [1], [0, 0, 1, 1], [], []>, precision = #tpu.contract_precision<fp32>, transpose_lhs_hint = false} : vector<64x256xf32>, vector<256x128xf32>, vector<64x128xf32> -> vector<64x128xf32>
      %get3A_64 = arith.constant 0 : index
      %get3A_65 = arith.constant 0 : index
      %get3A_66 = vector.load %arg4[%get3A_64, %get3A_65] : memref<1x128xf32, #tpu.memory_space<vmem>>, vector<1x128xf32>
      %add3A_67 = vector.broadcast %get3A_66 : vector<1x128xf32> to vector<64x128xf32>
      %add3A_68 = arith.addf %dot_general3A_63, %add3A_67 : vector<64x128xf32>
      %max3A_69 = arith.constant 0.000000e+00 : f32
      %max3A_70 = vector.broadcast %max3A_69 : f32 to vector<64x128xf32>
      %max3A_71 = arith.maximumf %add3A_68, %max3A_70 : vector<64x128xf32>
      %get3A_72 = arith.constant 0 : index
      %get3A_73 = arith.constant 0 : index
      %get3A_74 = vector.load %arg5[%get3A_72, %get3A_73] : memref<1x128xf32, #tpu.memory_space<vmem>>, vector<1x128xf32>
      %mul3A_75 = vector.broadcast %get3A_74 : vector<1x128xf32> to vector<64x128xf32>
      %mul3A_76 = arith.mulf %max3A_71, %mul3A_75 : vector<64x128xf32>
      %reduce_sum3A_77 = arith.constant dense<0.000000e+00> : vector<64xf32>
      %reduce_sum3A_78 = vector.multi_reduction <add>, %mul3A_76, %reduce_sum3A_77 [1] : vector<64x128xf32> to vector<64xf32>
      %broadcast_in_dim3A_79 = vector.shape_cast %reduce_sum3A_78 : vector<64xf32> to vector<64x1xf32>
      %get3A_80 = arith.constant 0 : index
      %get3A_81 = arith.constant 0 : index
      %get3A_82 = vector.load %arg6[%get3A_80, %get3A_81] : memref<1x128xf32, #tpu.memory_space<vmem>>, vector<1x128xf32>
      %add3A_83 = vector.broadcast %broadcast_in_dim3A_79 : vector<64x1xf32> to vector<64x128xf32>
      %add3A_84 = vector.broadcast %get3A_82 : vector<1x128xf32> to vector<64x128xf32>
      %add3A_85 = arith.addf %add3A_83, %add3A_84 : vector<64x128xf32>
      %swap3A_86 = arith.constant 0 : index
      %swap3A_87 = arith.constant 0 : index
      %swap3A_88 = vector.load %arg7[%swap3A_86, %swap3A_87] : memref<64x128xf32, #tpu.memory_space<vmem>>, vector<64x128xf32>
      tpu.vector_store %arg7[%swap3A_86, %swap3A_87], %add3A_85 {strides = array<i32>} : memref<64x128xf32, #tpu.memory_space<vmem>>, vector<64x128xf32>,
    } else {
    }
    return
  }
  func.func @transform_0(%arg0: i32) -> (i32, i32, i32) {
    %c0_i32 = arith.constant 0 : i32
    %c0_i32_0 = arith.constant 0 : i32
    %c0_i32_1 = arith.constant 0 : i32
    return %c0_i32, %arg0, %c0_i32_0 : i32, i32, i32
  }
  func.func @transform_1(%arg0: i32) -> (i32, i32, i32) {
    %c0_i32 = arith.constant 0 : i32
    %c0_i32_0 = arith.constant 0 : i32
    %c0_i32_1 = arith.constant 0 : i32
    return %arg0, %c0_i32, %c0_i32_0 : i32, i32, i32
  }
  func.func @transform_2(%arg0: i32) -> (i32, i32) {
    %c0_i32 = arith.constant 0 : i32
    %c0_i32_0 = arith.constant 0 : i32
    %c0_i32_1 = arith.constant 0 : i32
    return %c0_i32, %c0_i32_0 : i32, i32
  }
  func.func @transform_3(%arg0: i32) -> (i32, i32) {
    %c0_i32 = arith.constant 0 : i32
    %c0_i32_0 = arith.constant 0 : i32
    %c0_i32_1 = arith.constant 0 : i32
    return %c0_i32, %c0_i32_0 : i32, i32
  }
  func.func @transform_4(%arg0: i32) -> (i32, i32) {
    %c0_i32 = arith.constant 0 : i32
    %c0_i32_0 = arith.constant 0 : i32
    %c0_i32_1 = arith.constant 0 : i32
    return %c0_i32, %c0_i32_0 : i32, i32
  }
  func.func @transform_5(%arg0: i32) -> (i32, i32) {
    %c0_i32 = arith.constant 0 : i32
    %c0_i32_0 = arith.constant 0 : i32
    %c0_i32_1 = arith.constant 0 : i32
    return %c0_i32, %c0_i32_0 : i32, i32
  }
  func.func @transform_6(%arg0: i32) -> (i32, i32) {
    %c0_i32 = arith.constant 0 : i32
    %c0_i32_0 = arith.constant 0 : i32
    %c0_i32_1 = arith.constant 0 : i32
    return %c0_i32, %c0_i32_0 : i32, i32
  }
}

</mosaic_0001>

<sc_bundles>
// kernel: kernel.13.cloned.1.call-start
scs
__scs_entry_jumppad:
0x0: {  	(pc) =	sbr.rel $0x88, $3  }
0x1: {  	(tag) =	ssettag $0x0;
	lr =	simm.s32 $0x1  }
0x2: {  	[smem:$0x3F8B] =	sst lr;
	_ =	strace $0xD0000000  }
0x3: {  	_ = 	snop  }
0x4: {  	_ = 	snop  }
0x5: {  	_ = 	snop  }
0x6: {  	_ = 	snop  }
0x7: {  	_ = 	snop  }
__scs_overlays_trampoline_lowered:
0x8: {  	[smem:$0x3F9A] =	sst s0  }
0x9: {  	[smem:$0x3F9B] =	sst s1  }
0xa: {  	[smem:$0x3F9C] =	sst s2  }
0xb: {  	[smem:$0x3F9D] =	sst s3  }
0xc: {  	[smem:$0x3F9E] =	sst s4  }
0xd: {  	[smem:$0x3F9F] =	sst s5  }
0xe: {  	[smem:$0x3FA0] =	sst s6  }
0xf: {  	[smem:$0x3FA1] =	sst s7  }
0x10: {  	[smem:$0x3FA2] =	sst s8  }
0x11: {  	[smem:$0x3FA3] =	sst s9;
	s0 =	simm.s32 @!p0 $0x0  }
0x12: {  	s1 =	sld [smem:$0x3F89];
	s0 =	simm.s32 @p0 $0x1  }
0x13: {  	[smem:$0x3FA4] =	sst s0;
	s0 =	simm.s32 @!p1 $0x0  }
0x14: {  	s2 =	sld [smem:$0x3F88];
	s0 =	simm.s32 @p1 $0x1  }
0x15: {  	[smem:$0x3FA5] =	sst s0;
	s0 =	simm.s32 @!p2 $0x0  }
0x16: {  	s3 =	sld [smem:$0x3FDB];
	s0 =	simm.s32 @p2 $0x1  }
0x17: {  	s4 =	simm.s32 $0x1BF5;
	[smem:$0x3FA7] =	sst s0  }
0x18: {  	s0 =	sld [smem:$0x3F8A];
	_ =	swait.ge [sflag:s4], $0x0  }
0x19: {  	s7 =	sld [smem:$0x3F8B]  }
0x1a: {  	s8 =	sadd.s32 $0xFFFFE003, lr  }
0x1b: {  	s9 =	sadd.s32 $0xFFFFFEF7, lr;
	s5 =	simm.s32 $0xFFFFFFFF;
	p2 =	slt.u32 s8, $0xFFFFF086  }
0x1c: {  	p1 =	slt.u32 s9, $0xF7A;
	s5 =	simm.s32 @!p2 $0x0  }
0x1d: {  	s5 =	simm.s32 @p1 $0x1;
	p0 =	seq.s32 s7, s2  }
0x1e: {  	s7 =	smul.u32 @!p0 $0xF7A, s2;
	p2 =	seq.s32 @!p0 s5, $0x0  }
0x1f: {  	s9 =	smul.u32 $0xF7A, s1;
	s8 =	simm.s32 @!p0 $0x1BF5;
	p2 =	por !p2, p0  }
0x20: {  	[sflag:s8] =	ssyncset.s32 @!p0 $0xFFFFF086;
	s6 =	sadd.s32 @!p0 s3, s7;
	s7 =	simm.s32 @!p0 $0x108  }
0x21: {  	s3 =	sadd.s32 s3, s9;
	s6 =	sadd.s32 @!p0 $0x88, s6;
	s7 =	simm.s32 @p2 $0x1082  }
0x22: {  	[simem:s7], [sflag:s8] =	dma.local @!p0 [hbm:s6], $0xF7A  }
0x23: {  	s9 =	sor.u32 $0xD0000000, s2;
	s6 =	simm.s32 $0x108;
	_ =	swait.ge @!p0 [sflag:s8], $0x0  }
0x24: {  	s3 =	sadd.s32 $0x88, s3;
	s6 =	simm.s32 @!p1 $0x1082;
	[sflag:s4] =	ssyncset.s32 $0xFFFFF086  }
0x25: {  	[simem:s6], [sflag:s4] =	dma.local [hbm:s3], $0xF7A  }
0x26: {  	[smem:$0x3F8B] =	sst s1;
	(tag) =	ssettag s2;
	_ =	strace s9  }
0x27: {  	s1 =	sld [smem:$0x3F9B]  }
0x28: {  	s2 =	sld [smem:$0x3F9C]  }
0x29: {  	s4 =	sld [smem:$0x3F9E]  }
0x2a: {  	p0 =	seq.s32 s5, $0x0;
	s5 =	sld [smem:$0x3F9F]  }
0x2b: {  	s6 =	sld [smem:$0x3FA0]  }
0x2c: {  	s7 =	sld [smem:$0x3FA1]  }
0x2d: {  	s3 =	simm.s32 $0x108;
	s8 =	sld [smem:$0x3FA2]  }
0x2e: {  	s3 =	simm.s32 @!p0 $0x1082;
	s9 =	sld [smem:$0x3FA3]  }
0x2f: {  	lr =	sadd.s32 s0, s3;
	s0 =	sld [smem:$0x3F9A]  }
0x30: {  	s3 =	sld [smem:$0x3F9D]  }
0x31: {  	[smem:$0x3FA6] =	sst s10  }
0x32: {  	s10 =	sld [smem:$0x3FA4];
	_ =	sdelay $0x3  }
0x33: {  	p0 =	seq.s32 s10, $0x1;
	s10 =	sld [smem:$0x3FA6];
	_ =	sdelay $0x3  }
0x34: {  	[smem:$0x3FA6] =	sst s10  }
0x35: {  	s10 =	sld [smem:$0x3FA5];
	_ =	sdelay $0x3  }
0x36: {  	p1 =	seq.s32 s10, $0x1;
	s10 =	sld [smem:$0x3FA6];
	_ =	sdelay $0x3  }
0x37: {  	[smem:$0x3FA6] =	sst s10  }
0x38: {  	s10 =	sld [smem:$0x3FA7]  }
0x39: {  	_ = 	snop;
	(pc) =	sbr.ind lr, $3  }
0x3a: {  	_ = 	snop  }
0x3b: {  	_ = 	snop  }
0x3c: {  	p2 =	seq.s32 s10, $0x1;
	s10 =	sld [smem:$0x3FA6]  }
0x3d: {  	_ =	shalt  }
0x3e: {  	_ =	shalt  }
0x3f: {  	_ =	shalt  }
0x40: {  	_ =	shalt  }
0x41: {  	_ =	shalt  }
0x42: {  	_ =	shalt  }
0x43: {  	_ =	shalt  }
0x44: {  	_ =	shalt  }
0x45: {  	_ =	shalt  }
0x46: {  	_ =	shalt  }
0x47: {  	_ =	shalt  }
0x48: {  	_ =	shalt  }
0x49: {  	_ =	shalt  }
0x4a: {  	_ =	shalt  }
0x4b: {  	_ =	shalt  }
0x4c: {  	_ =	shalt  }
0x4d: {  	_ =	shalt  }
0x4e: {  	_ =	shalt  }
0x4f: {  	_ =	shalt  }
0x50: {  	_ =	shalt  }
0x51: {  	_ =	shalt  }
0x52: {  	_ =	shalt  }
0x53: {  	_ =	shalt  }
0x54: {  	_ =	shalt  }
0x55: {  	_ =	shalt  }
0x56: {  	_ =	shalt  }
0x57: {  	_ =	shalt  }
0x58: {  	_ =	shalt  }
0x59: {  	_ =	shalt  }
0x5a: {  	_ =	shalt  }
0x5b: {  	_ =	shalt  }
0x5c: {  	_ =	shalt  }
0x5d: {  	_ =	shalt  }
0x5e: {  	_ =	shalt  }
0x5f: {  	_ =	shalt  }
0x60: {  	_ =	shalt  }
0x61: {  	_ =	shalt  }
0x62: {  	_ =	shalt  }
0x63: {  	_ =	shalt  }
0x64: {  	_ =	shalt  }
0x65: {  	_ =	shalt  }
0x66: {  	_ =	shalt  }
0x67: {  	_ =	shalt  }
0x68: {  	_ =	shalt  }
0x69: {  	_ =	shalt  }
0x6a: {  	_ =	shalt  }
0x6b: {  	_ =	shalt  }
0x6c: {  	_ =	shalt  }
0x6d: {  	_ =	shalt  }
0x6e: {  	_ =	shalt  }
0x6f: {  	_ =	shalt  }
0x70: {  	_ =	shalt  }
0x71: {  	_ =	shalt  }
0x72: {  	_ =	shalt  }
0x73: {  	_ =	shalt  }
0x74: {  	_ =	shalt  }
0x75: {  	_ =	shalt  }
0x76: {  	_ =	shalt  }
0x77: {  	_ =	shalt  }
0x78: {  	_ =	shalt  }
0x79: {  	_ =	shalt  }
0x7a: {  	_ =	shalt  }
0x7b: {  	_ =	shalt  }
0x7c: {  	_ =	shalt  }
0x7d: {  	_ =	shalt  }
0x7e: {  	_ =	shalt  }
0x7f: {  	_ =	shalt  }
0x80: {  	_ =	shalt  }
0x81: {  	_ =	shalt  }
0x82: {  	_ =	shalt  }
0x83: {  	_ =	shalt  }
0x84: {  	_ =	shalt  }
0x85: {  	_ =	shalt  }
0x86: {  	_ =	shalt  }
0x87: {  	_ =	shalt  }
.Lfunc_end0:
.L_simem_size_0:
called_computation_lowered:
.L_overlay_start_0:
0x88: {  	s2 =	sld [smem:$0x3FD9]  }
0x89: {  	s3 =	sld [smem:$0x3FFE];
	_ =	sdelay $0x1  }
0x8a: {  	s1 =	srdreg.scid  }
0x8b: {  	s0 =	sand.u32 $0x1, s1  }
0x8c: {  	s17 =	sshll.u32 s0, $0xA;
	s2 =	sadd.s32 s3, s2  }
0x8d: {  	s2 =	sadd.s32 s2, s17  }
0x8e: {  	[smem:$0x3FB2] =	sst s2  }
0x8f: {  	_ = 	snop  }
0x90: {  	(tm) =	ssettm $0x1  }
0x91: {  	s18 =	sld [smem:$0x3FFB];
	_ =	sdelay $0x3  }
0x92: {  	_ =	strace s18  }
0x93: {  	s2 =	sld [smem:$0x3FFC];
	_ =	sdelay $0x3  }
0x94: {  	_ =	strace s2  }
0x95: {  	s2 =	sld [smem:$0x3FFD];
	_ =	sdelay $0x3  }
0x96: {  	_ =	strace s2  }
0x97: {  	_ =	strace $0x8FFFFFFF  }
0x98: {  	s19 =	sld [smem:$0x3FDB];
	_ =	sdelay $0x1  }
0x99: {  	s20 =	simm.s32 $_scs_section_size  }
0x9a: {  	s4 =	simm.s32 $_size__tile_overlayer_lowered;
	s5 =	simm.s32 $_tile_overlayer_lowered  }
0x9b: {  	s6 =	simm.s32 $0x1BFF;
	s21 =	sshll.u32 s5, $0x1;
	s3 =	sadd.s32 s20, s19  }
0x9c: {  	s22 =	simm.s32 $0x0;
	s4 =	sshll.u32 s4, $0x1;
	s5 =	sadd.s32 s21, s3  }
0x9d: {  	[timem:s22], [sflag:s6] =	dma.local [hbm:s5], s4  }
0x9e: {  	_ =	swait.ge [sflag:s6], s4  }
0x9f: {  	s4 =	ssub.s32 $0x0, s4;
	[sflag:s6] =	ssyncset.done $0x0  }
0xa0: {  	[sflag:s6] =	ssyncadd.s32 s4;
	_ =	sdelay $0x1  }
0xa1: {  	s23 =	simm.s32 $0x1B8B  }
0xa2: {  	_ =	swait.ge [sflag:s23], $0x1  }
0xa3: {  	[sflag:s23] =	ssyncset.done $0x0  }
0xa4: {  	[sflag:s23] =	ssyncadd.s32 $0xFFFFFFFF  }
0xa5: {  	s4 =	sld [smem:$0x0]  }
0xa6: {  	s5 =	sand.u32 $0xFFFFFFFE, s1  }
0xa7: {  	p0 =	sne.s32 s1, s5  }
0xa8: {  	s5 =	sshll.u32 @p0 s5, $0xE  }
0xa9: {  	s5 =	sadd.s32 @p0 $0x11B8D, s5;
	s6 =	sshll.u32 @p0 s4, $0x11  }
0xaa: {  	s5 =	sor.u32 @p0 s6, s5  }
0xab: {  	[sflag:s5] =	ssyncadd.remote.s32 @p0 $0x1;
	_ =	sdelay $0x1  }
0xac: {  	s5 =	simm.s32 @p0 $0x1B8D  }
0xad: {  	_ =	swait.eq @p0 [sflag:s5], $0x1  }
0xae: {  	[sflag:s5] =	ssyncadd.s32 @p0 $0xFFFFFFFF  }
0xaf: {  	s6 =	sshll.u32 @!p0 s1, $0xE  }
0xb0: {  	s6 =	sor.u32 @!p0 $0x4000, s6;
	s5 =	simm.s32 @!p0 $0x1B8D  }
0xb1: {  	s4 =	sshll.u32 @!p0 s4, $0x11;
	s6 =	sadd.s32 @!p0 $0x11B8D, s6;
	_ =	swait.eq @!p0 [sflag:s5], $0x1  }
0xb2: {  	s4 =	sor.u32 @!p0 s4, s6;
	[sflag:s5] =	ssyncadd.s32 @!p0 $0xFFFFFFFF  }
0xb3: {  	s25 =	simm.s32 $0x1B8E;
	s24 =	sld [smem:$0x3FFE];
	[sflag:s4] =	ssyncadd.remote.s32 @!p0 $0x1  }
0xb4: {  	s26 =	simm.s32 $execute0_lowered;
	[smem:$0x3FD2] =	sst s25  }
0xb5: {  	s5 =	sshll.u32 s26, $0x1;
	_ =	strace $0x80000049;
	[dreg:$0x1] =	wrdreg $0xFFFFFFFF  }
0xb6: {  	s28 =	simm.s32 $_size_execute0_lowered;
	s3 =	sadd.s32 s3, s5;
	[dreg:$0x0] =	wrdreg $0x0  }
0xb7: {  	s5 =	sshll.u32 s28, $0x1;
	[dreg:$0x2] =	wrdreg s3  }
0xb8: {  	[dreg:$0x3] =	wrdreg s5  }
0xb9: {  	[dreg:$0x4] =	wrdreg $0xC0  }
0xba: {  	_ =	task [dreg:s22], $0x5FFFF  }
0xbb: {  	[dreg:$0x1] =	wrdreg $0xFFFFFFFF  }
0xbc: {  	[dreg:$0x0] =	wrdreg $0x60  }
0xbd: {  	[dreg:$0x2] =	wrdreg s24  }
0xbe: {  	[dreg:$0x3] =	wrdreg $0x70000  }
0xbf: {  	[dreg:$0x4] =	wrdreg $0x9  }
0xc0: {  	_ =	task.clear_ibuf [dreg:s22], $0x5FFFF;
	_ =	strace $0x90000049  }
0xc1: {  	s29 =	simm.s32 $0x9;
	_ =	strace $0x8000004B  }
0xc2: {  	_ =	swait.ge [sflag:s29], $0x1  }
0xc3: {  	[sflag:s29] =	ssyncadd.s32 $0xFFFFFFFF  }
0xc4: {  	_ =	strace $0x9000004B  }
0xc5: {  	_ =	sfence  }
0xc6: {  	s30 =	sld [smem:$0x0];
	_ =	sdelay $0x2  }
0xc7: {  	s31 =	sshll.u32 s1, $0xD;
	s1 =	sshrl.u32 s1, $0x2  }
0xc8: {  	s4 =	sand.u32 $0x4000, s31;
	s1 =	sadd.s32 s1, s30  }
0xc9: {  	s0 =	sor.u32 s4, s0;
	s1 =	sshll.u32 s1, $0x11  }
0xca: {  	s0 =	sor.u32 s1, s0  }
0xcb: {  	s0 =	sadd.s32 $0x8F2B, s0  }
0xcc: {  	[sflag:s0] =	ssyncadd.remote.s32 $0x1  }
0xcd: {  	_ =	sfence.sel $0xFFFF  }
0xce: {  	[dreg:$0x0] =	wrdreg $0xFFFFFFFF;
	(pc) =	sbr.abs _section_cstart, $3  }
0xcf: {  	[dreg:$0x1] =	wrdreg $0xFFFFFFFF  }
0xd0: {  	_ =	task.clear_ibuf [dreg:s22], $0x2FFFF;
	_ =	strace $0x9FFFFFFF  }
0xd1: {  	(tm) =	ssettm $0x7FFFFFFF  }
tec
execute0_lowered:
.L_overlay_start_1:
0x0: {  	(tag) =	ssettag $0x1  }
0x1: {  	s7 =	rddreg [dreg:$0x0]  }
0x2: {  	s0 =	srdreg.scid;
	s2 =	rddreg [dreg:$0x1]  }
0x3: {  	s3 =	simm.s32 $0x0;
	s12 =	simm.s32 $0x5000;
	s6 =	sand.u32 $0x1, s0  }
0x4: {  	s13 =	simm.s32 $0x40;
	s0 =	stileid.u32;
	s5 =	smul.u32 $0x140000, s6  }
0x5: {  	s14 =	simm.s32 $0x0;
	[smem:$0x7FF] =	sst s3;
	s8 =	smul.u32 $0x14000, s0  }
0x6: {  	s1 =	sshll.u32 s6, $0x4;
	s10 =	smul.u32 $0x50000, s0;
	s6 =	ssub.s32 $0x2, s6  }
0x7: {  	s31 =	sshll.u32 s0, $0x6;
	s1 =	sor.u32 s0, s1;
	s30 =	sshrl.u32 s6, $0x1  }
0x8: {  	s4 =	smul.u32 $0xA00, s1;
	s1 =	rddreg [dreg:$0x2];
	_ =	strace $0x8000004A  }
0x9: {  	s8 =	sadd.s32 s8, s5;
	s5 =	sadd.s32 $0x2D400, s7;
	s10 =	sshrl.u32 s10, $0x2  }
0xa: {  	s11 =	ssub.s32 s6, s30;
	s6 =	sor.u32 $0x1C01, s31;
	s8 =	sshrl.u32 s8, $0x3  }
0xb: {  	s10 =	sadd.s32 s10, s2;
	s9 =	sadd.s32 s4, s7;
	s4 =	sadd.s32 $0x7FC00, s7  }
0xc: {  	s8 =	sadd.s32 s8, s7;
	s10 =	sshrl.u32 s10, $0x3;
	s7 =	sadd.s32 $0x19400, s9  }
0xd: {  	s8 =	sadd.s32 $0x80000, s8;
	s9 =	smax.u32 s11, $0x1;
	s11 =	simm.s32 $0x1  }
.LBB2_1:
0xe: {  	[spmem:s10], [sflag:s6] =	dma.local [hbm:s5], $0x2800  }
0xf: {  	_ =	swait.ge [sflag:s11], $0x2800  }
0x10: {  	[sflag:s11] =	ssyncset.done $0x0  }
0x11: {  	[sflag:s11] =	ssyncadd.s32 $0xFFFFD800  }
0x12: {  	[tilespmem:s12], [sflag:$0x1] =	stream.linear.gather [hbm4b:s4+s3], $0x2000, $0x38;
	[tilespmem:$0x1B000] =	vst v63  }
0x13: {  	_ =	swait.ge [sflag:s11], $0x2000  }
0x14: {  	[sflag:s11] =	ssyncset.done $0x0  }
0x15: {  	[sflag:s11] =	ssyncadd.s32 $0xFFFFE000  }
0x16: {  	[tilespmem:s3], [sflag:$0x1] =	stream.linear.gather [hbm4b:s7+s3], $0x5000, $0x38;
	[tilespmem:$0x1B000] =	vst v63  }
0x17: {  	_ =	swait.ge [sflag:s11], $0x5000  }
0x18: {  	[sflag:s11] =	ssyncset.done $0x0  }
0x19: {  	[sflag:s11] =	ssyncadd.s32 $0xFFFFB000  }
0x1a: {  	s15 =	simm.s32 $0x0;
	[bflag:$0x0] =	sbarrier.arrive $0xFFFF  }
0x1b: {  	[spmem:s2] =	stream.indirect.scatter.add.f32 [tilespmem:s12], [sflag:$0x1], $0x80, s15, s13, $0xb8;
	[tilespmem:$0x1B000] =	vst v63  }
0x1c: {  	_ =	swait.ge [sflag:s11], $0x2000  }
0x1d: {  	s15 =	simm.s32 $0x200;
	[sflag:s11] =	ssyncset.done $0x0  }
.LBB2_2:
0x1e: {  	s16 =	sshra.s32 s15, $0x2;
	[sflag:s11] =	ssyncadd.s32 $0xFFFFE000;
	p0 =	sne.s32 s15, $0x13E00  }
0x1f: {  	[spmem:s2] =	stream.indirect.scatter.add.f32 [tilespmem:s12], [sflag:$0x1], $0x80, s16, s13, $0xb8;
	[tilespmem:$0x1B000] =	vst v63  }
.Ltmp0:
0x20: {  	_ = 	snop;
	(pc) =	sbr.rel @p0 .LBB2_2-.Ltmp0, $4  }
0x21: {  	_ = 	snop  }
0x22: {  	s15 =	sadd.s32 $0x200, s15  }
0x23: {  	_ =	swait.ge [sflag:s11], $0x2000  }
0x24: {  	[sflag:s11] =	ssyncset.done $0x0  }
0x25: {  	s14 =	sadd.s32 $0x1, s14  }
0x26: {  	[sflag:s11] =	ssyncadd.s32 $0xFFFFE000;
	p0 =	sne.s32 s14, s9  }
.Ltmp1:
0x27: {  	[bflag:$0x0] =	sbarrier.arrive $0xFFFF;
	(pc) =	sbr.rel @p0 .LBB2_1-.Ltmp1, $4  }
0x28: {  	[hbm:s8], [sflag:s6] =	dma.local [spmem:s10], $0x2800  }
0x29: {  	_ =	swait.ge [sflag:s11], $0x2800  }
0x2a: {  	[sflag:s11] =	ssyncset.done $0x0  }
0x2b: {  	[sflag:s11] =	ssyncadd.s32 $0xFFFFD800  }
0x2c: {  	_ =	sfence.sel $0x180000  }
0x2d: {  	[bflag:$0x0] =	sbarrier.arrive $0xFFFF  }
0x2e: {  	p0 =	sne.s32 s0, $0x0;
	_ =	strace $0x9000004A  }
0x2f: {  	s0 =	sadd.s32 @!p0 $0x100000, s1;
	[bflag:$0x2] =	sbarrier.arrive $0xFFFF  }
0x30: {  	[sflag:s0] =	ssyncadd.tile.s32 @!p0 $0x1;
	_ =	shalt  }
.Lfunc_end2:
_tile_overlayer_lowered:
.L_overlay_start_2:
0x31: {  	(tag) =	ssettag $0x2  }
0x32: {  	s0 =	rddreg [dreg:$0x0];
	s2 =	stileid.u32  }
0x33: {  	s1 =	rddreg [dreg:$0x1];
	p0 =	sne.s32 s2, $0x0  }
0x34: {  	s3 =	rddreg [dreg:$0x2];
	[bflag:$0x3] =	sbarrier.arrive $0xFFFF;
	s2 =	simm.s32 @!p0 $0x1C01  }
0x35: {  	[timem:s3], [sflag:s2] =	dma.local @!p0 [hbm:s0], s1  }
0x36: {  	s0 =	simm.s32 @!p0 $0x1  }
0x37: {  	_ =	swait.ge @!p0 [sflag:s0], s1  }
0x38: {  	s1 =	ssub.s32 @!p0 $0x0, s1;
	[sflag:s0] =	ssyncset.done @!p0 $0x0  }
0x39: {  	[sflag:s0] =	ssyncadd.s32 @!p0 s1  }
0x3a: {  	[bflag:$0x3] =	sbarrier.arrive $0xFFFF  }
0x3b: {  	_ =	shalt  }

// kernel: kernel.16.cloned.1.call-start
scs
__scs_entry_jumppad:
0x0: {  	(pc) =	sbr.rel $0x88, $3  }
0x1: {  	(tag) =	ssettag $0x0;
	lr =	simm.s32 $0x1  }
0x2: {  	[smem:$0x3F8B] =	sst lr;
	_ =	strace $0xD0000000  }
0x3: {  	_ = 	snop  }
0x4: {  	_ = 	snop  }
0x5: {  	_ = 	snop  }
0x6: {  	_ = 	snop  }
0x7: {  	_ = 	snop  }
__scs_overlays_trampoline_lowered:
0x8: {  	[smem:$0x3F9A] =	sst s0  }
0x9: {  	[smem:$0x3F9B] =	sst s1  }
0xa: {  	[smem:$0x3F9C] =	sst s2  }
0xb: {  	[smem:$0x3F9D] =	sst s3  }
0xc: {  	[smem:$0x3F9E] =	sst s4  }
0xd: {  	[smem:$0x3F9F] =	sst s5  }
0xe: {  	[smem:$0x3FA0] =	sst s6  }
0xf: {  	[smem:$0x3FA1] =	sst s7  }
0x10: {  	[smem:$0x3FA2] =	sst s8  }
0x11: {  	[smem:$0x3FA3] =	sst s9;
	s0 =	simm.s32 @!p0 $0x0  }
0x12: {  	s1 =	sld [smem:$0x3F89];
	s0 =	simm.s32 @p0 $0x1  }
0x13: {  	[smem:$0x3FA4] =	sst s0;
	s0 =	simm.s32 @!p1 $0x0  }
0x14: {  	s2 =	sld [smem:$0x3F88];
	s0 =	simm.s32 @p1 $0x1  }
0x15: {  	[smem:$0x3FA5] =	sst s0;
	s0 =	simm.s32 @!p2 $0x0  }
0x16: {  	s3 =	sld [smem:$0x3FDB];
	s0 =	simm.s32 @p2 $0x1  }
0x17: {  	s4 =	simm.s32 $0x1BF5;
	[smem:$0x3FA7] =	sst s0  }
0x18: {  	s0 =	sld [smem:$0x3F8A];
	_ =	swait.ge [sflag:s4], $0x0  }
0x19: {  	s7 =	sld [smem:$0x3F8B]  }
0x1a: {  	s8 =	sadd.s32 $0xFFFFE003, lr  }
0x1b: {  	s9 =	sadd.s32 $0xFFFFFEF7, lr;
	s5 =	simm.s32 $0xFFFFFFFF;
	p2 =	slt.u32 s8, $0xFFFFF086  }
0x1c: {  	p1 =	slt.u32 s9, $0xF7A;
	s5 =	simm.s32 @!p2 $0x0  }
0x1d: {  	s5 =	simm.s32 @p1 $0x1;
	p0 =	seq.s32 s7, s2  }
0x1e: {  	s7 =	smul.u32 @!p0 $0xF7A, s2;
	p2 =	seq.s32 @!p0 s5, $0x0  }
0x1f: {  	s9 =	smul.u32 $0xF7A, s1;
	s8 =	simm.s32 @!p0 $0x1BF5;
	p2 =	por !p2, p0  }
0x20: {  	[sflag:s8] =	ssyncset.s32 @!p0 $0xFFFFF086;
	s6 =	sadd.s32 @!p0 s3, s7;
	s7 =	simm.s32 @!p0 $0x108  }
0x21: {  	s3 =	sadd.s32 s3, s9;
	s6 =	sadd.s32 @!p0 $0x88, s6;
	s7 =	simm.s32 @p2 $0x1082  }
0x22: {  	[simem:s7], [sflag:s8] =	dma.local @!p0 [hbm:s6], $0xF7A  }
0x23: {  	s9 =	sor.u32 $0xD0000000, s2;
	s6 =	simm.s32 $0x108;
	_ =	swait.ge @!p0 [sflag:s8], $0x0  }
0x24: {  	s3 =	sadd.s32 $0x88, s3;
	s6 =	simm.s32 @!p1 $0x1082;
	[sflag:s4] =	ssyncset.s32 $0xFFFFF086  }
0x25: {  	[simem:s6], [sflag:s4] =	dma.local [hbm:s3], $0xF7A  }
0x26: {  	[smem:$0x3F8B] =	sst s1;
	(tag) =	ssettag s2;
	_ =	strace s9  }
0x27: {  	s1 =	sld [smem:$0x3F9B]  }
0x28: {  	s2 =	sld [smem:$0x3F9C]  }
0x29: {  	s4 =	sld [smem:$0x3F9E]  }
0x2a: {  	p0 =	seq.s32 s5, $0x0;
	s5 =	sld [smem:$0x3F9F]  }
0x2b: {  	s6 =	sld [smem:$0x3FA0]  }
0x2c: {  	s7 =	sld [smem:$0x3FA1]  }
0x2d: {  	s3 =	simm.s32 $0x108;
	s8 =	sld [smem:$0x3FA2]  }
0x2e: {  	s3 =	simm.s32 @!p0 $0x1082;
	s9 =	sld [smem:$0x3FA3]  }
0x2f: {  	lr =	sadd.s32 s0, s3;
	s0 =	sld [smem:$0x3F9A]  }
0x30: {  	s3 =	sld [smem:$0x3F9D]  }
0x31: {  	[smem:$0x3FA6] =	sst s10  }
0x32: {  	s10 =	sld [smem:$0x3FA4];
	_ =	sdelay $0x3  }
0x33: {  	p0 =	seq.s32 s10, $0x1;
	s10 =	sld [smem:$0x3FA6];
	_ =	sdelay $0x3  }
0x34: {  	[smem:$0x3FA6] =	sst s10  }
0x35: {  	s10 =	sld [smem:$0x3FA5];
	_ =	sdelay $0x3  }
0x36: {  	p1 =	seq.s32 s10, $0x1;
	s10 =	sld [smem:$0x3FA6];
	_ =	sdelay $0x3  }
0x37: {  	[smem:$0x3FA6] =	sst s10  }
0x38: {  	s10 =	sld [smem:$0x3FA7]  }
0x39: {  	_ = 	snop;
	(pc) =	sbr.ind lr, $3  }
0x3a: {  	_ = 	snop  }
0x3b: {  	_ = 	snop  }
0x3c: {  	p2 =	seq.s32 s10, $0x1;
	s10 =	sld [smem:$0x3FA6]  }
0x3d: {  	_ =	shalt  }
0x3e: {  	_ =	shalt  }
0x3f: {  	_ =	shalt  }
0x40: {  	_ =	shalt  }
0x41: {  	_ =	shalt  }
0x42: {  	_ =	shalt  }
0x43: {  	_ =	shalt  }
0x44: {  	_ =	shalt  }
0x45: {  	_ =	shalt  }
0x46: {  	_ =	shalt  }
0x47: {  	_ =	shalt  }
0x48: {  	_ =	shalt  }
0x49: {  	_ =	shalt  }
0x4a: {  	_ =	shalt  }
0x4b: {  	_ =	shalt  }
0x4c: {  	_ =	shalt  }
0x4d: {  	_ =	shalt  }
0x4e: {  	_ =	shalt  }
0x4f: {  	_ =	shalt  }
0x50: {  	_ =	shalt  }
0x51: {  	_ =	shalt  }
0x52: {  	_ =	shalt  }
0x53: {  	_ =	shalt  }
0x54: {  	_ =	shalt  }
0x55: {  	_ =	shalt  }
0x56: {  	_ =	shalt  }
0x57: {  	_ =	shalt  }
0x58: {  	_ =	shalt  }
0x59: {  	_ =	shalt  }
0x5a: {  	_ =	shalt  }
0x5b: {  	_ =	shalt  }
0x5c: {  	_ =	shalt  }
0x5d: {  	_ =	shalt  }
0x5e: {  	_ =	shalt  }
0x5f: {  	_ =	shalt  }
0x60: {  	_ =	shalt  }
0x61: {  	_ =	shalt  }
0x62: {  	_ =	shalt  }
0x63: {  	_ =	shalt  }
0x64: {  	_ =	shalt  }
0x65: {  	_ =	shalt  }
0x66: {  	_ =	shalt  }
0x67: {  	_ =	shalt  }
0x68: {  	_ =	shalt  }
0x69: {  	_ =	shalt  }
0x6a: {  	_ =	shalt  }
0x6b: {  	_ =	shalt  }
0x6c: {  	_ =	shalt  }
0x6d: {  	_ =	shalt  }
0x6e: {  	_ =	shalt  }
0x6f: {  	_ =	shalt  }
0x70: {  	_ =	shalt  }
0x71: {  	_ =	shalt  }
0x72: {  	_ =	shalt  }
0x73: {  	_ =	shalt  }
0x74: {  	_ =	shalt  }
0x75: {  	_ =	shalt  }
0x76: {  	_ =	shalt  }
0x77: {  	_ =	shalt  }
0x78: {  	_ =	shalt  }
0x79: {  	_ =	shalt  }
0x7a: {  	_ =	shalt  }
0x7b: {  	_ =	shalt  }
0x7c: {  	_ =	shalt  }
0x7d: {  	_ =	shalt  }
0x7e: {  	_ =	shalt  }
0x7f: {  	_ =	shalt  }
0x80: {  	_ =	shalt  }
0x81: {  	_ =	shalt  }
0x82: {  	_ =	shalt  }
0x83: {  	_ =	shalt  }
0x84: {  	_ =	shalt  }
0x85: {  	_ =	shalt  }
0x86: {  	_ =	shalt  }
0x87: {  	_ =	shalt  }
.Lfunc_end0:
.L_simem_size_0:
called_computation.1_lowered:
.L_overlay_start_0:
0x88: {  	s2 =	sld [smem:$0x3FD9]  }
0x89: {  	s3 =	sld [smem:$0x3FFE];
	_ =	sdelay $0x1  }
0x8a: {  	s1 =	srdreg.scid  }
0x8b: {  	s0 =	sand.u32 $0x1, s1  }
0x8c: {  	s17 =	sshll.u32 s0, $0xA;
	s2 =	sadd.s32 s3, s2  }
0x8d: {  	s2 =	sadd.s32 s2, s17  }
0x8e: {  	[smem:$0x3FB2] =	sst s2  }
0x8f: {  	_ = 	snop  }
0x90: {  	s2 =	sld [smem:$0x3FC9];
	(tm) =	ssettm $0x1  }
0x91: {  	s18 =	sld [smem:$0x3FFB];
	_ =	sdelay $0x3  }
0x92: {  	_ =	strace s18  }
0x93: {  	s3 =	sld [smem:$0x3FFC];
	_ =	sdelay $0x3  }
0x94: {  	_ =	strace s3  }
0x95: {  	s3 =	sld [smem:$0x3FFD];
	_ =	sdelay $0x3  }
0x96: {  	_ =	strace s3  }
0x97: {  	_ =	strace $0x8FFFFFFF  }
0x98: {  	s19 =	sld [smem:$0x3FDB];
	_ =	sdelay $0x1  }
0x99: {  	s4 =	simm.s32 $_scs_section_size  }
0x9a: {  	s5 =	simm.s32 $_size__tile_overlayer_lowered;
	s6 =	simm.s32 $_tile_overlayer_lowered  }
0x9b: {  	s22 =	simm.s32 $0x1BFF;
	s21 =	sshll.u32 s6, $0x1;
	s3 =	sadd.s32 s4, s19  }
0x9c: {  	s7 =	simm.s32 $0x0;
	s20 =	sshll.u32 s5, $0x1;
	s5 =	sadd.s32 s21, s3  }
0x9d: {  	[timem:s7], [sflag:s22] =	dma.local [hbm:s5], s20  }
0x9e: {  	_ =	swait.ge [sflag:s22], s20  }
0x9f: {  	s4 =	ssub.s32 $0x0, s20;
	[sflag:s22] =	ssyncset.done $0x0  }
0xa0: {  	[sflag:s22] =	ssyncadd.s32 s4;
	_ =	sdelay $0x1  }
0xa1: {  	s23 =	simm.s32 $0x1B8B  }
0xa2: {  	_ =	swait.ge [sflag:s23], $0x1  }
0xa3: {  	[sflag:s23] =	ssyncset.done $0x0  }
0xa4: {  	s25 =	simm.s32 $0x1B8E;
	s24 =	sld [smem:$0x3FFE];
	[sflag:s23] =	ssyncadd.s32 $0xFFFFFFFF  }
0xa5: {  	s26 =	simm.s32 $execute0_lowered;
	[smem:$0x3FD2] =	sst s25  }
0xa6: {  	s5 =	sshll.u32 s26, $0x1;
	_ =	strace $0x80000046;
	[dreg:$0x1] =	wrdreg $0xFFFFFFFF  }
0xa7: {  	s28 =	simm.s32 $_size_execute0_lowered;
	s3 =	sadd.s32 s3, s5;
	[dreg:$0x0] =	wrdreg $0x0  }
0xa8: {  	s5 =	sshll.u32 s28, $0x1;
	[dreg:$0x2] =	wrdreg s3  }
0xa9: {  	[dreg:$0x3] =	wrdreg s5  }
0xaa: {  	[dreg:$0x4] =	wrdreg $0xC0  }
0xab: {  	_ =	task [dreg:s7], $0x5FFFF  }
0xac: {  	[dreg:$0x1] =	wrdreg $0xFFFFFFFF  }
0xad: {  	[dreg:$0x0] =	wrdreg $0x60  }
0xae: {  	[dreg:$0x2] =	wrdreg s2  }
0xaf: {  	[dreg:$0x3] =	wrdreg s24  }
0xb0: {  	[dreg:$0x4] =	wrdreg $0xA8000  }
0xb1: {  	[dreg:$0x5] =	wrdreg $0xA  }
0xb2: {  	_ =	task.clear_ibuf [dreg:s7], $0x6FFFF;
	_ =	strace $0x90000046  }
0xb3: {  	s29 =	simm.s32 $0xA;
	_ =	strace $0x80000048  }
0xb4: {  	_ =	swait.ge [sflag:s29], $0x1  }
0xb5: {  	[sflag:s29] =	ssyncadd.s32 $0xFFFFFFFF  }
0xb6: {  	_ =	strace $0x90000048  }
0xb7: {  	_ =	sfence  }
0xb8: {  	s30 =	sld [smem:$0x0];
	_ =	sdelay $0x2  }
0xb9: {  	s31 =	sshll.u32 s1, $0xD;
	s1 =	sshrl.u32 s1, $0x2  }
0xba: {  	s3 =	sand.u32 $0x4000, s31;
	s1 =	sadd.s32 s1, s30  }
0xbb: {  	s0 =	sor.u32 s3, s0;
	s1 =	sshll.u32 s1, $0x11  }
0xbc: {  	s0 =	sor.u32 s1, s0  }
0xbd: {  	s0 =	sadd.s32 $0x8F2B, s0  }
0xbe: {  	[sflag:s0] =	ssyncadd.remote.s32 $0x1  }
0xbf: {  	_ =	sfence.sel $0xFFFF  }
0xc0: {  	[dreg:$0x0] =	wrdreg $0xFFFFFFFF;
	(pc) =	sbr.abs _section_cstart, $3  }
0xc1: {  	[dreg:$0x1] =	wrdreg $0xFFFFFFFF  }
0xc2: {  	_ =	task.clear_ibuf [dreg:s7], $0x2FFFF;
	_ =	strace $0x9FFFFFFF  }
0xc3: {  	(tm) =	ssettm $0x7FFFFFFF  }
tec
execute0_lowered:
.L_overlay_start_1:
0x0: {  	(tag) =	ssettag $0x1  }
0x1: {  	s1 =	rddreg [dreg:$0x0]  }
0x2: {  	s0 =	rddreg [dreg:$0x1]  }
0x3: {  	s2 =	rddreg [dreg:$0x2]  }
0x4: {  	s3 =	srdreg.scid;
	s4 =	simm.s32 $0x0;
	s11 =	stileid.u32  }
0x5: {  	s13 =	simm.s32 $0x5;
	s14 =	simm.s32 $0x1400;
	s15 =	simm.s32 $0x40  }
0x6: {  	s16 =	simm.s32 $0x2800;
	s17 =	simm.s32 $0x80;
	s18 =	simm.s32 $0x4800  }
0x7: {  	s19 =	simm.s32 $0x100;
	s20 =	simm.s32 $0x6800;
	s21 =	simm.s32 $0x180  }
0x8: {  	s28 =	simm.s32 $0x2600;
	s29 =	simm.s32 $0x2680;
	s30 =	simm.s32 $0x2700  }
0x9: {  	s31 =	simm.s32 $0x2780;
	s3 =	sand.u32 $0x1, s3;
	[smem:$0x7FF] =	sst s4  }
0xa: {  	s8 =	smul.u32 $0x14000, s11;
	s5 =	sadd.s32 $0x5400, s0;
	s6 =	sadd.s32 $0x19400, s0  }
0xb: {  	s9 =	sadd.s32 $0x2D400, s0;
	s10 =	smul.u32 $0x50000, s11;
	s26 =	sshll.u32 s11, $0x6  }
0xc: {  	s7 =	smul.u32 $0x140000, s3;
	_ =	strace $0x80000047;
	s22 =	ssub.s32 $0x2, s3  }
0xd: {  	[dreg:$0x4] =	wrdreg s9;
	s3 =	sshll.u32 s3, $0x4;
	s23 =	sshrl.u32 s22, $0x1  }
0xe: {  	s3 =	sor.u32 s11, s3;
	s25 =	sshrl.u32 s10, $0x2;
	s7 =	sadd.s32 s8, s7  }
0xf: {  	s24 =	ssub.s32 s22, s23;
	s12 =	sadd.s32 s25, s2;
	s8 =	sor.u32 $0x1C05, s26  }
0x10: {  	s9 =	smul.u32 $0x5000, s3;
	s22 =	simm.s32 $0x8800;
	s7 =	sshrl.u32 s7, $0x3  }
0x11: {  	s23 =	simm.s32 $0x1;
	s25 =	simm.s32 $0x3;
	s0 =	sadd.s32 s7, s0  }
0x12: {  	s26 =	simm.s32 $0x4;
	s11 =	smax.u32 s24, $0x1;
	s0 =	sadd.s32 $0x2FC00, s0  }
0x13: {  	s12 =	sshrl.u32 s12, $0x3;
	s24 =	simm.s32 $0x2;
	[dreg:$0x5] =	wrdreg s0  }
.LBB2_1:
0x14: {  	s0 =	rddreg [dreg:$0x4]  }
0x15: {  	[spmem:s12], [sflag:s8] =	dma.local [hbm:s0], $0x2800  }
0x16: {  	_ =	swait.ge [sflag:s13], $0x2800  }
0x17: {  	[sflag:s13] =	ssyncset.done $0x0  }
0x18: {  	[sflag:s13] =	ssyncadd.s32 $0xFFFFD800  }
0x19: {  	s0 =	simm.s32 $0x0;
	[bflag:$0x0] =	sbarrier.arrive $0xFFFF  }
.LBB2_2:
0x1a: {  	s3 =	smul.u32 $0x1400, s0;
	_ =	sdelay $0x1  }
0x1b: {  	s3 =	sadd.s32 s9, s3  }
0x1c: {  	s3 =	sshrl.u32 s3, $0x3  }
0x1d: {  	s10 =	simm.s32 $0x0;
	s7 =	sadd.s32 s5, s3  }
0x1e: {  	[tilespmem:s10], [sflag:$0x5] =	stream.linear.gather [hbm4b:s7+s10], $0x1400, $0x38;
	[tilespmem:$0x1E800] =	vst v63  }
0x1f: {  	_ =	swait.ge [sflag:s13], $0x1400  }
0x20: {  	[sflag:s13] =	ssyncset.done $0x0  }
0x21: {  	s3 =	sadd.s32 s6, s3;
	[sflag:s13] =	ssyncadd.s32 $0xFFFFEC00  }
0x22: {  	[tilespmem:s14], [sflag:$0x5] =	stream.linear.gather [hbm4b:s3+s10], $0x1400, $0x38;
	[tilespmem:$0x1E800] =	vst v63  }
0x23: {  	_ =	swait.ge [sflag:s13], $0x1400  }
0x24: {  	[sflag:s13] =	ssyncset.done $0x0  }
0x25: {  	[sflag:s13] =	ssyncadd.s32 $0xFFFFEC00  }
0x26: {  	[tilespmem:s16], [sflag:$0x1] =	stream.indirect.gather [hbm4b:s1+s15], $0x80, s10, s15, $0xb8;
	[tilespmem:$0x1E800] =	vst v63  }
0x27: {  	_ = 	snop  }
0x28: {  	[tilespmem:s18], [sflag:$0x2] =	stream.indirect.gather [hbm4b:s1+s15], $0x80, s17, s15, $0xb8;
	[tilespmem:$0x1E800] =	vst v63  }
0x29: {  	_ = 	snop  }
0x2a: {  	[tilespmem:s20], [sflag:$0x3] =	stream.indirect.gather [hbm4b:s1+s15], $0x80, s19, s15, $0xb8;
	[tilespmem:$0x1E800] =	vst v63  }
0x2b: {  	_ = 	snop  }
0x2c: {  	[tilespmem:s22], [sflag:$0x4] =	stream.indirect.gather [hbm4b:s1+s15], $0x80, s21, s15, $0xb8;
	[tilespmem:$0x1E800] =	vst v63  }
0x2d: {  	_ =	swait.ge [sflag:s23], $0x2000  }
0x2e: {  	[sflag:s23] =	ssyncset.done $0x0  }
0x2f: {  	s10 =	simm.s32 $0x1400;
	[sflag:s23] =	ssyncadd.s32 $0xFFFFE000  }
0x30: {  	[spmem:s2] =	stream.indirect.scatter.add.f32 [tilespmem:s16], [sflag:$0x5], $0x80, s10, s15, $0xb8;
	[tilespmem:$0x1E800] =	vst v63  }
0x31: {  	_ =	swait.ge [sflag:s13], $0x2000  }
0x32: {  	[sflag:s13] =	ssyncset.done $0x0  }
0x33: {  	s7 =	simm.s32 $0x200;
	[sflag:s13] =	ssyncadd.s32 $0xFFFFE000  }
0x34: {  	[tilespmem:s16], [sflag:$0x1] =	stream.indirect.gather [hbm4b:s1+s15], $0x80, s7, s15, $0xb8;
	[tilespmem:$0x1E800] =	vst v63  }
0x35: {  	_ =	swait.ge [sflag:s24], $0x2000  }
0x36: {  	[sflag:s24] =	ssyncset.done $0x0  }
0x37: {  	s10 =	simm.s32 $0x1480;
	[sflag:s24] =	ssyncadd.s32 $0xFFFFE000  }
0x38: {  	[spmem:s2] =	stream.indirect.scatter.add.f32 [tilespmem:s18], [sflag:$0x5], $0x80, s10, s15, $0xb8;
	[tilespmem:$0x1E800] =	vst v63  }
0x39: {  	_ =	swait.ge [sflag:s13], $0x2000  }
0x3a: {  	[sflag:s13] =	ssyncset.done $0x0  }
0x3b: {  	s7 =	simm.s32 $0x280;
	[sflag:s13] =	ssyncadd.s32 $0xFFFFE000  }
0x3c: {  	[tilespmem:s18], [sflag:$0x2] =	stream.indirect.gather [hbm4b:s1+s15], $0x80, s7, s15, $0xb8;
	[tilespmem:$0x1E800] =	vst v63  }
0x3d: {  	_ =	swait.ge [sflag:s25], $0x2000  }
0x3e: {  	[sflag:s25] =	ssyncset.done $0x0  }
0x3f: {  	s10 =	simm.s32 $0x1500;
	[sflag:s25] =	ssyncadd.s32 $0xFFFFE000  }
0x40: {  	[spmem:s2] =	stream.indirect.scatter.add.f32 [tilespmem:s20], [sflag:$0x5], $0x80, s10, s15, $0xb8;
	[tilespmem:$0x1E800] =	vst v63  }
0x41: {  	_ =	swait.ge [sflag:s13], $0x2000  }
0x42: {  	[sflag:s13] =	ssyncset.done $0x0  }
0x43: {  	s7 =	simm.s32 $0x300;
	[sflag:s13] =	ssyncadd.s32 $0xFFFFE000  }
0x44: {  	[tilespmem:s20], [sflag:$0x3] =	stream.indirect.gather [hbm4b:s1+s15], $0x80, s7, s15, $0xb8;
	[tilespmem:$0x1E800] =	vst v63  }
0x45: {  	_ =	swait.ge [sflag:s26], $0x2000  }
0x46: {  	[sflag:s26] =	ssyncset.done $0x0  }
0x47: {  	s10 =	simm.s32 $0x1580;
	[sflag:s26] =	ssyncadd.s32 $0xFFFFE000  }
0x48: {  	[spmem:s2] =	stream.indirect.scatter.add.f32 [tilespmem:s22], [sflag:$0x5], $0x80, s10, s15, $0xb8;
	[tilespmem:$0x1E800] =	vst v63  }
0x49: {  	_ =	swait.ge [sflag:s13], $0x2000  }
0x4a: {  	[sflag:s13] =	ssyncset.done $0x0  }
0x4b: {  	s3 =	simm.s32 $0x800;
	s7 =	simm.s32 $0x380;
	[sflag:s13] =	ssyncadd.s32 $0xFFFFE000  }
.LBB2_3:
0x4c: {  	[tilespmem:s22], [sflag:$0x4] =	stream.indirect.gather [hbm4b:s1+s15], $0x80, s7, s15, $0xb8;
	[tilespmem:$0x1E800] =	vst v63  }
0x4d: {  	s7 =	smov.u32 s3  }
0x4e: {  	p0 =	sne.s32 s3, $0x4000;
	s3 =	sadd.s32 $0x800, s3;
	_ =	swait.ge [sflag:s23], $0x2000  }
0x4f: {  	s7 =	sshra.s32 s7, $0x2;
	[sflag:s23] =	ssyncset.done $0x0  }
0x50: {  	s10 =	sadd.s32 $0x1400, s7;
	[sflag:s23] =	ssyncadd.s32 $0xFFFFE000  }
0x51: {  	[spmem:s2] =	stream.indirect.scatter.add.f32 [tilespmem:s16], [sflag:$0x5], $0x80, s10, s15, $0xb8;
	[tilespmem:$0x1E800] =	vst v63  }
0x52: {  	_ =	swait.ge [sflag:s13], $0x2000  }
0x53: {  	[sflag:s13] =	ssyncset.done $0x0  }
0x54: {  	s10 =	sadd.s32 $0x200, s7;
	[sflag:s13] =	ssyncadd.s32 $0xFFFFE000  }
0x55: {  	[tilespmem:s16], [sflag:$0x1] =	stream.indirect.gather [hbm4b:s1+s15], $0x80, s10, s15, $0xb8;
	[tilespmem:$0x1E800] =	vst v63  }
0x56: {  	_ =	swait.ge [sflag:s24], $0x2000  }
0x57: {  	[sflag:s24] =	ssyncset.done $0x0  }
0x58: {  	s10 =	sadd.s32 $0x1480, s7;
	[sflag:s24] =	ssyncadd.s32 $0xFFFFE000  }
0x59: {  	[spmem:s2] =	stream.indirect.scatter.add.f32 [tilespmem:s18], [sflag:$0x5], $0x80, s10, s15, $0xb8;
	[tilespmem:$0x1E800] =	vst v63  }
0x5a: {  	_ =	swait.ge [sflag:s13], $0x2000  }
0x5b: {  	[sflag:s13] =	ssyncset.done $0x0  }
0x5c: {  	s10 =	sadd.s32 $0x280, s7;
	[sflag:s13] =	ssyncadd.s32 $0xFFFFE000  }
0x5d: {  	[tilespmem:s18], [sflag:$0x2] =	stream.indirect.gather [hbm4b:s1+s15], $0x80, s10, s15, $0xb8;
	[tilespmem:$0x1E800] =	vst v63  }
0x5e: {  	_ =	swait.ge [sflag:s25], $0x2000  }
0x5f: {  	[sflag:s25] =	ssyncset.done $0x0  }
0x60: {  	s10 =	sadd.s32 $0x1500, s7;
	[sflag:s25] =	ssyncadd.s32 $0xFFFFE000  }
0x61: {  	[spmem:s2] =	stream.indirect.scatter.add.f32 [tilespmem:s20], [sflag:$0x5], $0x80, s10, s15, $0xb8;
	[tilespmem:$0x1E800] =	vst v63  }
0x62: {  	_ =	swait.ge [sflag:s13], $0x2000  }
0x63: {  	[sflag:s13] =	ssyncset.done $0x0  }
0x64: {  	s10 =	sadd.s32 $0x300, s7;
	[sflag:s13] =	ssyncadd.s32 $0xFFFFE000  }
0x65: {  	[tilespmem:s20], [sflag:$0x3] =	stream.indirect.gather [hbm4b:s1+s15], $0x80, s10, s15, $0xb8;
	[tilespmem:$0x1E800] =	vst v63  }
0x66: {  	_ =	swait.ge [sflag:s26], $0x2000  }
0x67: {  	[sflag:s26] =	ssyncset.done $0x0  }
.Ltmp0:
0x68: {  	s10 =	sadd.s32 $0x1580, s7;
	[sflag:s26] =	ssyncadd.s32 $0xFFFFE000;
	(pc) =	sbr.rel @p0 .LBB2_3-.Ltmp0, $4  }
0x69: {  	[spmem:s2] =	stream.indirect.scatter.add.f32 [tilespmem:s22], [sflag:$0x5], $0x80, s10, s15, $0xb8;
	[tilespmem:$0x1E800] =	vst v63  }
0x6a: {  	_ =	swait.ge [sflag:s13], $0x2000  }
0x6b: {  	[sflag:s13] =	ssyncset.done $0x0  }
0x6c: {  	s7 =	sadd.s32 $0x380, s7;
	[sflag:s13] =	ssyncadd.s32 $0xFFFFE000  }
0x6d: {  	[tilespmem:s22], [sflag:$0x4] =	stream.indirect.gather [hbm4b:s1+s15], $0x80, s7, s15, $0xb8;
	[tilespmem:$0x1E800] =	vst v63  }
0x6e: {  	_ =	swait.ge [sflag:s23], $0x2000  }
0x6f: {  	[sflag:s23] =	ssyncset.done $0x0  }
0x70: {  	[sflag:s23] =	ssyncadd.s32 $0xFFFFE000  }
0x71: {  	[spmem:s2] =	stream.indirect.scatter.add.f32 [tilespmem:s16], [sflag:$0x5], $0x80, s28, s15, $0xb8;
	[tilespmem:$0x1E800] =	vst v63  }
0x72: {  	_ =	swait.ge [sflag:s13], $0x2000  }
0x73: {  	[sflag:s13] =	ssyncset.done $0x0  }
0x74: {  	[sflag:s13] =	ssyncadd.s32 $0xFFFFE000  }
0x75: {  	_ =	swait.ge [sflag:s24], $0x2000  }
0x76: {  	[sflag:s24] =	ssyncset.done $0x0  }
0x77: {  	[sflag:s24] =	ssyncadd.s32 $0xFFFFE000  }
0x78: {  	[spmem:s2] =	stream.indirect.scatter.add.f32 [tilespmem:s18], [sflag:$0x5], $0x80, s29, s15, $0xb8;
	[tilespmem:$0x1E800] =	vst v63  }
0x79: {  	_ =	swait.ge [sflag:s13], $0x2000  }
0x7a: {  	[sflag:s13] =	ssyncset.done $0x0  }
0x7b: {  	[sflag:s13] =	ssyncadd.s32 $0xFFFFE000  }
0x7c: {  	_ =	swait.ge [sflag:s25], $0x2000  }
0x7d: {  	[sflag:s25] =	ssyncset.done $0x0  }
0x7e: {  	[sflag:s25] =	ssyncadd.s32 $0xFFFFE000  }
0x7f: {  	[spmem:s2] =	stream.indirect.scatter.add.f32 [tilespmem:s20], [sflag:$0x5], $0x80, s30, s15, $0xb8;
	[tilespmem:$0x1E800] =	vst v63  }
0x80: {  	_ =	swait.ge [sflag:s13], $0x2000  }
0x81: {  	[sflag:s13] =	ssyncset.done $0x0  }
0x82: {  	[sflag:s13] =	ssyncadd.s32 $0xFFFFE000  }
0x83: {  	s0 =	sadd.s32 $0x1, s0;
	_ =	swait.ge [sflag:s26], $0x2000  }
0x84: {  	p0 =	sne.s32 s0, $0x4;
	[sflag:s26] =	ssyncset.done $0x0  }
.Ltmp1:
0x85: {  	[sflag:s26] =	ssyncadd.s32 $0xFFFFE000;
	(pc) =	sbr.rel @p0 .LBB2_2-.Ltmp1, $4  }
0x86: {  	[spmem:s2] =	stream.indirect.scatter.add.f32 [tilespmem:s22], [sflag:$0x5], $0x80, s31, s15, $0xb8;
	[tilespmem:$0x1E800] =	vst v63  }
0x87: {  	_ =	swait.ge [sflag:s13], $0x2000  }
0x88: {  	[sflag:s13] =	ssyncset.done $0x0  }
0x89: {  	[sflag:s13] =	ssyncadd.s32 $0xFFFFE000  }
0x8a: {  	s4 =	sadd.s32 $0x1, s4  }
0x8b: {  	[bflag:$0x0] =	sbarrier.arrive $0xFFFF;
	p0 =	sne.s32 s4, s11  }
.Ltmp2:
0x8c: {  	s0 =	rddreg [dreg:$0x5];
	(pc) =	sbr.rel @p0 .LBB2_1-.Ltmp2, $4  }
0x8d: {  	[hbm:s0], [sflag:s8] =	dma.local [spmem:s12], $0x2800  }
0x8e: {  	_ =	swait.ge [sflag:s13], $0x2800  }
0x8f: {  	[sflag:s13] =	ssyncset.done $0x0  }
0x90: {  	[sflag:s13] =	ssyncadd.s32 $0xFFFFD800  }
0x91: {  	_ =	sfence.sel $0x180000  }
0x92: {  	[bflag:$0x0] =	sbarrier.arrive $0xFFFF  }
0x93: {  	_ =	strace $0x90000047  }
0x94: {  	s0 =	stileid.u32;
	[bflag:$0x2] =	sbarrier.arrive $0xFFFF  }
0x95: {  	p0 =	sne.s32 s0, $0x0;
	s0 =	rddreg [dreg:$0x3]  }
0x96: {  	s0 =	sadd.s32 @!p0 $0x100000, s0  }
0x97: {  	[sflag:s0] =	ssyncadd.tile.s32 @!p0 $0x1;
	_ =	shalt  }
.Lfunc_end2:
_tile_overlayer_lowered:
.L_overlay_start_2:
0x98: {  	(tag) =	ssettag $0x2  }
0x99: {  	s0 =	rddreg [dreg:$0x0];
	s2 =	stileid.u32  }
0x9a: {  	s1 =	rddreg [dreg:$0x1];
	p0 =	sne.s32 s2, $0x0  }
0x9b: {  	s3 =	rddreg [dreg:$0x2];
	[bflag:$0x3] =	sbarrier.arrive $0xFFFF;
	s2 =	simm.s32 @!p0 $0x1C05  }
0x9c: {  	[timem:s3], [sflag:s2] =	dma.local @!p0 [hbm:s0], s1  }
0x9d: {  	s0 =	simm.s32 @!p0 $0x5  }
0x9e: {  	_ =	swait.ge @!p0 [sflag:s0], s1  }
0x9f: {  	s1 =	ssub.s32 @!p0 $0x0, s1;
	[sflag:s0] =	ssyncset.done @!p0 $0x0  }
0xa0: {  	[sflag:s0] =	ssyncadd.s32 @!p0 s1  }
0xa1: {  	[bflag:$0x3] =	sbarrier.arrive $0xFFFF  }
0xa2: {  	_ =	shalt  }

// kernel: kernel.19.cloned.1.call-start
scs
__scs_entry_jumppad:
0x0: {  	(pc) =	sbr.rel $0x88, $3  }
0x1: {  	(tag) =	ssettag $0x0;
	lr =	simm.s32 $0x1  }
0x2: {  	[smem:$0x3F8B] =	sst lr;
	_ =	strace $0xD0000000  }
0x3: {  	_ = 	snop  }
0x4: {  	_ = 	snop  }
0x5: {  	_ = 	snop  }
0x6: {  	_ = 	snop  }
0x7: {  	_ = 	snop  }
__scs_overlays_trampoline_lowered:
0x8: {  	[smem:$0x3F9A] =	sst s0  }
0x9: {  	[smem:$0x3F9B] =	sst s1  }
0xa: {  	[smem:$0x3F9C] =	sst s2  }
0xb: {  	[smem:$0x3F9D] =	sst s3  }
0xc: {  	[smem:$0x3F9E] =	sst s4  }
0xd: {  	[smem:$0x3F9F] =	sst s5  }
0xe: {  	[smem:$0x3FA0] =	sst s6  }
0xf: {  	[smem:$0x3FA1] =	sst s7  }
0x10: {  	[smem:$0x3FA2] =	sst s8  }
0x11: {  	[smem:$0x3FA3] =	sst s9;
	s0 =	simm.s32 @!p0 $0x0  }
0x12: {  	s1 =	sld [smem:$0x3F89];
	s0 =	simm.s32 @p0 $0x1  }
0x13: {  	[smem:$0x3FA4] =	sst s0;
	s0 =	simm.s32 @!p1 $0x0  }
0x14: {  	s2 =	sld [smem:$0x3F88];
	s0 =	simm.s32 @p1 $0x1  }
0x15: {  	[smem:$0x3FA5] =	sst s0;
	s0 =	simm.s32 @!p2 $0x0  }
0x16: {  	s3 =	sld [smem:$0x3FDB];
	s0 =	simm.s32 @p2 $0x1  }
0x17: {  	s4 =	simm.s32 $0x1BF5;
	[smem:$0x3FA7] =	sst s0  }
0x18: {  	s0 =	sld [smem:$0x3F8A];
	_ =	swait.ge [sflag:s4], $0x0  }
0x19: {  	s7 =	sld [smem:$0x3F8B]  }
0x1a: {  	s8 =	sadd.s32 $0xFFFFE003, lr  }
0x1b: {  	s9 =	sadd.s32 $0xFFFFFEF7, lr;
	s5 =	simm.s32 $0xFFFFFFFF;
	p2 =	slt.u32 s8, $0xFFFFF086  }
0x1c: {  	p1 =	slt.u32 s9, $0xF7A;
	s5 =	simm.s32 @!p2 $0x0  }
0x1d: {  	s5 =	simm.s32 @p1 $0x1;
	p0 =	seq.s32 s7, s2  }
0x1e: {  	s7 =	smul.u32 @!p0 $0xF7A, s2;
	p2 =	seq.s32 @!p0 s5, $0x0  }
0x1f: {  	s9 =	smul.u32 $0xF7A, s1;
	s8 =	simm.s32 @!p0 $0x1BF5;
	p2 =	por !p2, p0  }
0x20: {  	[sflag:s8] =	ssyncset.s32 @!p0 $0xFFFFF086;
	s6 =	sadd.s32 @!p0 s3, s7;
	s7 =	simm.s32 @!p0 $0x108  }
0x21: {  	s3 =	sadd.s32 s3, s9;
	s6 =	sadd.s32 @!p0 $0x88, s6;
	s7 =	simm.s32 @p2 $0x1082  }
0x22: {  	[simem:s7], [sflag:s8] =	dma.local @!p0 [hbm:s6], $0xF7A  }
0x23: {  	s9 =	sor.u32 $0xD0000000, s2;
	s6 =	simm.s32 $0x108;
	_ =	swait.ge @!p0 [sflag:s8], $0x0  }
0x24: {  	s3 =	sadd.s32 $0x88, s3;
	s6 =	simm.s32 @!p1 $0x1082;
	[sflag:s4] =	ssyncset.s32 $0xFFFFF086  }
0x25: {  	[simem:s6], [sflag:s4] =	dma.local [hbm:s3], $0xF7A  }
0x26: {  	[smem:$0x3F8B] =	sst s1;
	(tag) =	ssettag s2;
	_ =	strace s9  }
0x27: {  	s1 =	sld [smem:$0x3F9B]  }
0x28: {  	s2 =	sld [smem:$0x3F9C]  }
0x29: {  	s4 =	sld [smem:$0x3F9E]  }
0x2a: {  	p0 =	seq.s32 s5, $0x0;
	s5 =	sld [smem:$0x3F9F]  }
0x2b: {  	s6 =	sld [smem:$0x3FA0]  }
0x2c: {  	s7 =	sld [smem:$0x3FA1]  }
0x2d: {  	s3 =	simm.s32 $0x108;
	s8 =	sld [smem:$0x3FA2]  }
0x2e: {  	s3 =	simm.s32 @!p0 $0x1082;
	s9 =	sld [smem:$0x3FA3]  }
0x2f: {  	lr =	sadd.s32 s0, s3;
	s0 =	sld [smem:$0x3F9A]  }
0x30: {  	s3 =	sld [smem:$0x3F9D]  }
0x31: {  	[smem:$0x3FA6] =	sst s10  }
0x32: {  	s10 =	sld [smem:$0x3FA4];
	_ =	sdelay $0x3  }
0x33: {  	p0 =	seq.s32 s10, $0x1;
	s10 =	sld [smem:$0x3FA6];
	_ =	sdelay $0x3  }
0x34: {  	[smem:$0x3FA6] =	sst s10  }
0x35: {  	s10 =	sld [smem:$0x3FA5];
	_ =	sdelay $0x3  }
0x36: {  	p1 =	seq.s32 s10, $0x1;
	s10 =	sld [smem:$0x3FA6];
	_ =	sdelay $0x3  }
0x37: {  	[smem:$0x3FA6] =	sst s10  }
0x38: {  	s10 =	sld [smem:$0x3FA7]  }
0x39: {  	_ = 	snop;
	(pc) =	sbr.ind lr, $3  }
0x3a: {  	_ = 	snop  }
0x3b: {  	_ = 	snop  }
0x3c: {  	p2 =	seq.s32 s10, $0x1;
	s10 =	sld [smem:$0x3FA6]  }
0x3d: {  	_ =	shalt  }
0x3e: {  	_ =	shalt  }
0x3f: {  	_ =	shalt  }
0x40: {  	_ =	shalt  }
0x41: {  	_ =	shalt  }
0x42: {  	_ =	shalt  }
0x43: {  	_ =	shalt  }
0x44: {  	_ =	shalt  }
0x45: {  	_ =	shalt  }
0x46: {  	_ =	shalt  }
0x47: {  	_ =	shalt  }
0x48: {  	_ =	shalt  }
0x49: {  	_ =	shalt  }
0x4a: {  	_ =	shalt  }
0x4b: {  	_ =	shalt  }
0x4c: {  	_ =	shalt  }
0x4d: {  	_ =	shalt  }
0x4e: {  	_ =	shalt  }
0x4f: {  	_ =	shalt  }
0x50: {  	_ =	shalt  }
0x51: {  	_ =	shalt  }
0x52: {  	_ =	shalt  }
0x53: {  	_ =	shalt  }
0x54: {  	_ =	shalt  }
0x55: {  	_ =	shalt  }
0x56: {  	_ =	shalt  }
0x57: {  	_ =	shalt  }
0x58: {  	_ =	shalt  }
0x59: {  	_ =	shalt  }
0x5a: {  	_ =	shalt  }
0x5b: {  	_ =	shalt  }
0x5c: {  	_ =	shalt  }
0x5d: {  	_ =	shalt  }
0x5e: {  	_ =	shalt  }
0x5f: {  	_ =	shalt  }
0x60: {  	_ =	shalt  }
0x61: {  	_ =	shalt  }
0x62: {  	_ =	shalt  }
0x63: {  	_ =	shalt  }
0x64: {  	_ =	shalt  }
0x65: {  	_ =	shalt  }
0x66: {  	_ =	shalt  }
0x67: {  	_ =	shalt  }
0x68: {  	_ =	shalt  }
0x69: {  	_ =	shalt  }
0x6a: {  	_ =	shalt  }
0x6b: {  	_ =	shalt  }
0x6c: {  	_ =	shalt  }
0x6d: {  	_ =	shalt  }
0x6e: {  	_ =	shalt  }
0x6f: {  	_ =	shalt  }
0x70: {  	_ =	shalt  }
0x71: {  	_ =	shalt  }
0x72: {  	_ =	shalt  }
0x73: {  	_ =	shalt  }
0x74: {  	_ =	shalt  }
0x75: {  	_ =	shalt  }
0x76: {  	_ =	shalt  }
0x77: {  	_ =	shalt  }
0x78: {  	_ =	shalt  }
0x79: {  	_ =	shalt  }
0x7a: {  	_ =	shalt  }
0x7b: {  	_ =	shalt  }
0x7c: {  	_ =	shalt  }
0x7d: {  	_ =	shalt  }
0x7e: {  	_ =	shalt  }
0x7f: {  	_ =	shalt  }
0x80: {  	_ =	shalt  }
0x81: {  	_ =	shalt  }
0x82: {  	_ =	shalt  }
0x83: {  	_ =	shalt  }
0x84: {  	_ =	shalt  }
0x85: {  	_ =	shalt  }
0x86: {  	_ =	shalt  }
0x87: {  	_ =	shalt  }
.Lfunc_end0:
.L_simem_size_0:
called_computation.2_lowered:
.L_overlay_start_0:
0x88: {  	s2 =	sld [smem:$0x3FD9]  }
0x89: {  	s3 =	sld [smem:$0x3FFE];
	_ =	sdelay $0x1  }
0x8a: {  	s1 =	srdreg.scid  }
0x8b: {  	s0 =	sand.u32 $0x1, s1  }
0x8c: {  	s16 =	sshll.u32 s0, $0xA;
	s2 =	sadd.s32 s3, s2  }
0x8d: {  	s2 =	sadd.s32 s2, s16  }
0x8e: {  	[smem:$0x3FB2] =	sst s2  }
0x8f: {  	_ = 	snop  }
0x90: {  	(tm) =	ssettm $0x1  }
0x91: {  	s17 =	sld [smem:$0x3FFB];
	_ =	sdelay $0x3  }
0x92: {  	_ =	strace s17  }
0x93: {  	s2 =	sld [smem:$0x3FFC];
	_ =	sdelay $0x3  }
0x94: {  	_ =	strace s2  }
0x95: {  	s2 =	sld [smem:$0x3FFD];
	_ =	sdelay $0x3  }
0x96: {  	_ =	strace s2  }
0x97: {  	_ =	strace $0x8FFFFFFF  }
0x98: {  	s18 =	sld [smem:$0x3FDB];
	_ =	sdelay $0x1  }
0x99: {  	s19 =	simm.s32 $_scs_section_size  }
0x9a: {  	s4 =	simm.s32 $_size__tile_overlayer_lowered;
	s5 =	simm.s32 $_tile_overlayer_lowered  }
0x9b: {  	s22 =	simm.s32 $0x1BFF;
	s21 =	sshll.u32 s5, $0x1;
	s2 =	sadd.s32 s19, s18  }
0x9c: {  	s6 =	simm.s32 $0x0;
	s20 =	sshll.u32 s4, $0x1;
	s4 =	sadd.s32 s21, s2  }
0x9d: {  	[timem:s6], [sflag:s22] =	dma.local [hbm:s4], s20  }
0x9e: {  	_ =	swait.ge [sflag:s22], s20  }
0x9f: {  	s3 =	ssub.s32 $0x0, s20;
	[sflag:s22] =	ssyncset.done $0x0  }
0xa0: {  	[sflag:s22] =	ssyncadd.s32 s3;
	_ =	sdelay $0x1  }
0xa1: {  	s23 =	simm.s32 $0x1B8B  }
0xa2: {  	_ =	swait.ge [sflag:s23], $0x1  }
0xa3: {  	[sflag:s23] =	ssyncset.done $0x0  }
0xa4: {  	s25 =	simm.s32 $0x1B8E;
	s24 =	sld [smem:$0x3FFE];
	[sflag:s23] =	ssyncadd.s32 $0xFFFFFFFF  }
0xa5: {  	s26 =	simm.s32 $execute0_lowered;
	[smem:$0x3FD2] =	sst s25  }
0xa6: {  	s4 =	sshll.u32 s26, $0x1;
	_ =	strace $0x8000004C;
	[dreg:$0x1] =	wrdreg $0xFFFFFFFF  }
0xa7: {  	s28 =	simm.s32 $_size_execute0_lowered;
	s2 =	sadd.s32 s2, s4;
	[dreg:$0x0] =	wrdreg $0x0  }
0xa8: {  	s4 =	sshll.u32 s28, $0x1;
	[dreg:$0x2] =	wrdreg s2  }
0xa9: {  	[dreg:$0x3] =	wrdreg s4  }
0xaa: {  	[dreg:$0x4] =	wrdreg $0xC0  }
0xab: {  	_ =	task [dreg:s6], $0x5FFFF  }
0xac: {  	[dreg:$0x1] =	wrdreg $0xFFFFFFFF  }
0xad: {  	[dreg:$0x0] =	wrdreg $0x60  }
0xae: {  	[dreg:$0x2] =	wrdreg s24  }
0xaf: {  	[dreg:$0x3] =	wrdreg $0xA8000  }
0xb0: {  	[dreg:$0x4] =	wrdreg $0x9  }
0xb1: {  	_ =	task.clear_ibuf [dreg:s6], $0x5FFFF;
	_ =	strace $0x9000004C  }
0xb2: {  	s29 =	simm.s32 $0x9;
	_ =	strace $0x8000004E  }
0xb3: {  	_ =	swait.ge [sflag:s29], $0x1  }
0xb4: {  	[sflag:s29] =	ssyncadd.s32 $0xFFFFFFFF  }
0xb5: {  	_ =	strace $0x9000004E  }
0xb6: {  	_ =	sfence  }
0xb7: {  	s30 =	sld [smem:$0x0];
	_ =	sdelay $0x2  }
0xb8: {  	s31 =	sshll.u32 s1, $0xD;
	s1 =	sshrl.u32 s1, $0x2  }
0xb9: {  	s3 =	sand.u32 $0x4000, s31;
	s1 =	sadd.s32 s1, s30  }
0xba: {  	s0 =	sor.u32 s3, s0;
	s1 =	sshll.u32 s1, $0x11  }
0xbb: {  	s0 =	sor.u32 s1, s0  }
0xbc: {  	s0 =	sadd.s32 $0x8F2B, s0  }
0xbd: {  	[sflag:s0] =	ssyncadd.remote.s32 $0x1  }
0xbe: {  	_ =	sfence.sel $0xFFFF  }
0xbf: {  	[dreg:$0x0] =	wrdreg $0xFFFFFFFF;
	(pc) =	sbr.abs _section_cstart, $3  }
0xc0: {  	[dreg:$0x1] =	wrdreg $0xFFFFFFFF  }
0xc1: {  	_ =	task.clear_ibuf [dreg:s6], $0x2FFFF;
	_ =	strace $0x9FFFFFFF  }
0xc2: {  	(tm) =	ssettm $0x7FFFFFFF  }
0xc3: {  	_ =	shalt  }
tec
execute0_lowered:
.L_overlay_start_1:
0x0: {  	(tag) =	ssettag $0x1  }
0x1: {  	s0 =	rddreg [dreg:$0x0]  }
0x2: {  	s1 =	rddreg [dreg:$0x1];
	s3 =	simm.s32 $0x0  }
0x3: {  	s2 =	srdreg.scid;
	s11 =	stileid.u32;
	s13 =	simm.s32 $0x5  }
0x4: {  	s14 =	simm.s32 $0x1400;
	s15 =	simm.s32 $0x40;
	s16 =	simm.s32 $0x2800  }
0x5: {  	s17 =	simm.s32 $0x80;
	s18 =	simm.s32 $0x4800;
	s19 =	simm.s32 $0x100  }
0x6: {  	s20 =	simm.s32 $0x6800;
	s21 =	simm.s32 $0x180;
	s28 =	simm.s32 $0x2600  }
0x7: {  	s29 =	simm.s32 $0x2680;
	s30 =	simm.s32 $0x2700;
	s31 =	simm.s32 $0x2780  }
0x8: {  	[smem:$0x7FF] =	sst s3;
	s2 =	sand.u32 $0x1, s2;
	s8 =	smul.u32 $0x14000, s11  }
0x9: {  	s4 =	sadd.s32 $0x2FC00, s0;
	s5 =	sadd.s32 $0xD0000, s0;
	s6 =	sadd.s32 $0x5400, s0  }
0xa: {  	s9 =	sadd.s32 $0x2D400, s0;
	s10 =	smul.u32 $0x50000, s11;
	s26 =	sshll.u32 s11, $0x6  }
0xb: {  	s7 =	smul.u32 $0x140000, s2;
	_ =	strace $0x8000004D;
	s22 =	ssub.s32 $0x2, s2  }
0xc: {  	[dreg:$0x3] =	wrdreg s9;
	s2 =	sshll.u32 s2, $0x4;
	s23 =	sshrl.u32 s22, $0x1  }
0xd: {  	s2 =	sor.u32 s11, s2;
	s25 =	sshrl.u32 s10, $0x2;
	s7 =	sadd.s32 s8, s7  }
0xe: {  	s24 =	ssub.s32 s22, s23;
	s12 =	sadd.s32 s25, s1;
	s8 =	sor.u32 $0x1C05, s26  }
0xf: {  	s9 =	smul.u32 $0xA000, s2;
	s22 =	simm.s32 $0x8800;
	s7 =	sshrl.u32 s7, $0x3  }
0x10: {  	s23 =	simm.s32 $0x1;
	s25 =	simm.s32 $0x3;
	s0 =	sadd.s32 s7, s0  }
0x11: {  	s26 =	simm.s32 $0x4;
	s11 =	smax.u32 s24, $0x1;
	s0 =	sadd.s32 $0xF8000, s0  }
0x12: {  	s12 =	sshrl.u32 s12, $0x3;
	s24 =	simm.s32 $0x2;
	[dreg:$0x4] =	wrdreg s0  }
.LBB2_1:
0x13: {  	s0 =	rddreg [dreg:$0x3]  }
0x14: {  	[spmem:s12], [sflag:s8] =	dma.local [hbm:s0], $0x2800  }
0x15: {  	_ =	swait.ge [sflag:s13], $0x2800  }
0x16: {  	[sflag:s13] =	ssyncset.done $0x0  }
0x17: {  	[sflag:s13] =	ssyncadd.s32 $0xFFFFD800  }
0x18: {  	s0 =	simm.s32 $0x0;
	[bflag:$0x0] =	sbarrier.arrive $0xFFFF  }
.LBB2_2:
0x19: {  	s2 =	smul.u32 $0x1400, s0;
	_ =	sdelay $0x1  }
0x1a: {  	s2 =	sadd.s32 s9, s2  }
0x1b: {  	s2 =	sshrl.u32 s2, $0x3  }
0x1c: {  	s10 =	simm.s32 $0x0;
	s7 =	sadd.s32 s5, s2  }
0x1d: {  	[tilespmem:s10], [sflag:$0x5] =	stream.linear.gather [hbm4b:s7+s10], $0x1400, $0x38;
	[tilespmem:$0x1E800] =	vst v63  }
0x1e: {  	_ =	swait.ge [sflag:s13], $0x1400  }
0x1f: {  	[sflag:s13] =	ssyncset.done $0x0  }
0x20: {  	s2 =	sadd.s32 s6, s2;
	[sflag:s13] =	ssyncadd.s32 $0xFFFFEC00  }
0x21: {  	[tilespmem:s14], [sflag:$0x5] =	stream.linear.gather [hbm4b:s2+s10], $0x1400, $0x38;
	[tilespmem:$0x1E800] =	vst v63  }
0x22: {  	_ =	swait.ge [sflag:s13], $0x1400  }
0x23: {  	[sflag:s13] =	ssyncset.done $0x0  }
0x24: {  	[sflag:s13] =	ssyncadd.s32 $0xFFFFEC00  }
0x25: {  	[tilespmem:s16], [sflag:$0x1] =	stream.indirect.gather [hbm4b:s4+s15], $0x80, s10, s15, $0xb8;
	[tilespmem:$0x1E800] =	vst v63  }
0x26: {  	_ = 	snop  }
0x27: {  	[tilespmem:s18], [sflag:$0x2] =	stream.indirect.gather [hbm4b:s4+s15], $0x80, s17, s15, $0xb8;
	[tilespmem:$0x1E800] =	vst v63  }
0x28: {  	_ = 	snop  }
0x29: {  	[tilespmem:s20], [sflag:$0x3] =	stream.indirect.gather [hbm4b:s4+s15], $0x80, s19, s15, $0xb8;
	[tilespmem:$0x1E800] =	vst v63  }
0x2a: {  	_ = 	snop  }
0x2b: {  	[tilespmem:s22], [sflag:$0x4] =	stream.indirect.gather [hbm4b:s4+s15], $0x80, s21, s15, $0xb8;
	[tilespmem:$0x1E800] =	vst v63  }
0x2c: {  	_ =	swait.ge [sflag:s23], $0x2000  }
0x2d: {  	[sflag:s23] =	ssyncset.done $0x0  }
0x2e: {  	s10 =	simm.s32 $0x1400;
	[sflag:s23] =	ssyncadd.s32 $0xFFFFE000  }
0x2f: {  	[spmem:s1] =	stream.indirect.scatter.add.f32 [tilespmem:s16], [sflag:$0x5], $0x80, s10, s15, $0xb8;
	[tilespmem:$0x1E800] =	vst v63  }
0x30: {  	_ =	swait.ge [sflag:s13], $0x2000  }
0x31: {  	[sflag:s13] =	ssyncset.done $0x0  }
0x32: {  	s7 =	simm.s32 $0x200;
	[sflag:s13] =	ssyncadd.s32 $0xFFFFE000  }
0x33: {  	[tilespmem:s16], [sflag:$0x1] =	stream.indirect.gather [hbm4b:s4+s15], $0x80, s7, s15, $0xb8;
	[tilespmem:$0x1E800] =	vst v63  }
0x34: {  	_ =	swait.ge [sflag:s24], $0x2000  }
0x35: {  	[sflag:s24] =	ssyncset.done $0x0  }
0x36: {  	s10 =	simm.s32 $0x1480;
	[sflag:s24] =	ssyncadd.s32 $0xFFFFE000  }
0x37: {  	[spmem:s1] =	stream.indirect.scatter.add.f32 [tilespmem:s18], [sflag:$0x5], $0x80, s10, s15, $0xb8;
	[tilespmem:$0x1E800] =	vst v63  }
0x38: {  	_ =	swait.ge [sflag:s13], $0x2000  }
0x39: {  	[sflag:s13] =	ssyncset.done $0x0  }
0x3a: {  	s7 =	simm.s32 $0x280;
	[sflag:s13] =	ssyncadd.s32 $0xFFFFE000  }
0x3b: {  	[tilespmem:s18], [sflag:$0x2] =	stream.indirect.gather [hbm4b:s4+s15], $0x80, s7, s15, $0xb8;
	[tilespmem:$0x1E800] =	vst v63  }
0x3c: {  	_ =	swait.ge [sflag:s25], $0x2000  }
0x3d: {  	[sflag:s25] =	ssyncset.done $0x0  }
0x3e: {  	s10 =	simm.s32 $0x1500;
	[sflag:s25] =	ssyncadd.s32 $0xFFFFE000  }
0x3f: {  	[spmem:s1] =	stream.indirect.scatter.add.f32 [tilespmem:s20], [sflag:$0x5], $0x80, s10, s15, $0xb8;
	[tilespmem:$0x1E800] =	vst v63  }
0x40: {  	_ =	swait.ge [sflag:s13], $0x2000  }
0x41: {  	[sflag:s13] =	ssyncset.done $0x0  }
0x42: {  	s7 =	simm.s32 $0x300;
	[sflag:s13] =	ssyncadd.s32 $0xFFFFE000  }
0x43: {  	[tilespmem:s20], [sflag:$0x3] =	stream.indirect.gather [hbm4b:s4+s15], $0x80, s7, s15, $0xb8;
	[tilespmem:$0x1E800] =	vst v63  }
0x44: {  	_ =	swait.ge [sflag:s26], $0x2000  }
0x45: {  	[sflag:s26] =	ssyncset.done $0x0  }
0x46: {  	s10 =	simm.s32 $0x1580;
	[sflag:s26] =	ssyncadd.s32 $0xFFFFE000  }
0x47: {  	[spmem:s1] =	stream.indirect.scatter.add.f32 [tilespmem:s22], [sflag:$0x5], $0x80, s10, s15, $0xb8;
	[tilespmem:$0x1E800] =	vst v63  }
0x48: {  	_ =	swait.ge [sflag:s13], $0x2000  }
0x49: {  	[sflag:s13] =	ssyncset.done $0x0  }
0x4a: {  	s2 =	simm.s32 $0x800;
	s7 =	simm.s32 $0x380;
	[sflag:s13] =	ssyncadd.s32 $0xFFFFE000  }
.LBB2_3:
0x4b: {  	[tilespmem:s22], [sflag:$0x4] =	stream.indirect.gather [hbm4b:s4+s15], $0x80, s7, s15, $0xb8;
	[tilespmem:$0x1E800] =	vst v63  }
0x4c: {  	s7 =	smov.u32 s2  }
0x4d: {  	p0 =	sne.s32 s2, $0x4000;
	s2 =	sadd.s32 $0x800, s2;
	_ =	swait.ge [sflag:s23], $0x2000  }
0x4e: {  	s7 =	sshra.s32 s7, $0x2;
	[sflag:s23] =	ssyncset.done $0x0  }
0x4f: {  	s10 =	sadd.s32 $0x1400, s7;
	[sflag:s23] =	ssyncadd.s32 $0xFFFFE000  }
0x50: {  	[spmem:s1] =	stream.indirect.scatter.add.f32 [tilespmem:s16], [sflag:$0x5], $0x80, s10, s15, $0xb8;
	[tilespmem:$0x1E800] =	vst v63  }
0x51: {  	_ =	swait.ge [sflag:s13], $0x2000  }
0x52: {  	[sflag:s13] =	ssyncset.done $0x0  }
0x53: {  	s10 =	sadd.s32 $0x200, s7;
	[sflag:s13] =	ssyncadd.s32 $0xFFFFE000  }
0x54: {  	[tilespmem:s16], [sflag:$0x1] =	stream.indirect.gather [hbm4b:s4+s15], $0x80, s10, s15, $0xb8;
	[tilespmem:$0x1E800] =	vst v63  }
0x55: {  	_ =	swait.ge [sflag:s24], $0x2000  }
0x56: {  	[sflag:s24] =	ssyncset.done $0x0  }
0x57: {  	s10 =	sadd.s32 $0x1480, s7;
	[sflag:s24] =	ssyncadd.s32 $0xFFFFE000  }
0x58: {  	[spmem:s1] =	stream.indirect.scatter.add.f32 [tilespmem:s18], [sflag:$0x5], $0x80, s10, s15, $0xb8;
	[tilespmem:$0x1E800] =	vst v63  }
0x59: {  	_ =	swait.ge [sflag:s13], $0x2000  }
0x5a: {  	[sflag:s13] =	ssyncset.done $0x0  }
0x5b: {  	s10 =	sadd.s32 $0x280, s7;
	[sflag:s13] =	ssyncadd.s32 $0xFFFFE000  }
0x5c: {  	[tilespmem:s18], [sflag:$0x2] =	stream.indirect.gather [hbm4b:s4+s15], $0x80, s10, s15, $0xb8;
	[tilespmem:$0x1E800] =	vst v63  }
0x5d: {  	_ =	swait.ge [sflag:s25], $0x2000  }
0x5e: {  	[sflag:s25] =	ssyncset.done $0x0  }
0x5f: {  	s10 =	sadd.s32 $0x1500, s7;
	[sflag:s25] =	ssyncadd.s32 $0xFFFFE000  }
0x60: {  	[spmem:s1] =	stream.indirect.scatter.add.f32 [tilespmem:s20], [sflag:$0x5], $0x80, s10, s15, $0xb8;
	[tilespmem:$0x1E800] =	vst v63  }
0x61: {  	_ =	swait.ge [sflag:s13], $0x2000  }
0x62: {  	[sflag:s13] =	ssyncset.done $0x0  }
0x63: {  	s10 =	sadd.s32 $0x300, s7;
	[sflag:s13] =	ssyncadd.s32 $0xFFFFE000  }
0x64: {  	[tilespmem:s20], [sflag:$0x3] =	stream.indirect.gather [hbm4b:s4+s15], $0x80, s10, s15, $0xb8;
	[tilespmem:$0x1E800] =	vst v63  }
0x65: {  	_ =	swait.ge [sflag:s26], $0x2000  }
0x66: {  	[sflag:s26] =	ssyncset.done $0x0  }
.Ltmp0:
0x67: {  	s10 =	sadd.s32 $0x1580, s7;
	[sflag:s26] =	ssyncadd.s32 $0xFFFFE000;
	(pc) =	sbr.rel @p0 .LBB2_3-.Ltmp0, $4  }
0x68: {  	[spmem:s1] =	stream.indirect.scatter.add.f32 [tilespmem:s22], [sflag:$0x5], $0x80, s10, s15, $0xb8;
	[tilespmem:$0x1E800] =	vst v63  }
0x69: {  	_ =	swait.ge [sflag:s13], $0x2000  }
0x6a: {  	[sflag:s13] =	ssyncset.done $0x0  }
0x6b: {  	s7 =	sadd.s32 $0x380, s7;
	[sflag:s13] =	ssyncadd.s32 $0xFFFFE000  }
0x6c: {  	[tilespmem:s22], [sflag:$0x4] =	stream.indirect.gather [hbm4b:s4+s15], $0x80, s7, s15, $0xb8;
	[tilespmem:$0x1E800] =	vst v63  }
0x6d: {  	_ =	swait.ge [sflag:s23], $0x2000  }
0x6e: {  	[sflag:s23] =	ssyncset.done $0x0  }
0x6f: {  	[sflag:s23] =	ssyncadd.s32 $0xFFFFE000  }
0x70: {  	[spmem:s1] =	stream.indirect.scatter.add.f32 [tilespmem:s16], [sflag:$0x5], $0x80, s28, s15, $0xb8;
	[tilespmem:$0x1E800] =	vst v63  }
0x71: {  	_ =	swait.ge [sflag:s13], $0x2000  }
0x72: {  	[sflag:s13] =	ssyncset.done $0x0  }
0x73: {  	[sflag:s13] =	ssyncadd.s32 $0xFFFFE000  }
0x74: {  	_ =	swait.ge [sflag:s24], $0x2000  }
0x75: {  	[sflag:s24] =	ssyncset.done $0x0  }
0x76: {  	[sflag:s24] =	ssyncadd.s32 $0xFFFFE000  }
0x77: {  	[spmem:s1] =	stream.indirect.scatter.add.f32 [tilespmem:s18], [sflag:$0x5], $0x80, s29, s15, $0xb8;
	[tilespmem:$0x1E800] =	vst v63  }
0x78: {  	_ =	swait.ge [sflag:s13], $0x2000  }
0x79: {  	[sflag:s13] =	ssyncset.done $0x0  }
0x7a: {  	[sflag:s13] =	ssyncadd.s32 $0xFFFFE000  }
0x7b: {  	_ =	swait.ge [sflag:s25], $0x2000  }
0x7c: {  	[sflag:s25] =	ssyncset.done $0x0  }
0x7d: {  	[sflag:s25] =	ssyncadd.s32 $0xFFFFE000  }
0x7e: {  	[spmem:s1] =	stream.indirect.scatter.add.f32 [tilespmem:s20], [sflag:$0x5], $0x80, s30, s15, $0xb8;
	[tilespmem:$0x1E800] =	vst v63  }
0x7f: {  	_ =	swait.ge [sflag:s13], $0x2000  }
0x80: {  	[sflag:s13] =	ssyncset.done $0x0  }
0x81: {  	[sflag:s13] =	ssyncadd.s32 $0xFFFFE000  }
0x82: {  	s0 =	sadd.s32 $0x1, s0;
	_ =	swait.ge [sflag:s26], $0x2000  }
0x83: {  	p0 =	sne.s32 s0, $0x8;
	[sflag:s26] =	ssyncset.done $0x0  }
.Ltmp1:
0x84: {  	[sflag:s26] =	ssyncadd.s32 $0xFFFFE000;
	(pc) =	sbr.rel @p0 .LBB2_2-.Ltmp1, $4  }
0x85: {  	[spmem:s1] =	stream.indirect.scatter.add.f32 [tilespmem:s22], [sflag:$0x5], $0x80, s31, s15, $0xb8;
	[tilespmem:$0x1E800] =	vst v63  }
0x86: {  	_ =	swait.ge [sflag:s13], $0x2000  }
0x87: {  	[sflag:s13] =	ssyncset.done $0x0  }
0x88: {  	[sflag:s13] =	ssyncadd.s32 $0xFFFFE000  }
0x89: {  	s3 =	sadd.s32 $0x1, s3  }
0x8a: {  	[bflag:$0x0] =	sbarrier.arrive $0xFFFF;
	p0 =	sne.s32 s3, s11  }
.Ltmp2:
0x8b: {  	s0 =	rddreg [dreg:$0x4];
	(pc) =	sbr.rel @p0 .LBB2_1-.Ltmp2, $4  }
0x8c: {  	[hbm:s0], [sflag:s8] =	dma.local [spmem:s12], $0x2800  }
0x8d: {  	_ =	swait.ge [sflag:s13], $0x2800  }
0x8e: {  	[sflag:s13] =	ssyncset.done $0x0  }
0x8f: {  	[sflag:s13] =	ssyncadd.s32 $0xFFFFD800  }
0x90: {  	_ =	sfence.sel $0x180000  }
0x91: {  	[bflag:$0x0] =	sbarrier.arrive $0xFFFF  }
0x92: {  	_ =	strace $0x9000004D  }
0x93: {  	s0 =	stileid.u32;
	[bflag:$0x2] =	sbarrier.arrive $0xFFFF  }
0x94: {  	p0 =	sne.s32 s0, $0x0;
	s0 =	rddreg [dreg:$0x2]  }
0x95: {  	s0 =	sadd.s32 @!p0 $0x100000, s0  }
0x96: {  	[sflag:s0] =	ssyncadd.tile.s32 @!p0 $0x1;
	_ =	shalt  }
.Lfunc_end2:
_tile_overlayer_lowered:
.L_overlay_start_2:
0x97: {  	(tag) =	ssettag $0x2  }
0x98: {  	s0 =	rddreg [dreg:$0x0];
	s2 =	stileid.u32  }
0x99: {  	s1 =	rddreg [dreg:$0x1];
	p0 =	sne.s32 s2, $0x0  }
0x9a: {  	s3 =	rddreg [dreg:$0x2];
	[bflag:$0x3] =	sbarrier.arrive $0xFFFF;
	s2 =	simm.s32 @!p0 $0x1C05  }
0x9b: {  	[timem:s3], [sflag:s2] =	dma.local @!p0 [hbm:s0], s1  }
0x9c: {  	s0 =	simm.s32 @!p0 $0x5  }
0x9d: {  	_ =	swait.ge @!p0 [sflag:s0], s1  }
0x9e: {  	s1 =	ssub.s32 @!p0 $0x0, s1;
	[sflag:s0] =	ssyncset.done @!p0 $0x0  }
0x9f: {  	[sflag:s0] =	ssyncadd.s32 @!p0 s1  }
0xa0: {  	[bflag:$0x3] =	sbarrier.arrive $0xFFFF  }
0xa1: {  	_ =	shalt  }

// kernel: kernel.22.cloned.1.call-start
scs
__scs_entry_jumppad:
0x0: {  	(pc) =	sbr.rel $0x88, $3  }
0x1: {  	(tag) =	ssettag $0x0;
	lr =	simm.s32 $0x1  }
0x2: {  	[smem:$0x3F8B] =	sst lr;
	_ =	strace $0xD0000000  }
0x3: {  	_ = 	snop  }
0x4: {  	_ = 	snop  }
0x5: {  	_ = 	snop  }
0x6: {  	_ = 	snop  }
0x7: {  	_ = 	snop  }
__scs_overlays_trampoline_lowered:
0x8: {  	[smem:$0x3F9A] =	sst s0  }
0x9: {  	[smem:$0x3F9B] =	sst s1  }
0xa: {  	[smem:$0x3F9C] =	sst s2  }
0xb: {  	[smem:$0x3F9D] =	sst s3  }
0xc: {  	[smem:$0x3F9E] =	sst s4  }
0xd: {  	[smem:$0x3F9F] =	sst s5  }
0xe: {  	[smem:$0x3FA0] =	sst s6  }
0xf: {  	[smem:$0x3FA1] =	sst s7  }
0x10: {  	[smem:$0x3FA2] =	sst s8  }
0x11: {  	[smem:$0x3FA3] =	sst s9;
	s0 =	simm.s32 @!p0 $0x0  }
0x12: {  	s1 =	sld [smem:$0x3F89];
	s0 =	simm.s32 @p0 $0x1  }
0x13: {  	[smem:$0x3FA4] =	sst s0;
	s0 =	simm.s32 @!p1 $0x0  }
0x14: {  	s2 =	sld [smem:$0x3F88];
	s0 =	simm.s32 @p1 $0x1  }
0x15: {  	[smem:$0x3FA5] =	sst s0;
	s0 =	simm.s32 @!p2 $0x0  }
0x16: {  	s3 =	sld [smem:$0x3FDB];
	s0 =	simm.s32 @p2 $0x1  }
0x17: {  	s4 =	simm.s32 $0x1BF5;
	[smem:$0x3FA7] =	sst s0  }
0x18: {  	s0 =	sld [smem:$0x3F8A];
	_ =	swait.ge [sflag:s4], $0x0  }
0x19: {  	s7 =	sld [smem:$0x3F8B]  }
0x1a: {  	s8 =	sadd.s32 $0xFFFFE003, lr  }
0x1b: {  	s9 =	sadd.s32 $0xFFFFFEF7, lr;
	s5 =	simm.s32 $0xFFFFFFFF;
	p2 =	slt.u32 s8, $0xFFFFF086  }
0x1c: {  	p1 =	slt.u32 s9, $0xF7A;
	s5 =	simm.s32 @!p2 $0x0  }
0x1d: {  	s5 =	simm.s32 @p1 $0x1;
	p0 =	seq.s32 s7, s2  }
0x1e: {  	s7 =	smul.u32 @!p0 $0xF7A, s2;
	p2 =	seq.s32 @!p0 s5, $0x0  }
0x1f: {  	s9 =	smul.u32 $0xF7A, s1;
	s8 =	simm.s32 @!p0 $0x1BF5;
	p2 =	por !p2, p0  }
0x20: {  	[sflag:s8] =	ssyncset.s32 @!p0 $0xFFFFF086;
	s6 =	sadd.s32 @!p0 s3, s7;
	s7 =	simm.s32 @!p0 $0x108  }
0x21: {  	s3 =	sadd.s32 s3, s9;
	s6 =	sadd.s32 @!p0 $0x88, s6;
	s7 =	simm.s32 @p2 $0x1082  }
0x22: {  	[simem:s7], [sflag:s8] =	dma.local @!p0 [hbm:s6], $0xF7A  }
0x23: {  	s9 =	sor.u32 $0xD0000000, s2;
	s6 =	simm.s32 $0x108;
	_ =	swait.ge @!p0 [sflag:s8], $0x0  }
0x24: {  	s3 =	sadd.s32 $0x88, s3;
	s6 =	simm.s32 @!p1 $0x1082;
	[sflag:s4] =	ssyncset.s32 $0xFFFFF086  }
0x25: {  	[simem:s6], [sflag:s4] =	dma.local [hbm:s3], $0xF7A  }
0x26: {  	[smem:$0x3F8B] =	sst s1;
	(tag) =	ssettag s2;
	_ =	strace s9  }
0x27: {  	s1 =	sld [smem:$0x3F9B]  }
0x28: {  	s2 =	sld [smem:$0x3F9C]  }
0x29: {  	s4 =	sld [smem:$0x3F9E]  }
0x2a: {  	p0 =	seq.s32 s5, $0x0;
	s5 =	sld [smem:$0x3F9F]  }
0x2b: {  	s6 =	sld [smem:$0x3FA0]  }
0x2c: {  	s7 =	sld [smem:$0x3FA1]  }
0x2d: {  	s3 =	simm.s32 $0x108;
	s8 =	sld [smem:$0x3FA2]  }
0x2e: {  	s3 =	simm.s32 @!p0 $0x1082;
	s9 =	sld [smem:$0x3FA3]  }
0x2f: {  	lr =	sadd.s32 s0, s3;
	s0 =	sld [smem:$0x3F9A]  }
0x30: {  	s3 =	sld [smem:$0x3F9D]  }
0x31: {  	[smem:$0x3FA6] =	sst s10  }
0x32: {  	s10 =	sld [smem:$0x3FA4];
	_ =	sdelay $0x3  }
0x33: {  	p0 =	seq.s32 s10, $0x1;
	s10 =	sld [smem:$0x3FA6];
	_ =	sdelay $0x3  }
0x34: {  	[smem:$0x3FA6] =	sst s10  }
0x35: {  	s10 =	sld [smem:$0x3FA5];
	_ =	sdelay $0x3  }
0x36: {  	p1 =	seq.s32 s10, $0x1;
	s10 =	sld [smem:$0x3FA6];
	_ =	sdelay $0x3  }
0x37: {  	[smem:$0x3FA6] =	sst s10  }
0x38: {  	s10 =	sld [smem:$0x3FA7]  }
0x39: {  	_ = 	snop;
	(pc) =	sbr.ind lr, $3  }
0x3a: {  	_ = 	snop  }
0x3b: {  	_ = 	snop  }
0x3c: {  	p2 =	seq.s32 s10, $0x1;
	s10 =	sld [smem:$0x3FA6]  }
0x3d: {  	_ =	shalt  }
0x3e: {  	_ =	shalt  }
0x3f: {  	_ =	shalt  }
0x40: {  	_ =	shalt  }
0x41: {  	_ =	shalt  }
0x42: {  	_ =	shalt  }
0x43: {  	_ =	shalt  }
0x44: {  	_ =	shalt  }
0x45: {  	_ =	shalt  }
0x46: {  	_ =	shalt  }
0x47: {  	_ =	shalt  }
0x48: {  	_ =	shalt  }
0x49: {  	_ =	shalt  }
0x4a: {  	_ =	shalt  }
0x4b: {  	_ =	shalt  }
0x4c: {  	_ =	shalt  }
0x4d: {  	_ =	shalt  }
0x4e: {  	_ =	shalt  }
0x4f: {  	_ =	shalt  }
0x50: {  	_ =	shalt  }
0x51: {  	_ =	shalt  }
0x52: {  	_ =	shalt  }
0x53: {  	_ =	shalt  }
0x54: {  	_ =	shalt  }
0x55: {  	_ =	shalt  }
0x56: {  	_ =	shalt  }
0x57: {  	_ =	shalt  }
0x58: {  	_ =	shalt  }
0x59: {  	_ =	shalt  }
0x5a: {  	_ =	shalt  }
0x5b: {  	_ =	shalt  }
0x5c: {  	_ =	shalt  }
0x5d: {  	_ =	shalt  }
0x5e: {  	_ =	shalt  }
0x5f: {  	_ =	shalt  }
0x60: {  	_ =	shalt  }
0x61: {  	_ =	shalt  }
0x62: {  	_ =	shalt  }
0x63: {  	_ =	shalt  }
0x64: {  	_ =	shalt  }
0x65: {  	_ =	shalt  }
0x66: {  	_ =	shalt  }
0x67: {  	_ =	shalt  }
0x68: {  	_ =	shalt  }
0x69: {  	_ =	shalt  }
0x6a: {  	_ =	shalt  }
0x6b: {  	_ =	shalt  }
0x6c: {  	_ =	shalt  }
0x6d: {  	_ =	shalt  }
0x6e: {  	_ =	shalt  }
0x6f: {  	_ =	shalt  }
0x70: {  	_ =	shalt  }
0x71: {  	_ =	shalt  }
0x72: {  	_ =	shalt  }
0x73: {  	_ =	shalt  }
0x74: {  	_ =	shalt  }
0x75: {  	_ =	shalt  }
0x76: {  	_ =	shalt  }
0x77: {  	_ =	shalt  }
0x78: {  	_ =	shalt  }
0x79: {  	_ =	shalt  }
0x7a: {  	_ =	shalt  }
0x7b: {  	_ =	shalt  }
0x7c: {  	_ =	shalt  }
0x7d: {  	_ =	shalt  }
0x7e: {  	_ =	shalt  }
0x7f: {  	_ =	shalt  }
0x80: {  	_ =	shalt  }
0x81: {  	_ =	shalt  }
0x82: {  	_ =	shalt  }
0x83: {  	_ =	shalt  }
0x84: {  	_ =	shalt  }
0x85: {  	_ =	shalt  }
0x86: {  	_ =	shalt  }
0x87: {  	_ =	shalt  }
.Lfunc_end0:
.L_simem_size_0:
called_computation.3_lowered:
.L_overlay_start_0:
0x88: {  	s2 =	sld [smem:$0x3FD9]  }
0x89: {  	s3 =	sld [smem:$0x3FFE];
	_ =	sdelay $0x1  }
0x8a: {  	s1 =	srdreg.scid  }
0x8b: {  	s0 =	sand.u32 $0x1, s1  }
0x8c: {  	s16 =	sshll.u32 s0, $0xA;
	s2 =	sadd.s32 s3, s2  }
0x8d: {  	s2 =	sadd.s32 s2, s16  }
0x8e: {  	[smem:$0x3FB2] =	sst s2  }
0x8f: {  	_ = 	snop  }
0x90: {  	(tm) =	ssettm $0x1  }
0x91: {  	s17 =	sld [smem:$0x3FFB];
	_ =	sdelay $0x3  }
0x92: {  	_ =	strace s17  }
0x93: {  	s2 =	sld [smem:$0x3FFC];
	_ =	sdelay $0x3  }
0x94: {  	_ =	strace s2  }
0x95: {  	s2 =	sld [smem:$0x3FFD];
	_ =	sdelay $0x3  }
0x96: {  	_ =	strace s2  }
0x97: {  	_ =	strace $0x8FFFFFFF  }
0x98: {  	s18 =	sld [smem:$0x3FDB];
	_ =	sdelay $0x1  }
0x99: {  	s19 =	simm.s32 $_scs_section_size  }
0x9a: {  	s4 =	simm.s32 $_size__tile_overlayer_lowered;
	s5 =	simm.s32 $_tile_overlayer_lowered  }
0x9b: {  	s22 =	simm.s32 $0x1BFF;
	s21 =	sshll.u32 s5, $0x1;
	s2 =	sadd.s32 s19, s18  }
0x9c: {  	s6 =	simm.s32 $0x0;
	s20 =	sshll.u32 s4, $0x1;
	s4 =	sadd.s32 s21, s2  }
0x9d: {  	[timem:s6], [sflag:s22] =	dma.local [hbm:s4], s20  }
0x9e: {  	_ =	swait.ge [sflag:s22], s20  }
0x9f: {  	s3 =	ssub.s32 $0x0, s20;
	[sflag:s22] =	ssyncset.done $0x0  }
0xa0: {  	[sflag:s22] =	ssyncadd.s32 s3;
	_ =	sdelay $0x1  }
0xa1: {  	s23 =	simm.s32 $0x1B8B  }
0xa2: {  	_ =	swait.ge [sflag:s23], $0x1  }
0xa3: {  	[sflag:s23] =	ssyncset.done $0x0  }
0xa4: {  	s25 =	simm.s32 $0x1B8E;
	s24 =	sld [smem:$0x3FFE];
	[sflag:s23] =	ssyncadd.s32 $0xFFFFFFFF  }
0xa5: {  	s26 =	simm.s32 $execute0_lowered;
	[smem:$0x3FD2] =	sst s25  }
0xa6: {  	s4 =	sshll.u32 s26, $0x1;
	_ =	strace $0x8000004F;
	[dreg:$0x1] =	wrdreg $0xFFFFFFFF  }
0xa7: {  	s28 =	simm.s32 $_size_execute0_lowered;
	s2 =	sadd.s32 s2, s4;
	[dreg:$0x0] =	wrdreg $0x0  }
0xa8: {  	s4 =	sshll.u32 s28, $0x1;
	[dreg:$0x2] =	wrdreg s2  }
0xa9: {  	[dreg:$0x3] =	wrdreg s4  }
0xaa: {  	[dreg:$0x4] =	wrdreg $0xC0  }
0xab: {  	_ =	task [dreg:s6], $0x5FFFF  }
0xac: {  	[dreg:$0x1] =	wrdreg $0xFFFFFFFF  }
0xad: {  	[dreg:$0x0] =	wrdreg $0x60  }
0xae: {  	[dreg:$0x2] =	wrdreg s24  }
0xaf: {  	[dreg:$0x3] =	wrdreg $0xA8000  }
0xb0: {  	[dreg:$0x4] =	wrdreg $0x9  }
0xb1: {  	_ =	task.clear_ibuf [dreg:s6], $0x5FFFF;
	_ =	strace $0x9000004F  }
0xb2: {  	s29 =	simm.s32 $0x9;
	_ =	strace $0x80000051  }
0xb3: {  	_ =	swait.ge [sflag:s29], $0x1  }
0xb4: {  	[sflag:s29] =	ssyncadd.s32 $0xFFFFFFFF  }
0xb5: {  	_ =	strace $0x90000051  }
0xb6: {  	_ =	sfence  }
0xb7: {  	s30 =	sld [smem:$0x0];
	_ =	sdelay $0x2  }
0xb8: {  	s31 =	sshll.u32 s1, $0xD;
	s1 =	sshrl.u32 s1, $0x2  }
0xb9: {  	s3 =	sand.u32 $0x4000, s31;
	s1 =	sadd.s32 s1, s30  }
0xba: {  	s0 =	sor.u32 s3, s0;
	s1 =	sshll.u32 s1, $0x11  }
0xbb: {  	s0 =	sor.u32 s1, s0  }
0xbc: {  	s0 =	sadd.s32 $0x8F2B, s0  }
0xbd: {  	[sflag:s0] =	ssyncadd.remote.s32 $0x1  }
0xbe: {  	_ =	sfence.sel $0xFFFF  }
0xbf: {  	[dreg:$0x0] =	wrdreg $0xFFFFFFFF;
	(pc) =	sbr.abs _section_cstart, $3  }
0xc0: {  	[dreg:$0x1] =	wrdreg $0xFFFFFFFF  }
0xc1: {  	_ =	task.clear_ibuf [dreg:s6], $0x2FFFF;
	_ =	strace $0x9FFFFFFF  }
0xc2: {  	(tm) =	ssettm $0x7FFFFFFF  }
0xc3: {  	_ =	shalt  }
tec
execute0_lowered:
.L_overlay_start_1:
0x0: {  	(tag) =	ssettag $0x1  }
0x1: {  	s0 =	rddreg [dreg:$0x0]  }
0x2: {  	s1 =	rddreg [dreg:$0x1];
	s3 =	simm.s32 $0x0  }
0x3: {  	s2 =	srdreg.scid;
	s11 =	stileid.u32;
	s13 =	simm.s32 $0x5  }
0x4: {  	s14 =	simm.s32 $0x1400;
	s15 =	simm.s32 $0x40;
	s16 =	simm.s32 $0x2800  }
0x5: {  	s17 =	simm.s32 $0x80;
	s18 =	simm.s32 $0x4800;
	s19 =	simm.s32 $0x100  }
0x6: {  	s20 =	simm.s32 $0x6800;
	s21 =	simm.s32 $0x180;
	s28 =	simm.s32 $0x2600  }
0x7: {  	s29 =	simm.s32 $0x2680;
	s30 =	simm.s32 $0x2700;
	s31 =	simm.s32 $0x2780  }
0x8: {  	[smem:$0x7FF] =	sst s3;
	s2 =	sand.u32 $0x1, s2;
	s8 =	smul.u32 $0x14000, s11  }
0x9: {  	s4 =	sadd.s32 $0x2FC00, s0;
	s5 =	sadd.s32 $0xD0000, s0;
	s6 =	sadd.s32 $0x5400, s0  }
0xa: {  	s9 =	sadd.s32 $0x2D400, s0;
	s10 =	smul.u32 $0x50000, s11;
	s26 =	sshll.u32 s11, $0x6  }
0xb: {  	s7 =	smul.u32 $0x140000, s2;
	_ =	strace $0x80000050;
	s22 =	ssub.s32 $0x2, s2  }
0xc: {  	[dreg:$0x3] =	wrdreg s9;
	s2 =	sshll.u32 s2, $0x4;
	s23 =	sshrl.u32 s22, $0x1  }
0xd: {  	s2 =	sor.u32 s11, s2;
	s25 =	sshrl.u32 s10, $0x2;
	s7 =	sadd.s32 s8, s7  }
0xe: {  	s24 =	ssub.s32 s22, s23;
	s12 =	sadd.s32 s25, s1;
	s8 =	sor.u32 $0x1C05, s26  }
0xf: {  	s9 =	smul.u32 $0xA000, s2;
	s22 =	simm.s32 $0x8800;
	s7 =	sshrl.u32 s7, $0x3  }
0x10: {  	s23 =	simm.s32 $0x1;
	s25 =	simm.s32 $0x3;
	s0 =	sadd.s32 s7, s0  }
0x11: {  	s26 =	simm.s32 $0x4;
	s11 =	smax.u32 s24, $0x1;
	s0 =	sadd.s32 $0xF8000, s0  }
0x12: {  	s12 =	sshrl.u32 s12, $0x3;
	s24 =	simm.s32 $0x2;
	[dreg:$0x4] =	wrdreg s0  }
.LBB2_1:
0x13: {  	s0 =	rddreg [dreg:$0x3]  }
0x14: {  	[spmem:s12], [sflag:s8] =	dma.local [hbm:s0], $0x2800  }
0x15: {  	_ =	swait.ge [sflag:s13], $0x2800  }
0x16: {  	[sflag:s13] =	ssyncset.done $0x0  }
0x17: {  	[sflag:s13] =	ssyncadd.s32 $0xFFFFD800  }
0x18: {  	s0 =	simm.s32 $0x0;
	[bflag:$0x0] =	sbarrier.arrive $0xFFFF  }
.LBB2_2:
0x19: {  	s2 =	smul.u32 $0x1400, s0;
	_ =	sdelay $0x1  }
0x1a: {  	s2 =	sadd.s32 s9, s2  }
0x1b: {  	s2 =	sshrl.u32 s2, $0x3  }
0x1c: {  	s10 =	simm.s32 $0x0;
	s7 =	sadd.s32 s5, s2  }
0x1d: {  	[tilespmem:s10], [sflag:$0x5] =	stream.linear.gather [hbm4b:s7+s10], $0x1400, $0x38;
	[tilespmem:$0x1E800] =	vst v63  }
0x1e: {  	_ =	swait.ge [sflag:s13], $0x1400  }
0x1f: {  	[sflag:s13] =	ssyncset.done $0x0  }
0x20: {  	s2 =	sadd.s32 s6, s2;
	[sflag:s13] =	ssyncadd.s32 $0xFFFFEC00  }
0x21: {  	[tilespmem:s14], [sflag:$0x5] =	stream.linear.gather [hbm4b:s2+s10], $0x1400, $0x38;
	[tilespmem:$0x1E800] =	vst v63  }
0x22: {  	_ =	swait.ge [sflag:s13], $0x1400  }
0x23: {  	[sflag:s13] =	ssyncset.done $0x0  }
0x24: {  	[sflag:s13] =	ssyncadd.s32 $0xFFFFEC00  }
0x25: {  	[tilespmem:s16], [sflag:$0x1] =	stream.indirect.gather [hbm4b:s4+s15], $0x80, s10, s15, $0xb8;
	[tilespmem:$0x1E800] =	vst v63  }
0x26: {  	_ = 	snop  }
0x27: {  	[tilespmem:s18], [sflag:$0x2] =	stream.indirect.gather [hbm4b:s4+s15], $0x80, s17, s15, $0xb8;
	[tilespmem:$0x1E800] =	vst v63  }
0x28: {  	_ = 	snop  }
0x29: {  	[tilespmem:s20], [sflag:$0x3] =	stream.indirect.gather [hbm4b:s4+s15], $0x80, s19, s15, $0xb8;
	[tilespmem:$0x1E800] =	vst v63  }
0x2a: {  	_ = 	snop  }
0x2b: {  	[tilespmem:s22], [sflag:$0x4] =	stream.indirect.gather [hbm4b:s4+s15], $0x80, s21, s15, $0xb8;
	[tilespmem:$0x1E800] =	vst v63  }
0x2c: {  	_ =	swait.ge [sflag:s23], $0x2000  }
0x2d: {  	[sflag:s23] =	ssyncset.done $0x0  }
0x2e: {  	s10 =	simm.s32 $0x1400;
	[sflag:s23] =	ssyncadd.s32 $0xFFFFE000  }
0x2f: {  	[spmem:s1] =	stream.indirect.scatter.add.f32 [tilespmem:s16], [sflag:$0x5], $0x80, s10, s15, $0xb8;
	[tilespmem:$0x1E800] =	vst v63  }
0x30: {  	_ =	swait.ge [sflag:s13], $0x2000  }
0x31: {  	[sflag:s13] =	ssyncset.done $0x0  }
0x32: {  	s7 =	simm.s32 $0x200;
	[sflag:s13] =	ssyncadd.s32 $0xFFFFE000  }
0x33: {  	[tilespmem:s16], [sflag:$0x1] =	stream.indirect.gather [hbm4b:s4+s15], $0x80, s7, s15, $0xb8;
	[tilespmem:$0x1E800] =	vst v63  }
0x34: {  	_ =	swait.ge [sflag:s24], $0x2000  }
0x35: {  	[sflag:s24] =	ssyncset.done $0x0  }
0x36: {  	s10 =	simm.s32 $0x1480;
	[sflag:s24] =	ssyncadd.s32 $0xFFFFE000  }
0x37: {  	[spmem:s1] =	stream.indirect.scatter.add.f32 [tilespmem:s18], [sflag:$0x5], $0x80, s10, s15, $0xb8;
	[tilespmem:$0x1E800] =	vst v63  }
0x38: {  	_ =	swait.ge [sflag:s13], $0x2000  }
0x39: {  	[sflag:s13] =	ssyncset.done $0x0  }
0x3a: {  	s7 =	simm.s32 $0x280;
	[sflag:s13] =	ssyncadd.s32 $0xFFFFE000  }
0x3b: {  	[tilespmem:s18], [sflag:$0x2] =	stream.indirect.gather [hbm4b:s4+s15], $0x80, s7, s15, $0xb8;
	[tilespmem:$0x1E800] =	vst v63  }
0x3c: {  	_ =	swait.ge [sflag:s25], $0x2000  }
0x3d: {  	[sflag:s25] =	ssyncset.done $0x0  }
0x3e: {  	s10 =	simm.s32 $0x1500;
	[sflag:s25] =	ssyncadd.s32 $0xFFFFE000  }
0x3f: {  	[spmem:s1] =	stream.indirect.scatter.add.f32 [tilespmem:s20], [sflag:$0x5], $0x80, s10, s15, $0xb8;
	[tilespmem:$0x1E800] =	vst v63  }
0x40: {  	_ =	swait.ge [sflag:s13], $0x2000  }
0x41: {  	[sflag:s13] =	ssyncset.done $0x0  }
0x42: {  	s7 =	simm.s32 $0x300;
	[sflag:s13] =	ssyncadd.s32 $0xFFFFE000  }
0x43: {  	[tilespmem:s20], [sflag:$0x3] =	stream.indirect.gather [hbm4b:s4+s15], $0x80, s7, s15, $0xb8;
	[tilespmem:$0x1E800] =	vst v63  }
0x44: {  	_ =	swait.ge [sflag:s26], $0x2000  }
0x45: {  	[sflag:s26] =	ssyncset.done $0x0  }
0x46: {  	s10 =	simm.s32 $0x1580;
	[sflag:s26] =	ssyncadd.s32 $0xFFFFE000  }
0x47: {  	[spmem:s1] =	stream.indirect.scatter.add.f32 [tilespmem:s22], [sflag:$0x5], $0x80, s10, s15, $0xb8;
	[tilespmem:$0x1E800] =	vst v63  }
0x48: {  	_ =	swait.ge [sflag:s13], $0x2000  }
0x49: {  	[sflag:s13] =	ssyncset.done $0x0  }
0x4a: {  	s2 =	simm.s32 $0x800;
	s7 =	simm.s32 $0x380;
	[sflag:s13] =	ssyncadd.s32 $0xFFFFE000  }
.LBB2_3:
0x4b: {  	[tilespmem:s22], [sflag:$0x4] =	stream.indirect.gather [hbm4b:s4+s15], $0x80, s7, s15, $0xb8;
	[tilespmem:$0x1E800] =	vst v63  }
0x4c: {  	s7 =	smov.u32 s2  }
0x4d: {  	p0 =	sne.s32 s2, $0x4000;
	s2 =	sadd.s32 $0x800, s2;
	_ =	swait.ge [sflag:s23], $0x2000  }
0x4e: {  	s7 =	sshra.s32 s7, $0x2;
	[sflag:s23] =	ssyncset.done $0x0  }
0x4f: {  	s10 =	sadd.s32 $0x1400, s7;
	[sflag:s23] =	ssyncadd.s32 $0xFFFFE000  }
0x50: {  	[spmem:s1] =	stream.indirect.scatter.add.f32 [tilespmem:s16], [sflag:$0x5], $0x80, s10, s15, $0xb8;
	[tilespmem:$0x1E800] =	vst v63  }
0x51: {  	_ =	swait.ge [sflag:s13], $0x2000  }
0x52: {  	[sflag:s13] =	ssyncset.done $0x0  }
0x53: {  	s10 =	sadd.s32 $0x200, s7;
	[sflag:s13] =	ssyncadd.s32 $0xFFFFE000  }
0x54: {  	[tilespmem:s16], [sflag:$0x1] =	stream.indirect.gather [hbm4b:s4+s15], $0x80, s10, s15, $0xb8;
	[tilespmem:$0x1E800] =	vst v63  }
0x55: {  	_ =	swait.ge [sflag:s24], $0x2000  }
0x56: {  	[sflag:s24] =	ssyncset.done $0x0  }
0x57: {  	s10 =	sadd.s32 $0x1480, s7;
	[sflag:s24] =	ssyncadd.s32 $0xFFFFE000  }
0x58: {  	[spmem:s1] =	stream.indirect.scatter.add.f32 [tilespmem:s18], [sflag:$0x5], $0x80, s10, s15, $0xb8;
	[tilespmem:$0x1E800] =	vst v63  }
0x59: {  	_ =	swait.ge [sflag:s13], $0x2000  }
0x5a: {  	[sflag:s13] =	ssyncset.done $0x0  }
0x5b: {  	s10 =	sadd.s32 $0x280, s7;
	[sflag:s13] =	ssyncadd.s32 $0xFFFFE000  }
0x5c: {  	[tilespmem:s18], [sflag:$0x2] =	stream.indirect.gather [hbm4b:s4+s15], $0x80, s10, s15, $0xb8;
	[tilespmem:$0x1E800] =	vst v63  }
0x5d: {  	_ =	swait.ge [sflag:s25], $0x2000  }
0x5e: {  	[sflag:s25] =	ssyncset.done $0x0  }
0x5f: {  	s10 =	sadd.s32 $0x1500, s7;
	[sflag:s25] =	ssyncadd.s32 $0xFFFFE000  }
0x60: {  	[spmem:s1] =	stream.indirect.scatter.add.f32 [tilespmem:s20], [sflag:$0x5], $0x80, s10, s15, $0xb8;
	[tilespmem:$0x1E800] =	vst v63  }
0x61: {  	_ =	swait.ge [sflag:s13], $0x2000  }
0x62: {  	[sflag:s13] =	ssyncset.done $0x0  }
0x63: {  	s10 =	sadd.s32 $0x300, s7;
	[sflag:s13] =	ssyncadd.s32 $0xFFFFE000  }
0x64: {  	[tilespmem:s20], [sflag:$0x3] =	stream.indirect.gather [hbm4b:s4+s15], $0x80, s10, s15, $0xb8;
	[tilespmem:$0x1E800] =	vst v63  }
0x65: {  	_ =	swait.ge [sflag:s26], $0x2000  }
0x66: {  	[sflag:s26] =	ssyncset.done $0x0  }
.Ltmp0:
0x67: {  	s10 =	sadd.s32 $0x1580, s7;
	[sflag:s26] =	ssyncadd.s32 $0xFFFFE000;
	(pc) =	sbr.rel @p0 .LBB2_3-.Ltmp0, $4  }
0x68: {  	[spmem:s1] =	stream.indirect.scatter.add.f32 [tilespmem:s22], [sflag:$0x5], $0x80, s10, s15, $0xb8;
	[tilespmem:$0x1E800] =	vst v63  }
0x69: {  	_ =	swait.ge [sflag:s13], $0x2000  }
0x6a: {  	[sflag:s13] =	ssyncset.done $0x0  }
0x6b: {  	s7 =	sadd.s32 $0x380, s7;
	[sflag:s13] =	ssyncadd.s32 $0xFFFFE000  }
0x6c: {  	[tilespmem:s22], [sflag:$0x4] =	stream.indirect.gather [hbm4b:s4+s15], $0x80, s7, s15, $0xb8;
	[tilespmem:$0x1E800] =	vst v63  }
0x6d: {  	_ =	swait.ge [sflag:s23], $0x2000  }
0x6e: {  	[sflag:s23] =	ssyncset.done $0x0  }
0x6f: {  	[sflag:s23] =	ssyncadd.s32 $0xFFFFE000  }
0x70: {  	[spmem:s1] =	stream.indirect.scatter.add.f32 [tilespmem:s16], [sflag:$0x5], $0x80, s28, s15, $0xb8;
	[tilespmem:$0x1E800] =	vst v63  }
0x71: {  	_ =	swait.ge [sflag:s13], $0x2000  }
0x72: {  	[sflag:s13] =	ssyncset.done $0x0  }
0x73: {  	[sflag:s13] =	ssyncadd.s32 $0xFFFFE000  }
0x74: {  	_ =	swait.ge [sflag:s24], $0x2000  }
0x75: {  	[sflag:s24] =	ssyncset.done $0x0  }
0x76: {  	[sflag:s24] =	ssyncadd.s32 $0xFFFFE000  }
0x77: {  	[spmem:s1] =	stream.indirect.scatter.add.f32 [tilespmem:s18], [sflag:$0x5], $0x80, s29, s15, $0xb8;
	[tilespmem:$0x1E800] =	vst v63  }
0x78: {  	_ =	swait.ge [sflag:s13], $0x2000  }
0x79: {  	[sflag:s13] =	ssyncset.done $0x0  }
0x7a: {  	[sflag:s13] =	ssyncadd.s32 $0xFFFFE000  }
0x7b: {  	_ =	swait.ge [sflag:s25], $0x2000  }
0x7c: {  	[sflag:s25] =	ssyncset.done $0x0  }
0x7d: {  	[sflag:s25] =	ssyncadd.s32 $0xFFFFE000  }
0x7e: {  	[spmem:s1] =	stream.indirect.scatter.add.f32 [tilespmem:s20], [sflag:$0x5], $0x80, s30, s15, $0xb8;
	[tilespmem:$0x1E800] =	vst v63  }
0x7f: {  	_ =	swait.ge [sflag:s13], $0x2000  }
0x80: {  	[sflag:s13] =	ssyncset.done $0x0  }
0x81: {  	[sflag:s13] =	ssyncadd.s32 $0xFFFFE000  }
0x82: {  	s0 =	sadd.s32 $0x1, s0;
	_ =	swait.ge [sflag:s26], $0x2000  }
0x83: {  	p0 =	sne.s32 s0, $0x8;
	[sflag:s26] =	ssyncset.done $0x0  }
.Ltmp1:
0x84: {  	[sflag:s26] =	ssyncadd.s32 $0xFFFFE000;
	(pc) =	sbr.rel @p0 .LBB2_2-.Ltmp1, $4  }
0x85: {  	[spmem:s1] =	stream.indirect.scatter.add.f32 [tilespmem:s22], [sflag:$0x5], $0x80, s31, s15, $0xb8;
	[tilespmem:$0x1E800] =	vst v63  }
0x86: {  	_ =	swait.ge [sflag:s13], $0x2000  }
0x87: {  	[sflag:s13] =	ssyncset.done $0x0  }
0x88: {  	[sflag:s13] =	ssyncadd.s32 $0xFFFFE000  }
0x89: {  	s3 =	sadd.s32 $0x1, s3  }
0x8a: {  	[bflag:$0x0] =	sbarrier.arrive $0xFFFF;
	p0 =	sne.s32 s3, s11  }
.Ltmp2:
0x8b: {  	s0 =	rddreg [dreg:$0x4];
	(pc) =	sbr.rel @p0 .LBB2_1-.Ltmp2, $4  }
0x8c: {  	[hbm:s0], [sflag:s8] =	dma.local [spmem:s12], $0x2800  }
0x8d: {  	_ =	swait.ge [sflag:s13], $0x2800  }
0x8e: {  	[sflag:s13] =	ssyncset.done $0x0  }
0x8f: {  	[sflag:s13] =	ssyncadd.s32 $0xFFFFD800  }
0x90: {  	_ =	sfence.sel $0x180000  }
0x91: {  	[bflag:$0x0] =	sbarrier.arrive $0xFFFF  }
0x92: {  	_ =	strace $0x90000050  }
0x93: {  	s0 =	stileid.u32;
	[bflag:$0x2] =	sbarrier.arrive $0xFFFF  }
0x94: {  	p0 =	sne.s32 s0, $0x0;
	s0 =	rddreg [dreg:$0x2]  }
0x95: {  	s0 =	sadd.s32 @!p0 $0x100000, s0  }
0x96: {  	[sflag:s0] =	ssyncadd.tile.s32 @!p0 $0x1;
	_ =	shalt  }
.Lfunc_end2:
_tile_overlayer_lowered:
.L_overlay_start_2:
0x97: {  	(tag) =	ssettag $0x2  }
0x98: {  	s0 =	rddreg [dreg:$0x0];
	s2 =	stileid.u32  }
0x99: {  	s1 =	rddreg [dreg:$0x1];
	p0 =	sne.s32 s2, $0x0  }
0x9a: {  	s3 =	rddreg [dreg:$0x2];
	[bflag:$0x3] =	sbarrier.arrive $0xFFFF;
	s2 =	simm.s32 @!p0 $0x1C05  }
0x9b: {  	[timem:s3], [sflag:s2] =	dma.local @!p0 [hbm:s0], s1  }
0x9c: {  	s0 =	simm.s32 @!p0 $0x5  }
0x9d: {  	_ =	swait.ge @!p0 [sflag:s0], s1  }
0x9e: {  	s1 =	ssub.s32 @!p0 $0x0, s1;
	[sflag:s0] =	ssyncset.done @!p0 $0x0  }
0x9f: {  	[sflag:s0] =	ssyncadd.s32 @!p0 s1  }
0xa0: {  	[bflag:$0x3] =	sbarrier.arrive $0xFFFF  }
0xa1: {  	_ =	shalt  }

</sc_bundles>
